<compile_context>
chip_gen: v7x
topology: tpu7x:2x2x1
jax: 0.10.2.dev20260603
libtpu: 0.0.44.dev20260713+nightly
codegen_flags: <defaults>
</compile_context>

<pallas_src>
import functools

import jax
import jax.numpy as jnp
import numpy as np
from jax import lax
from jax.experimental import pallas as pl
from jax.experimental.pallas import tpu as pltpu
from jax.experimental.pallas import tpu_sc as plsc

N = 10000
E = 160000
HID = 128
HEADS = 16
HD = HID // HEADS
EDGE_DIM = 4
NUM_G = 20
EFD = EDGE_DIM * NUM_G

EB = 2000
NB = 2000
GE = E // EB
GN = N // NB

NC = 2
NS = 16
NW = NC * NS
CH = 128
NCH = E // CH
CPW = (NCH + NW - 1) // NW
NP2 = 10240
NPT = NP2 // NS

_OFF_NP = np.linspace(0.0, 10.0, NUM_G).astype(np.float32)
_COEFF = -0.5 / float(10.0 / (NUM_G - 1)) ** 2
_INV_SQRT_HD = 1.0 / float(np.sqrt(HD))

_SEL_NP = np.zeros((HID, HEADS), np.float32)
for _h in range(HEADS):
    _SEL_NP[_h * HD:(_h + 1) * HD, _h] = 1.0
_EXP_NP = _SEL_NP.T.copy()
_A4_NP = np.zeros((EDGE_DIM, EFD), np.float32)
for _i in range(EDGE_DIM):
    _A4_NP[_i, _i * NUM_G:(_i + 1) * NUM_G] = 1.0
_B20_NP = np.zeros((NUM_G, EFD), np.float32)
for _i in range(EDGE_DIM):
    for _j in range(NUM_G):
        _B20_NP[_j, _i * NUM_G + _j] = 1.0
_R16_NP = np.zeros((16, HID), np.float32)
for _h in range(HEADS):
    for _c in range(HD):
        _R16_NP[_c, _h * HD + _c] = 1.0
_C16_NP = np.zeros((HID, 16), np.float32)
for _h in range(HEADS):
    for _c in range(3):
        _C16_NP[_h * HD + _c, _c] = 1.0

_pc = pl.pallas_call
_pk = pl.kernel


def _mesh():
    return plsc.VectorSubcoreMesh(core_axis_name="c", subcore_axis_name="s",
                                  num_cores=NC, num_subcores=NS)


def _worker_id():
    return lax.axis_index("s") * NC + lax.axis_index("c")




def _sc_gather(pairs):
    n_t = len(pairs)
    dims = [int(t.shape[1]) for t, _ in pairs]
    out_type = [jax.ShapeDtypeStruct((E, d), jnp.float32) for d in dims]
    scratch = ([pltpu.VMEM((CH, d), jnp.float32) for d in dims]
               + [pltpu.VMEM((CH,), jnp.int32) for _ in range(n_t)]
               + [pltpu.SemaphoreType.DMA])

    @functools.partial(_pk, out_type=out_type, mesh=_mesh(), scratch_types=scratch)
    def body(*refs):
        tabs = refs[:n_t]
        idxs = refs[n_t:2 * n_t]
        outs = refs[2 * n_t:3 * n_t]
        bufs = refs[3 * n_t:4 * n_t]
        ibufs = refs[4 * n_t:5 * n_t]
        sem = refs[5 * n_t]
        wid = _worker_id()

        def chunk(j, carry):
            c = j * NW + wid

            @pl.when(c < NCH)
            def _():
                for t in range(n_t):
                    pltpu.sync_copy(idxs[t].at[c], ibufs[t])
                    pltpu.async_copy(tabs[t].at[ibufs[t]], bufs[t], sem).wait()
                    pltpu.sync_copy(bufs[t], outs[t].at[pl.ds(c * CH, CH)])
            return carry

        lax.fori_loop(0, CPW, chunk, 0)

    tables = [t for t, _ in pairs]
    idx2ds = [i for _, i in pairs]
    return body(*tables, *idx2ds)




def _sc_scatter_add(values, idx2d, zeros_stripe):
    d = int(values.shape[1])
    out_type = jax.ShapeDtypeStruct((NC, NP2, d), jnp.float32)
    scratch = [pltpu.VMEM((CH, d), jnp.float32),
               pltpu.VMEM((CH,), jnp.int32),
               pltpu.VMEM_SHARED((NP2, d), jnp.float32),
               pltpu.SemaphoreType.DMA]

    @functools.partial(_pk, out_type=out_type, mesh=_mesh(), scratch_types=scratch)
    def body(val_ref, idx_ref, z_ref, out_ref, buf, ibuf, shared, sem):
        cid = lax.axis_index("c")
        sid = lax.axis_index("s")
        wid = _worker_id()
        pltpu.sync_copy(z_ref, shared.at[pl.ds(sid * NPT, NPT)])
        plsc.subcore_barrier()

        def chunk(j, carry):
            c = j * NW + wid

            @pl.when(c < NCH)
            def _():
                pltpu.sync_copy(idx_ref.at[c], ibuf)
                pltpu.sync_copy(val_ref.at[pl.ds(c * CH, CH)], buf)
                pltpu.sync_copy(buf, shared.at[ibuf], add=True)
            return carry

        lax.fori_loop(0, CPW, chunk, 0)
        plsc.subcore_barrier()
        pltpu.sync_copy(shared.at[pl.ds(sid * NPT, NPT)],
                        out_ref.at[cid, pl.ds(sid * NPT, NPT)])

    return body(values, idx2d, zeros_stripe)




def _full(shape):
    return pl.BlockSpec(shape, lambda i: tuple(0 for _ in shape))


def _rows(bs, d):
    return pl.BlockSpec((bs, d), lambda i: (i, 0))


def _ln(hh, g, be):
    mu = jnp.mean(hh, axis=1, keepdims=True)
    var = jnp.mean((hh - mu) ** 2, axis=1, keepdims=True)
    return (hh - mu) / jnp.sqrt(var + 1e-5) * g + be


def _t0_tables(h, xp, wqkv):

    def body(h_ref, xp_ref, w_ref, s_ref, d_ref):
        hw = jnp.dot(h_ref[...], w_ref[...], preferred_element_type=jnp.float32)
        z = jnp.zeros((NB, HID - 16), jnp.float32)
        s_ref[...] = jnp.concatenate(
            [hw[:, HID:2 * HID], hw[:, 2 * HID:], xp_ref[...], z], axis=1)
        d_ref[...] = jnp.concatenate([hw[:, :HID], xp_ref[...], z], axis=1)

    return _pc(body, grid=(GN,),
               in_specs=[_rows(NB, HID), _rows(NB, 16), _full((HID, 3 * HID))],
               out_specs=[_rows(NB, 384), _rows(NB, 256)],
               out_shape=[jax.ShapeDtypeStruct((N, 384), jnp.float32),
                          jax.ShapeDtypeStruct((N, 256), jnp.float32)],
               )(h, xp, wqkv)


def _t1_edge1(sg, dg, ea, we0, we1, a4, b20, sel, offs):
    def body(sg_ref, dg_ref, ea_ref, we0_ref, we1_ref,
             a4_ref, b20_ref, sel_ref, off_ref,
             lg_ref, m0_ref, ef_ref, rel_ref, bm_ref):
        sgb = sg_ref[...]
        dgb = dg_ref[...]
        ks = sgb[:, :HID]
        vs = sgb[:, HID:2 * HID]
        xs = sgb[:, 2 * HID:2 * HID + 16]
        qd = dgb[:, :HID]
        xd = dgb[:, HID:HID + 16]
        rel = xd - xs
        dist = jnp.sqrt(jnp.sum(rel * rel, axis=1, keepdims=True))
        dd = dist - off_ref[...]
        gf = jnp.exp(_COEFF * dd * dd)
        ef = (jnp.dot(ea_ref[...], a4_ref[...], preferred_element_type=jnp.float32)
              * jnp.dot(gf, b20_ref[...], preferred_element_type=jnp.float32))
        ea0 = jnp.tanh(jnp.dot(ef, we0_ref[...], preferred_element_type=jnp.float32))
        t = qd * ks * ea0
        lg = jnp.dot(t, sel_ref[...], preferred_element_type=jnp.float32) * _INV_SQRT_HD
        m0 = vs * jnp.tanh(
            jnp.dot(ef, we1_ref[...], preferred_element_type=jnp.float32))
        lg_ref[...] = lg
        m0_ref[...] = m0
        ef_ref[...] = ef
        rel_ref[...] = rel

        @pl.when(pl.program_id(0) == 0)
        def _():
            bm_ref[...] = jnp.full_like(bm_ref, -1e30)

        bm_ref[...] = jnp.maximum(bm_ref[...], jnp.max(lg, axis=0, keepdims=True))

    return _pc(body, grid=(GE,),
               in_specs=[_rows(EB, 384), _rows(EB, 256), _rows(EB, EDGE_DIM),
                         _full((EFD, HID)), _full((EFD, HID)),
                         _full((EDGE_DIM, EFD)), _full((NUM_G, EFD)),
                         _full((HID, HEADS)), _full((1, NUM_G))],
               out_specs=[_rows(EB, HEADS), _rows(EB, HID), _rows(EB, EFD),
                          _rows(EB, 16), _full((1, HEADS))],
               out_shape=[jax.ShapeDtypeStruct((E, HEADS), jnp.float32),
                          jax.ShapeDtypeStruct((E, HID), jnp.float32),
                          jax.ShapeDtypeStruct((E, EFD), jnp.float32),
                          jax.ShapeDtypeStruct((E, 16), jnp.float32),
                          jax.ShapeDtypeStruct((1, HEADS), jnp.float32)],
               )(sg, dg, ea, we0, we1, a4, b20, sel, offs)


def _t_exp1(lg, gh, m0, expm):

    def body(lg_ref, gh_ref, m0_ref, e_ref, mu_ref, er_ref):
        ex = jnp.exp(jnp.maximum(lg_ref[...] - gh_ref[...], -80.0))
        exrep = jnp.dot(ex, e_ref[...], preferred_element_type=jnp.float32)
        mu_ref[...] = m0_ref[...] * exrep
        er_ref[...] = exrep

    return _pc(body, grid=(GE,),
               in_specs=[_rows(EB, HEADS), _full((1, HEADS)), _rows(EB, HID),
                         _full((HEADS, HID))],
               out_specs=[_rows(EB, HID), _rows(EB, HID)],
               out_shape=[jax.ShapeDtypeStruct((E, HID), jnp.float32),
                          jax.ShapeDtypeStruct((E, HID), jnp.float32)],
               )(lg, gh, m0, expm)


def _t3_node(am0, am1, ad0, ad1, h, po, pq):
    def body(am0_ref, am1_ref, ad0_ref, ad1_ref, h_ref,
             w1o, b1o, go, beo, w2o, b2o,
             w1q, b1q, gq, beq, w2q, b2q, nh_ref, dt_ref):
        agg = (am0_ref[...] + am1_ref[...]) / (ad0_ref[...] + ad1_ref[...] + 1e-16)
        cat = jnp.concatenate([agg, h_ref[...]], axis=1)
        h1 = _ln(jnp.dot(cat, w1o[...], preferred_element_type=jnp.float32)
                 + b1o[...], go[...], beo[...])
        nh = jnp.dot(jax.nn.relu(h1), w2o[...],
                     preferred_element_type=jnp.float32) + b2o[...]
        h2 = _ln(jnp.dot(nh, w1q[...], preferred_element_type=jnp.float32)
                 + b1q[...], gq[...], beq[...])
        qq = jnp.dot(jax.nn.relu(h2), w2q[...],
                     preferred_element_type=jnp.float32) + b2q[...]
        nh_ref[...] = nh
        dt_ref[...] = jnp.concatenate([nh, qq], axis=1)

    wargs = [po['W1'], po['b1'].reshape(1, -1), po['g'].reshape(1, -1),
             po['be'].reshape(1, -1), po['W2'], po['b2'].reshape(1, -1),
             pq['W1'], pq['b1'].reshape(1, -1), pq['g'].reshape(1, -1),
             pq['be'].reshape(1, -1), pq['W2'], pq['b2'].reshape(1, -1)]
    wspecs = [_full(tuple(int(s) for s in a.shape)) for a in wargs]
    return _pc(body, grid=(GN,),
               in_specs=[_rows(NB, HID)] * 5 + wspecs,
               out_specs=[_rows(NB, HID), _rows(NB, 256)],
               out_shape=[jax.ShapeDtypeStruct((N, HID), jnp.float32),
                          jax.ShapeDtypeStruct((N, 256), jnp.float32)],
               )(am0, am1, ad0, ad1, h, *wargs)


def _t4_edge2(ef, nhs, nqd, ew8, pk_, pv_, sel):
    def body(ef_ref, nhs_ref, nqd_ref, ew_ref,
             w1k, b1k, gk, bek, w2k, b2k, w1v, b1v, gv, bev, w2v, b2v,
             sel_ref, al_ref, vv_ref, bm_ref):
        nqb = nqd_ref[...]
        nhd = nqb[:, :HID]
        qqd = nqb[:, HID:]
        kv = jnp.concatenate([ef_ref[...], nhd, nhs_ref[...]], axis=1)
        h1k = _ln(jnp.dot(kv, w1k[...], preferred_element_type=jnp.float32)
                  + b1k[...], gk[...], bek[...])
        kk = jnp.dot(jax.nn.relu(h1k), w2k[...],
                     preferred_element_type=jnp.float32) + b2k[...]
        h1v = _ln(jnp.dot(kv, w1v[...], preferred_element_type=jnp.float32)
                  + b1v[...], gv[...], bev[...])
        vvs = (jnp.dot(jax.nn.relu(h1v), w2v[...],
                       preferred_element_type=jnp.float32) + b2v[...])
        vvs = vvs * ew_ref[...][:, 0:1]
        al = jnp.dot(qqd * kk, sel_ref[...],
                     preferred_element_type=jnp.float32) * _INV_SQRT_HD
        al_ref[...] = al
        vv_ref[...] = vvs

        @pl.when(pl.program_id(0) == 0)
        def _():
            bm_ref[...] = jnp.full_like(bm_ref, -1e30)

        bm_ref[...] = jnp.maximum(bm_ref[...], jnp.max(al, axis=0, keepdims=True))

    wargs = [pk_['W1'], pk_['b1'].reshape(1, -1), pk_['g'].reshape(1, -1),
             pk_['be'].reshape(1, -1), pk_['W2'], pk_['b2'].reshape(1, -1),
             pv_['W1'], pv_['b1'].reshape(1, -1), pv_['g'].reshape(1, -1),
             pv_['be'].reshape(1, -1), pv_['W2'], pv_['b2'].reshape(1, -1)]
    wspecs = [_full(tuple(int(s) for s in a.shape)) for a in wargs]
    return _pc(body, grid=(GE,),
               in_specs=[_rows(EB, EFD), _rows(EB, HID), _rows(EB, 256),
                         _rows(EB, 8)] + wspecs + [_full((HID, HEADS))],
               out_specs=[_rows(EB, HEADS), _rows(EB, HEADS), _full((1, HEADS))],
               out_shape=[jax.ShapeDtypeStruct((E, HEADS), jnp.float32),
                          jax.ShapeDtypeStruct((E, HEADS), jnp.float32),
                          jax.ShapeDtypeStruct((1, HEADS), jnp.float32)],
               )(ef, nhs, nqd, ew8, *wargs, sel)


def _t_exp2(al2, gh, vvs, rel16, expm, r16):

    def body(al_ref, gh_ref, vv_ref, rel_ref, e_ref, r_ref, val_ref, er_ref):
        ex2 = jnp.exp(jnp.maximum(al_ref[...] - gh_ref[...], -80.0))
        srep = jnp.dot(ex2 * vv_ref[...], e_ref[...],
                       preferred_element_type=jnp.float32)
        relrep = jnp.dot(rel_ref[...], r_ref[...],
                         preferred_element_type=jnp.float32)
        val_ref[...] = srep * relrep
        er_ref[...] = jnp.dot(ex2, e_ref[...], preferred_element_type=jnp.float32)

    return _pc(body, grid=(GE,),
               in_specs=[_rows(EB, HEADS), _full((1, HEADS)), _rows(EB, HEADS),
                         _rows(EB, 16), _full((HEADS, HID)), _full((16, HID))],
               out_specs=[_rows(EB, HID), _rows(EB, HID)],
               out_shape=[jax.ShapeDtypeStruct((E, HID), jnp.float32),
                          jax.ShapeDtypeStruct((E, HID), jnp.float32)],
               )(al2, gh, vvs, rel16, expm, r16)


def _t6_xnew(xp, dm0, dm1, de0, de1, maskf, c16):
    def body(x_ref, dm0_ref, dm1_ref, de0_ref, de1_ref, m_ref, c_ref, o_ref):
        q = (dm0_ref[...] + dm1_ref[...]) / (de0_ref[...] + de1_ref[...] + 1e-16)
        delta = jnp.dot(q, c_ref[...], preferred_element_type=jnp.float32) * (1.0 / HEADS)
        o_ref[...] = x_ref[...] + delta * m_ref[...]

    return _pc(body, grid=(GN,),
               in_specs=[_rows(NB, 16), _rows(NB, HID), _rows(NB, HID),
                         _rows(NB, HID), _rows(NB, HID), _rows(NB, 1),
                         _full((HID, 16))],
               out_specs=_rows(NB, 16),
               out_shape=jax.ShapeDtypeStruct((N, 16), jnp.float32))(
                   xp, dm0, dm1, de0, de1, maskf, c16)




def kernel(h, x, edge_attr, edge_index, mask_ligand, e_w, params):
    src2d = edge_index[0].reshape(NCH, CH)
    dst2d = edge_index[1].reshape(NCH, CH)
    xp = jnp.pad(x, ((0, 0), (0, 13)))
    maskf = mask_ligand.astype(jnp.float32).reshape(N, 1)
    ew8 = jnp.broadcast_to(e_w, (E, 8))

    a4 = jnp.asarray(_A4_NP)
    b20 = jnp.asarray(_B20_NP)
    sel = jnp.asarray(_SEL_NP)
    expm = jnp.asarray(_EXP_NP)
    r16 = jnp.asarray(_R16_NP)
    c16 = jnp.asarray(_C16_NP)
    offs = jnp.asarray(_OFF_NP).reshape(1, NUM_G)
    z128 = jnp.zeros((NPT, HID), jnp.float32)

    wqkv = jnp.concatenate([params['Wq'], params['Wk'], params['Wv']], axis=1)
    stab, dtab = _t0_tables(h, xp, wqkv)

    sg, dg = _sc_gather([(stab, src2d), (dtab, dst2d)])

    lg, m0, ef, rel16, bmax = _t1_edge1(
        sg, dg, edge_attr, params['We0'], params['We1'], a4, b20, sel, offs)

    msgu, exrep = _t_exp1(lg, bmax, m0, expm)
    aggp = _sc_scatter_add(msgu, dst2d, z128)
    denp = _sc_scatter_add(exrep, dst2d, z128)

    new_h, nqtab = _t3_node(aggp[0, :N], aggp[1, :N], denp[0, :N], denp[1, :N],
                            h, params['out_mlp'], params['xq'])

    nhs, nqd = _sc_gather([(new_h, src2d), (nqtab, dst2d)])

    al2, vvs, bmax2 = _t4_edge2(ef, nhs, nqd, ew8,
                                params['xk'], params['xv'], sel)
    val, ex2rep = _t_exp2(al2, bmax2, vvs, rel16, expm, r16)
    valp = _sc_scatter_add(val, dst2d, z128)
    den2p = _sc_scatter_add(ex2rep, dst2d, z128)
    xn16 = _t6_xnew(xp, valp[0, :N], valp[1, :N], den2p[0, :N], den2p[1, :N],
                    maskf, c16)

    return new_h, xn16[:, :3]

# --- scband reference (transcript-rebuilt; emitter-appended) ---
"""Pipeline reference for scband-attention-layer-o2-two-update-node-general-75831942578380 (READ-ONLY COPY).

The authoritative reference and input builder live on the scoring server;
editing this copy changes nothing except your own understanding.
"""

import jax, jax.numpy as jnp
import numpy as np

N = 10000
E = 160000
HID = 128
HEADS = 16
HD = HID // HEADS
EDGE_DIM = 4
NUM_G = 20
EF = EDGE_DIM * NUM_G

_offset = jnp.linspace(0.0, 10.0, NUM_G)
_coeff = -0.5 / float(10.0 / (NUM_G - 1)) ** 2


def _gauss(dist):
    d = dist[:, None] - _offset[None, :]
    return jnp.exp(_coeff * d ** 2)


def _mlp(p, x):
    h1 = x @ p['W1'] + p['b1']
    mu = h1.mean(-1, keepdims=True)
    var = ((h1 - mu) ** 2).mean(-1, keepdims=True)
    h1 = (h1 - mu) / jnp.sqrt(var + 1e-5) * p['g'] + p['be']
    h1 = jax.nn.relu(h1)
    return h1 @ p['W2'] + p['b2']


def _seg_softmax(logits, idx, n):
    mx = jax.ops.segment_max(logits, idx, num_segments=n)
    mx = jnp.where(jnp.isfinite(mx), mx, 0.0)
    ex = jnp.exp(logits - mx[idx])
    den = jax.ops.segment_sum(ex, idx, num_segments=n)
    return ex / (den[idx] + 1e-16)


def _forward(h, x, edge_attr, e_w, params, edge_index, mask_f):
    src = edge_index[0]
    dst = edge_index[1]
    n = h.shape[0]
    rel_x = x[dst] - x[src]
    dist = jnp.sqrt(jnp.sum(rel_x ** 2, axis=-1))
    dist_feat = _gauss(dist)
    # outer product of edge one-hot-ish features with gaussian distance features
    ef = (edge_attr[:, :, None] * dist_feat[:, None, :]).reshape(edge_attr.shape[0], -1)
    # ---- x2h: NodeUpdateLayer (scatter-softmax attention over incoming edges) ----
    q = (h @ params['Wq']).reshape(n, HEADS, HD)
    k = (h @ params['Wk']).reshape(n, HEADS, HD)
    v = (h @ params['Wv']).reshape(n, HEADS, HD)
    ea0 = jnp.tanh(ef @ params['We0']).reshape(-1, HEADS, HD)
    alpha = jnp.sum(q[dst] * k[src] * ea0, axis=-1) / np.sqrt(HD)
    alpha = _seg_softmax(alpha, dst, n)
    msg = v[src] * jnp.tanh(ef @ params['We1']).reshape(-1, HEADS, HD) * alpha[:, :, None]
    agg = jax.ops.segment_sum(msg, dst, num_segments=n).reshape(n, HID)
    x2h_out = _mlp(params['out_mlp'], jnp.concatenate([agg, h], axis=-1))
    new_h = x2h_out
    # ---- h2x: PosUpdateLayer (equivariant coordinate update) ----
    kv = jnp.concatenate([ef, new_h[dst], new_h[src]], axis=-1)
    kk = _mlp(params['xk'], kv).reshape(-1, HEADS, HD)
    vv = _mlp(params['xv'], kv) * e_w
    vv = vv[:, :, None] * rel_x[:, None, :]
    qq = _mlp(params['xq'], new_h).reshape(n, HEADS, HD)
    al2 = jnp.sum(qq[dst] * kk, axis=-1) / np.sqrt(HD)
    al2 = _seg_softmax(al2, dst, n)
    delta_x = jax.ops.segment_sum(al2[:, :, None] * vv, dst, num_segments=n).mean(axis=1)
    x_new = x + delta_x * mask_f[:, None]
    return x2h_out, x_new


def setup_inputs(seed: int = 0):
    key = jax.random.key(seed)
    ks = jax.random.split(key, 20)

    def lin(k, din, dout):
        s = float(np.sqrt(6.0 / (din + dout)))
        return jax.random.uniform(k, (din, dout), jnp.float32, -s, s)

    def mlp_p(k, din, dhid, dout):
        k1, k2 = jax.random.split(k)
        return {'W1': lin(k1, din, dhid), 'b1': jnp.zeros((dhid,), jnp.float32),
                'g': jnp.ones((dhid,), jnp.float32), 'be': jnp.zeros((dhid,), jnp.float32),
                'W2': lin(k2, dhid, dout), 'b2': jnp.zeros((dout,), jnp.float32)}

    params = {'Wq': lin(ks[5], HID, HID), 'Wk': lin(ks[6], HID, HID), 'Wv': lin(ks[7], HID, HID),
              'We0': lin(ks[8], EF, HID), 'We1': lin(ks[9], EF, HID),
              'out_mlp': mlp_p(ks[10], 2 * HID, HID, HID),
              'xk': mlp_p(ks[11], 2 * HID + EF, HID, HID),
              'xv': mlp_p(ks[12], 2 * HID + EF, HID, HEADS),
              'xq': mlp_p(ks[13], HID, HID, HID)}
    return {'h': jax.random.normal(ks[0], (N, HID), jnp.float32),
            'x': jax.random.normal(ks[1], (N, 3), jnp.float32),
            'edge_attr': jax.random.uniform(ks[2], (E, EDGE_DIM), jnp.float32),
            'edge_index': jax.random.randint(ks[3], (2, E), 0, N, jnp.int32),
            'mask_ligand': jnp.ones((N,), bool),
            'e_w': jax.random.uniform(ks[4], (E, 1), jnp.float32),
            'params': params}


def reference(h, x, edge_attr, edge_index, mask_ligand, e_w, params):
    return _forward(h, x, edge_attr, e_w, params, edge_index, mask_ligand.astype(jnp.float32))

if __name__ == "__main__":
    import jax
    _d = setup_inputs()
    print(jax.jit(kernel)(*tuple(_d.values())))

</pallas_src>

<mosaic_0001>
#map = affine_map<(d0, d1) -> (0, 0)>
#map1 = affine_map<(d0, d1) -> (0, 0, 0)>
module attributes {stable_mosaic.version = 14 : i64} {
  func.func @body(%arg0: i32, %arg1: i32, %arg2: memref<160000x128xf32, #tpu.memory_space<hbm>>, %arg3: memref<1250x128xi32, #tpu.memory_space<hbm>>, %arg4: memref<640x128xf32, #tpu.memory_space<hbm>>, %arg5: memref<2x10240x128xf32, #tpu.memory_space<hbm>>, %arg6: memref<128x128xf32, #tpu.memory_space<vmem>>, %arg7: memref<128xi32, #tpu.memory_space<vmem>>, %arg8: memref<10240x128xf32, #tpu.memory_space<vmem_shared>>, %arg9: memref<!tpu.dma_semaphore, #tpu.memory_space<semaphore_mem>>) attributes {dimension_semantics = [#tpu.dimension_semantics<core_parallel>, #tpu.dimension_semantics<subcore_parallel>], iteration_bounds = array<i64: 2, 16>, scalar_prefetch = 0 : i64, scratch_operands = 4 : i64, tpu.core_type = #tpu.core_type<sc_vector_subcore>, window_params = [{transform_indices = #map}, {transform_indices = #map}, {transform_indices = #map}, {transform_indices = #map1}]} {
    %mul3A = arith.constant 2 : i32
    %mul3A_0 = arith.muli %arg1, %mul3A : i32
    %add3A = arith.addi %mul3A_0, %arg0 : i32
    %mul3A_1 = arith.constant 640 : i32
    %mul3A_2 = arith.muli %arg1, %mul3A_1 : i32
    "tpu.region"() ({
      %run_scoped3A = tpu.sem_alloc : memref<!tpu.dma_semaphore, #tpu.memory_space<semaphore_mem>>
      %dma_start3A = arith.constant 0 : i32
      %dma_start3A_13 = tpu.memref_slice %arg8[%mul3A_2, %dma_start3A] : memref<10240x128xf32, #tpu.memory_space<vmem_shared>> -> memref<640x128xf32, #tpu.memory_space<vmem_shared>>
      tpu.enqueue_dma source(%arg4 : memref<640x128xf32, #tpu.memory_space<hbm>>) target(%dma_start3A_13 : memref<640x128xf32, #tpu.memory_space<vmem_shared>>) target_semaphore(%run_scoped3A : memref<!tpu.dma_semaphore, #tpu.memory_space<semaphore_mem>>)
      %dma_wait3A = arith.constant 0 : i32
      %dma_wait3A_14 = tpu.memref_slice %arg8[%mul3A_2, %dma_wait3A] : memref<10240x128xf32, #tpu.memory_space<vmem_shared>> -> memref<640x128xf32, #tpu.memory_space<vmem_shared>>
      tpu.wait_dma2 semaphore(%run_scoped3A : memref<!tpu.dma_semaphore, #tpu.memory_space<semaphore_mem>>) src(%arg4 : memref<640x128xf32, #tpu.memory_space<hbm>>) dst(%dma_wait3A_14 : memref<640x128xf32, #tpu.memory_space<vmem_shared>>)
      tpu.yield
    }) : () -> ()
    %barrier3A = arith.constant 0 : index
    tpu.barrier barrier_id(%barrier3A)
    %scan3A = arith.constant 0 : i32
    %scan3A_3 = arith.constant 0 : i32
    %scan3A_4 = arith.constant 40 : i32
    %scan3A_5 = arith.addi %scan3A_3, %scan3A_4 : i32
    %scan3A_6 = arith.constant 1 : i32
    scf.for %scan3A_13 = %scan3A_3 to %scan3A_5 step %scan3A_6  : i32 {
      %mul3A_14 = arith.constant 32 : i32
      %mul3A_15 = arith.muli %scan3A_13, %mul3A_14 : i32
      %add3A_16 = arith.addi %mul3A_15, %add3A : i32
      %lt3A = arith.constant 1250 : i32
      %lt3A_17 = arith.cmpi slt, %add3A_16, %lt3A : i32
      %convert_element_type3A = arith.extui %lt3A_17 : i1 to i32
      %cond3A = arith.constant 0 : i32
      %cond3A_18 = arith.cmpi ne, %convert_element_type3A, %cond3A : i32
      scf.if %cond3A_18 {
        "tpu.region"() ({
          %run_scoped3A = tpu.sem_alloc : memref<!tpu.dma_semaphore, #tpu.memory_space<semaphore_mem>>
          %dma_start3A = arith.constant 0 : i32
          %dma_start3A_21 = tpu.memref_slice %arg3[%add3A_16, %dma_start3A] : memref<1250x128xi32, #tpu.memory_space<hbm>> -> memref<1x128xi32, #tpu.memory_space<hbm>>
          %dma_start3A_22 = tpu.memref_squeeze %dma_start3A_21 : memref<1x128xi32, #tpu.memory_space<hbm>> -> memref<128xi32, #tpu.memory_space<hbm>>
          %dma_start3A_23 = arith.constant 0 : i32
          %dma_start3A_24 = tpu.memref_slice %arg3[%add3A_16, %dma_start3A_23] : memref<1250x128xi32, #tpu.memory_space<hbm>> -> memref<1x128xi32, #tpu.memory_space<hbm>>
          %dma_start3A_25 = tpu.memref_squeeze %dma_start3A_24 : memref<1x128xi32, #tpu.memory_space<hbm>> -> memref<128xi32, #tpu.memory_space<hbm>>
          tpu.enqueue_dma source(%dma_start3A_25 : memref<128xi32, #tpu.memory_space<hbm>>) target(%arg7 : memref<128xi32, #tpu.memory_space<vmem>>) target_semaphore(%run_scoped3A : memref<!tpu.dma_semaphore, #tpu.memory_space<semaphore_mem>>)
          %dma_wait3A = arith.constant 0 : i32
          %dma_wait3A_26 = tpu.memref_slice %arg3[%add3A_16, %dma_wait3A] : memref<1250x128xi32, #tpu.memory_space<hbm>> -> memref<1x128xi32, #tpu.memory_space<hbm>>
          %dma_wait3A_27 = tpu.memref_squeeze %dma_wait3A_26 : memref<1x128xi32, #tpu.memory_space<hbm>> -> memref<128xi32, #tpu.memory_space<hbm>>
          %dma_wait3A_28 = arith.constant 0 : i32
          %dma_wait3A_29 = tpu.memref_slice %arg3[%add3A_16, %dma_wait3A_28] : memref<1250x128xi32, #tpu.memory_space<hbm>> -> memref<1x128xi32, #tpu.memory_space<hbm>>
          %dma_wait3A_30 = tpu.memref_squeeze %dma_wait3A_29 : memref<1x128xi32, #tpu.memory_space<hbm>> -> memref<128xi32, #tpu.memory_space<hbm>>
          tpu.wait_dma2 semaphore(%run_scoped3A : memref<!tpu.dma_semaphore, #tpu.memory_space<semaphore_mem>>) src(%dma_wait3A_30 : memref<128xi32, #tpu.memory_space<hbm>>) dst(%arg7 : memref<128xi32, #tpu.memory_space<vmem>>)
          tpu.yield
        }) : () -> ()
        %mul3A_19 = arith.constant 128 : i32
        %mul3A_20 = arith.muli %add3A_16, %mul3A_19 : i32
        "tpu.region"() ({
          %run_scoped3A = tpu.sem_alloc : memref<!tpu.dma_semaphore, #tpu.memory_space<semaphore_mem>>
          %dma_start3A = arith.constant 0 : i32
          %dma_start3A_21 = tpu.memref_slice %arg2[%mul3A_20, %dma_start3A] : memref<160000x128xf32, #tpu.memory_space<hbm>> -> memref<128x128xf32, #tpu.memory_space<hbm>>
          %dma_start3A_22 = arith.constant 0 : i32
          %dma_start3A_23 = tpu.memref_slice %arg2[%mul3A_20, %dma_start3A_22] : memref<160000x128xf32, #tpu.memory_space<hbm>> -> memref<128x128xf32, #tpu.memory_space<hbm>>
          tpu.enqueue_dma source(%dma_start3A_23 : memref<128x128xf32, #tpu.memory_space<hbm>>) target(%arg6 : memref<128x128xf32, #tpu.memory_space<vmem>>) target_semaphore(%run_scoped3A : memref<!tpu.dma_semaphore, #tpu.memory_space<semaphore_mem>>)
          %dma_wait3A = arith.constant 0 : i32
          %dma_wait3A_24 = tpu.memref_slice %arg2[%mul3A_20, %dma_wait3A] : memref<160000x128xf32, #tpu.memory_space<hbm>> -> memref<128x128xf32, #tpu.memory_space<hbm>>
          %dma_wait3A_25 = arith.constant 0 : i32
          %dma_wait3A_26 = tpu.memref_slice %arg2[%mul3A_20, %dma_wait3A_25] : memref<160000x128xf32, #tpu.memory_space<hbm>> -> memref<128x128xf32, #tpu.memory_space<hbm>>
          tpu.wait_dma2 semaphore(%run_scoped3A : memref<!tpu.dma_semaphore, #tpu.memory_space<semaphore_mem>>) src(%dma_wait3A_26 : memref<128x128xf32, #tpu.memory_space<hbm>>) dst(%arg6 : memref<128x128xf32, #tpu.memory_space<vmem>>)
          tpu.yield
        }) : () -> ()
        "tpu.region"() ({
          %run_scoped3A = tpu.sem_alloc : memref<!tpu.dma_semaphore, #tpu.memory_space<semaphore_mem>>
          %dma_start3A = arith.constant 0 : i32
          %dma_start3A_21 = arith.constant 0 : i32
          %dma_start3A_22 = tpu.memref_slice %arg8[%dma_start3A, %dma_start3A_21] : memref<10240x128xf32, #tpu.memory_space<vmem_shared>> -> memref<10240x128xf32, #tpu.memory_space<vmem_shared>>
          tpu.enqueue_indirect_dma source(%arg6 : memref<128x128xf32, #tpu.memory_space<vmem>>) target(%dma_start3A_22 : memref<10240x128xf32, #tpu.memory_space<vmem_shared>>) offsets(%arg7 : memref<128xi32, #tpu.memory_space<vmem>>) semaphore(%run_scoped3A : memref<!tpu.dma_semaphore, #tpu.memory_space<semaphore_mem>>) {add = true}
          %dma_wait3A = arith.constant 0 : i32
          %dma_wait3A_23 = arith.constant 0 : i32
          %dma_wait3A_24 = tpu.memref_slice %arg8[%dma_wait3A, %dma_wait3A_23] : memref<10240x128xf32, #tpu.memory_space<vmem_shared>> -> memref<10240x128xf32, #tpu.memory_space<vmem_shared>>
          tpu.wait_indirect_dma semaphore(%run_scoped3A : memref<!tpu.dma_semaphore, #tpu.memory_space<semaphore_mem>>) src(%arg6 : memref<128x128xf32, #tpu.memory_space<vmem>>) dst(%dma_wait3A_24 : memref<10240x128xf32, #tpu.memory_space<vmem_shared>>)
          tpu.yield
        }) : () -> ()
      } else {
      }
    }
    %scan3A_7 = arith.constant 40 : i32
    %barrier3A_8 = arith.constant 0 : index
    tpu.barrier barrier_id(%barrier3A_8)
    %mul3A_9 = arith.constant 640 : i32
    %mul3A_10 = arith.muli %arg1, %mul3A_9 : i32
    %mul3A_11 = arith.constant 640 : i32
    %mul3A_12 = arith.muli %arg1, %mul3A_11 : i32
    "tpu.region"() ({
      %run_scoped3A = tpu.sem_alloc : memref<!tpu.dma_semaphore, #tpu.memory_space<semaphore_mem>>
      %dma_start3A = arith.constant 0 : i32
      %dma_start3A_13 = tpu.memref_slice %arg5[%arg0, %mul3A_12, %dma_start3A] : memref<2x10240x128xf32, #tpu.memory_space<hbm>> -> memref<1x640x128xf32, #tpu.memory_space<hbm>>
      %dma_start3A_14 = tpu.memref_squeeze %dma_start3A_13 : memref<1x640x128xf32, #tpu.memory_space<hbm>> -> memref<640x128xf32, #tpu.memory_space<hbm>>
      %dma_start3A_15 = arith.constant 0 : i32
      %dma_start3A_16 = tpu.memref_slice %arg8[%mul3A_10, %dma_start3A_15] : memref<10240x128xf32, #tpu.memory_space<vmem_shared>> -> memref<640x128xf32, #tpu.memory_space<vmem_shared>>
      tpu.enqueue_dma source(%dma_start3A_16 : memref<640x128xf32, #tpu.memory_space<vmem_shared>>) target(%dma_start3A_14 : memref<640x128xf32, #tpu.memory_space<hbm>>) target_semaphore(%run_scoped3A : memref<!tpu.dma_semaphore, #tpu.memory_space<semaphore_mem>>)
      %dma_wait3A = arith.constant 0 : i32
      %dma_wait3A_17 = tpu.memref_slice %arg5[%arg0, %mul3A_12, %dma_wait3A] : memref<2x10240x128xf32, #tpu.memory_space<hbm>> -> memref<1x640x128xf32, #tpu.memory_space<hbm>>
      %dma_wait3A_18 = tpu.memref_squeeze %dma_wait3A_17 : memref<1x640x128xf32, #tpu.memory_space<hbm>> -> memref<640x128xf32, #tpu.memory_space<hbm>>
      %dma_wait3A_19 = arith.constant 0 : i32
      %dma_wait3A_20 = tpu.memref_slice %arg8[%mul3A_10, %dma_wait3A_19] : memref<10240x128xf32, #tpu.memory_space<vmem_shared>> -> memref<640x128xf32, #tpu.memory_space<vmem_shared>>
      tpu.wait_dma2 semaphore(%run_scoped3A : memref<!tpu.dma_semaphore, #tpu.memory_space<semaphore_mem>>) src(%dma_wait3A_20 : memref<640x128xf32, #tpu.memory_space<vmem_shared>>) dst(%dma_wait3A_18 : memref<640x128xf32, #tpu.memory_space<hbm>>)
      tpu.yield
    }) : () -> ()
    return
  }
}

#map = affine_map<(d0, d1) -> (0, 0)>
module attributes {stable_mosaic.version = 14 : i64} {
  func.func @body(%arg0: i32, %arg1: i32, %arg2: memref<10000x384xf32, #tpu.memory_space<hbm>>, %arg3: memref<10000x256xf32, #tpu.memory_space<hbm>>, %arg4: memref<1250x128xi32, #tpu.memory_space<hbm>>, %arg5: memref<1250x128xi32, #tpu.memory_space<hbm>>, %arg6: memref<160000x384xf32, #tpu.memory_space<hbm>>, %arg7: memref<160000x256xf32, #tpu.memory_space<hbm>>, %arg8: memref<128x384xf32, #tpu.memory_space<vmem>>, %arg9: memref<128x256xf32, #tpu.memory_space<vmem>>, %arg10: memref<128xi32, #tpu.memory_space<vmem>>, %arg11: memref<128xi32, #tpu.memory_space<vmem>>, %arg12: memref<!tpu.dma_semaphore, #tpu.memory_space<semaphore_mem>>) attributes {dimension_semantics = [#tpu.dimension_semantics<core_parallel>, #tpu.dimension_semantics<subcore_parallel>], iteration_bounds = array<i64: 2, 16>, scalar_prefetch = 0 : i64, scratch_operands = 5 : i64, tpu.core_type = #tpu.core_type<sc_vector_subcore>, window_params = [{transform_indices = #map}, {transform_indices = #map}, {transform_indices = #map}, {transform_indices = #map}, {transform_indices = #map}, {transform_indices = #map}]} {
    %mul3A = arith.constant 2 : i32
    %mul3A_0 = arith.muli %arg1, %mul3A : i32
    %add3A = arith.addi %mul3A_0, %arg0 : i32
    %scan3A = arith.constant 0 : i32
    %scan3A_1 = arith.constant 0 : i32
    %scan3A_2 = arith.constant 40 : i32
    %scan3A_3 = arith.addi %scan3A_1, %scan3A_2 : i32
    %scan3A_4 = arith.constant 1 : i32
    scf.for %scan3A_6 = %scan3A_1 to %scan3A_3 step %scan3A_4  : i32 {
      %mul3A_7 = arith.constant 32 : i32
      %mul3A_8 = arith.muli %scan3A_6, %mul3A_7 : i32
      %add3A_9 = arith.addi %mul3A_8, %add3A : i32
      %lt3A = arith.constant 1250 : i32
      %lt3A_10 = arith.cmpi slt, %add3A_9, %lt3A : i32
      %convert_element_type3A = arith.extui %lt3A_10 : i1 to i32
      %cond3A = arith.constant 0 : i32
      %cond3A_11 = arith.cmpi ne, %convert_element_type3A, %cond3A : i32
      scf.if %cond3A_11 {
        "tpu.region"() ({
          %run_scoped3A = tpu.sem_alloc : memref<!tpu.dma_semaphore, #tpu.memory_space<semaphore_mem>>
          %dma_start3A_26 = arith.constant 0 : i32
          %dma_start3A_27 = tpu.memref_slice %arg4[%add3A_9, %dma_start3A_26] : memref<1250x128xi32, #tpu.memory_space<hbm>> -> memref<1x128xi32, #tpu.memory_space<hbm>>
          %dma_start3A_28 = tpu.memref_squeeze %dma_start3A_27 : memref<1x128xi32, #tpu.memory_space<hbm>> -> memref<128xi32, #tpu.memory_space<hbm>>
          %dma_start3A_29 = arith.constant 0 : i32
          %dma_start3A_30 = tpu.memref_slice %arg4[%add3A_9, %dma_start3A_29] : memref<1250x128xi32, #tpu.memory_space<hbm>> -> memref<1x128xi32, #tpu.memory_space<hbm>>
          %dma_start3A_31 = tpu.memref_squeeze %dma_start3A_30 : memref<1x128xi32, #tpu.memory_space<hbm>> -> memref<128xi32, #tpu.memory_space<hbm>>
          tpu.enqueue_dma source(%dma_start3A_31 : memref<128xi32, #tpu.memory_space<hbm>>) target(%arg10 : memref<128xi32, #tpu.memory_space<vmem>>) target_semaphore(%run_scoped3A : memref<!tpu.dma_semaphore, #tpu.memory_space<semaphore_mem>>)
          %dma_wait3A_32 = arith.constant 0 : i32
          %dma_wait3A_33 = tpu.memref_slice %arg4[%add3A_9, %dma_wait3A_32] : memref<1250x128xi32, #tpu.memory_space<hbm>> -> memref<1x128xi32, #tpu.memory_space<hbm>>
          %dma_wait3A_34 = tpu.memref_squeeze %dma_wait3A_33 : memref<1x128xi32, #tpu.memory_space<hbm>> -> memref<128xi32, #tpu.memory_space<hbm>>
          %dma_wait3A_35 = arith.constant 0 : i32
          %dma_wait3A_36 = tpu.memref_slice %arg4[%add3A_9, %dma_wait3A_35] : memref<1250x128xi32, #tpu.memory_space<hbm>> -> memref<1x128xi32, #tpu.memory_space<hbm>>
          %dma_wait3A_37 = tpu.memref_squeeze %dma_wait3A_36 : memref<1x128xi32, #tpu.memory_space<hbm>> -> memref<128xi32, #tpu.memory_space<hbm>>
          tpu.wait_dma2 semaphore(%run_scoped3A : memref<!tpu.dma_semaphore, #tpu.memory_space<semaphore_mem>>) src(%dma_wait3A_37 : memref<128xi32, #tpu.memory_space<hbm>>) dst(%arg10 : memref<128xi32, #tpu.memory_space<vmem>>)
          tpu.yield
        }) : () -> ()
        %dma_start3A = arith.constant 0 : i32
        %dma_start3A_12 = arith.constant 0 : i32
        %dma_start3A_13 = tpu.memref_slice %arg2[%dma_start3A, %dma_start3A_12] : memref<10000x384xf32, #tpu.memory_space<hbm>> -> memref<10000x384xf32, #tpu.memory_space<hbm>>
        tpu.enqueue_indirect_dma source(%dma_start3A_13 : memref<10000x384xf32, #tpu.memory_space<hbm>>) target(%arg8 : memref<128x384xf32, #tpu.memory_space<vmem>>) offsets(%arg10 : memref<128xi32, #tpu.memory_space<vmem>>) semaphore(%arg12 : memref<!tpu.dma_semaphore, #tpu.memory_space<semaphore_mem>>)
        %dma_wait3A = arith.constant 0 : i32
        %dma_wait3A_14 = arith.constant 0 : i32
        %dma_wait3A_15 = tpu.memref_slice %arg2[%dma_wait3A, %dma_wait3A_14] : memref<10000x384xf32, #tpu.memory_space<hbm>> -> memref<10000x384xf32, #tpu.memory_space<hbm>>
        tpu.wait_indirect_dma semaphore(%arg12 : memref<!tpu.dma_semaphore, #tpu.memory_space<semaphore_mem>>) src(%dma_wait3A_15 : memref<10000x384xf32, #tpu.memory_space<hbm>>) dst(%arg8 : memref<128x384xf32, #tpu.memory_space<vmem>>)
        %mul3A_16 = arith.constant 128 : i32
        %mul3A_17 = arith.muli %add3A_9, %mul3A_16 : i32
        "tpu.region"() ({
          %run_scoped3A = tpu.sem_alloc : memref<!tpu.dma_semaphore, #tpu.memory_space<semaphore_mem>>
          %dma_start3A_26 = arith.constant 0 : i32
          %dma_start3A_27 = tpu.memref_slice %arg6[%mul3A_17, %dma_start3A_26] : memref<160000x384xf32, #tpu.memory_space<hbm>> -> memref<128x384xf32, #tpu.memory_space<hbm>>
          %dma_start3A_28 = arith.constant 0 : i32
          %dma_start3A_29 = tpu.memref_slice %arg6[%mul3A_17, %dma_start3A_28] : memref<160000x384xf32, #tpu.memory_space<hbm>> -> memref<128x384xf32, #tpu.memory_space<hbm>>
          tpu.enqueue_dma source(%arg8 : memref<128x384xf32, #tpu.memory_space<vmem>>) target(%dma_start3A_29 : memref<128x384xf32, #tpu.memory_space<hbm>>) target_semaphore(%run_scoped3A : memref<!tpu.dma_semaphore, #tpu.memory_space<semaphore_mem>>)
          %dma_wait3A_30 = arith.constant 0 : i32
          %dma_wait3A_31 = tpu.memref_slice %arg6[%mul3A_17, %dma_wait3A_30] : memref<160000x384xf32, #tpu.memory_space<hbm>> -> memref<128x384xf32, #tpu.memory_space<hbm>>
          %dma_wait3A_32 = arith.constant 0 : i32
          %dma_wait3A_33 = tpu.memref_slice %arg6[%mul3A_17, %dma_wait3A_32] : memref<160000x384xf32, #tpu.memory_space<hbm>> -> memref<128x384xf32, #tpu.memory_space<hbm>>
          tpu.wait_dma2 semaphore(%run_scoped3A : memref<!tpu.dma_semaphore, #tpu.memory_space<semaphore_mem>>) src(%arg8 : memref<128x384xf32, #tpu.memory_space<vmem>>) dst(%dma_wait3A_33 : memref<128x384xf32, #tpu.memory_space<hbm>>)
          tpu.yield
        }) : () -> ()
        "tpu.region"() ({
          %run_scoped3A = tpu.sem_alloc : memref<!tpu.dma_semaphore, #tpu.memory_space<semaphore_mem>>
          %dma_start3A_26 = arith.constant 0 : i32
          %dma_start3A_27 = tpu.memref_slice %arg5[%add3A_9, %dma_start3A_26] : memref<1250x128xi32, #tpu.memory_space<hbm>> -> memref<1x128xi32, #tpu.memory_space<hbm>>
          %dma_start3A_28 = tpu.memref_squeeze %dma_start3A_27 : memref<1x128xi32, #tpu.memory_space<hbm>> -> memref<128xi32, #tpu.memory_space<hbm>>
          %dma_start3A_29 = arith.constant 0 : i32
          %dma_start3A_30 = tpu.memref_slice %arg5[%add3A_9, %dma_start3A_29] : memref<1250x128xi32, #tpu.memory_space<hbm>> -> memref<1x128xi32, #tpu.memory_space<hbm>>
          %dma_start3A_31 = tpu.memref_squeeze %dma_start3A_30 : memref<1x128xi32, #tpu.memory_space<hbm>> -> memref<128xi32, #tpu.memory_space<hbm>>
          tpu.enqueue_dma source(%dma_start3A_31 : memref<128xi32, #tpu.memory_space<hbm>>) target(%arg11 : memref<128xi32, #tpu.memory_space<vmem>>) target_semaphore(%run_scoped3A : memref<!tpu.dma_semaphore, #tpu.memory_space<semaphore_mem>>)
          %dma_wait3A_32 = arith.constant 0 : i32
          %dma_wait3A_33 = tpu.memref_slice %arg5[%add3A_9, %dma_wait3A_32] : memref<1250x128xi32, #tpu.memory_space<hbm>> -> memref<1x128xi32, #tpu.memory_space<hbm>>
          %dma_wait3A_34 = tpu.memref_squeeze %dma_wait3A_33 : memref<1x128xi32, #tpu.memory_space<hbm>> -> memref<128xi32, #tpu.memory_space<hbm>>
          %dma_wait3A_35 = arith.constant 0 : i32
          %dma_wait3A_36 = tpu.memref_slice %arg5[%add3A_9, %dma_wait3A_35] : memref<1250x128xi32, #tpu.memory_space<hbm>> -> memref<1x128xi32, #tpu.memory_space<hbm>>
          %dma_wait3A_37 = tpu.memref_squeeze %dma_wait3A_36 : memref<1x128xi32, #tpu.memory_space<hbm>> -> memref<128xi32, #tpu.memory_space<hbm>>
          tpu.wait_dma2 semaphore(%run_scoped3A : memref<!tpu.dma_semaphore, #tpu.memory_space<semaphore_mem>>) src(%dma_wait3A_37 : memref<128xi32, #tpu.memory_space<hbm>>) dst(%arg11 : memref<128xi32, #tpu.memory_space<vmem>>)
          tpu.yield
        }) : () -> ()
        %dma_start3A_18 = arith.constant 0 : i32
        %dma_start3A_19 = arith.constant 0 : i32
        %dma_start3A_20 = tpu.memref_slice %arg3[%dma_start3A_18, %dma_start3A_19] : memref<10000x256xf32, #tpu.memory_space<hbm>> -> memref<10000x256xf32, #tpu.memory_space<hbm>>
        tpu.enqueue_indirect_dma source(%dma_start3A_20 : memref<10000x256xf32, #tpu.memory_space<hbm>>) target(%arg9 : memref<128x256xf32, #tpu.memory_space<vmem>>) offsets(%arg11 : memref<128xi32, #tpu.memory_space<vmem>>) semaphore(%arg12 : memref<!tpu.dma_semaphore, #tpu.memory_space<semaphore_mem>>)
        %dma_wait3A_21 = arith.constant 0 : i32
        %dma_wait3A_22 = arith.constant 0 : i32
        %dma_wait3A_23 = tpu.memref_slice %arg3[%dma_wait3A_21, %dma_wait3A_22] : memref<10000x256xf32, #tpu.memory_space<hbm>> -> memref<10000x256xf32, #tpu.memory_space<hbm>>
        tpu.wait_indirect_dma semaphore(%arg12 : memref<!tpu.dma_semaphore, #tpu.memory_space<semaphore_mem>>) src(%dma_wait3A_23 : memref<10000x256xf32, #tpu.memory_space<hbm>>) dst(%arg9 : memref<128x256xf32, #tpu.memory_space<vmem>>)
        %mul3A_24 = arith.constant 128 : i32
        %mul3A_25 = arith.muli %add3A_9, %mul3A_24 : i32
        "tpu.region"() ({
          %run_scoped3A = tpu.sem_alloc : memref<!tpu.dma_semaphore, #tpu.memory_space<semaphore_mem>>
          %dma_start3A_26 = arith.constant 0 : i32
          %dma_start3A_27 = tpu.memref_slice %arg7[%mul3A_25, %dma_start3A_26] : memref<160000x256xf32, #tpu.memory_space<hbm>> -> memref<128x256xf32, #tpu.memory_space<hbm>>
          %dma_start3A_28 = arith.constant 0 : i32
          %dma_start3A_29 = tpu.memref_slice %arg7[%mul3A_25, %dma_start3A_28] : memref<160000x256xf32, #tpu.memory_space<hbm>> -> memref<128x256xf32, #tpu.memory_space<hbm>>
          tpu.enqueue_dma source(%arg9 : memref<128x256xf32, #tpu.memory_space<vmem>>) target(%dma_start3A_29 : memref<128x256xf32, #tpu.memory_space<hbm>>) target_semaphore(%run_scoped3A : memref<!tpu.dma_semaphore, #tpu.memory_space<semaphore_mem>>)
          %dma_wait3A_30 = arith.constant 0 : i32
          %dma_wait3A_31 = tpu.memref_slice %arg7[%mul3A_25, %dma_wait3A_30] : memref<160000x256xf32, #tpu.memory_space<hbm>> -> memref<128x256xf32, #tpu.memory_space<hbm>>
          %dma_wait3A_32 = arith.constant 0 : i32
          %dma_wait3A_33 = tpu.memref_slice %arg7[%mul3A_25, %dma_wait3A_32] : memref<160000x256xf32, #tpu.memory_space<hbm>> -> memref<128x256xf32, #tpu.memory_space<hbm>>
          tpu.wait_dma2 semaphore(%run_scoped3A : memref<!tpu.dma_semaphore, #tpu.memory_space<semaphore_mem>>) src(%arg9 : memref<128x256xf32, #tpu.memory_space<vmem>>) dst(%dma_wait3A_33 : memref<128x256xf32, #tpu.memory_space<hbm>>)
          tpu.yield
        }) : () -> ()
      } else {
      }
    }
    %scan3A_5 = arith.constant 40 : i32
    return
  }
}

#map = affine_map<(d0, d1) -> (0, 0)>
module attributes {stable_mosaic.version = 14 : i64} {
  func.func @body(%arg0: i32, %arg1: i32, %arg2: memref<10000x128xf32, #tpu.memory_space<hbm>>, %arg3: memref<10000x256xf32, #tpu.memory_space<hbm>>, %arg4: memref<1250x128xi32, #tpu.memory_space<hbm>>, %arg5: memref<1250x128xi32, #tpu.memory_space<hbm>>, %arg6: memref<160000x128xf32, #tpu.memory_space<hbm>>, %arg7: memref<160000x256xf32, #tpu.memory_space<hbm>>, %arg8: memref<128x128xf32, #tpu.memory_space<vmem>>, %arg9: memref<128x256xf32, #tpu.memory_space<vmem>>, %arg10: memref<128xi32, #tpu.memory_space<vmem>>, %arg11: memref<128xi32, #tpu.memory_space<vmem>>, %arg12: memref<!tpu.dma_semaphore, #tpu.memory_space<semaphore_mem>>) attributes {dimension_semantics = [#tpu.dimension_semantics<core_parallel>, #tpu.dimension_semantics<subcore_parallel>], iteration_bounds = array<i64: 2, 16>, scalar_prefetch = 0 : i64, scratch_operands = 5 : i64, tpu.core_type = #tpu.core_type<sc_vector_subcore>, window_params = [{transform_indices = #map}, {transform_indices = #map}, {transform_indices = #map}, {transform_indices = #map}, {transform_indices = #map}, {transform_indices = #map}]} {
    %mul3A = arith.constant 2 : i32
    %mul3A_0 = arith.muli %arg1, %mul3A : i32
    %add3A = arith.addi %mul3A_0, %arg0 : i32
    %scan3A = arith.constant 0 : i32
    %scan3A_1 = arith.constant 0 : i32
    %scan3A_2 = arith.constant 40 : i32
    %scan3A_3 = arith.addi %scan3A_1, %scan3A_2 : i32
    %scan3A_4 = arith.constant 1 : i32
    scf.for %scan3A_6 = %scan3A_1 to %scan3A_3 step %scan3A_4  : i32 {
      %mul3A_7 = arith.constant 32 : i32
      %mul3A_8 = arith.muli %scan3A_6, %mul3A_7 : i32
      %add3A_9 = arith.addi %mul3A_8, %add3A : i32
      %lt3A = arith.constant 1250 : i32
      %lt3A_10 = arith.cmpi slt, %add3A_9, %lt3A : i32
      %convert_element_type3A = arith.extui %lt3A_10 : i1 to i32
      %cond3A = arith.constant 0 : i32
      %cond3A_11 = arith.cmpi ne, %convert_element_type3A, %cond3A : i32
      scf.if %cond3A_11 {
        "tpu.region"() ({
          %run_scoped3A = tpu.sem_alloc : memref<!tpu.dma_semaphore, #tpu.memory_space<semaphore_mem>>
          %dma_start3A_26 = arith.constant 0 : i32
          %dma_start3A_27 = tpu.memref_slice %arg4[%add3A_9, %dma_start3A_26] : memref<1250x128xi32, #tpu.memory_space<hbm>> -> memref<1x128xi32, #tpu.memory_space<hbm>>
          %dma_start3A_28 = tpu.memref_squeeze %dma_start3A_27 : memref<1x128xi32, #tpu.memory_space<hbm>> -> memref<128xi32, #tpu.memory_space<hbm>>
          %dma_start3A_29 = arith.constant 0 : i32
          %dma_start3A_30 = tpu.memref_slice %arg4[%add3A_9, %dma_start3A_29] : memref<1250x128xi32, #tpu.memory_space<hbm>> -> memref<1x128xi32, #tpu.memory_space<hbm>>
          %dma_start3A_31 = tpu.memref_squeeze %dma_start3A_30 : memref<1x128xi32, #tpu.memory_space<hbm>> -> memref<128xi32, #tpu.memory_space<hbm>>
          tpu.enqueue_dma source(%dma_start3A_31 : memref<128xi32, #tpu.memory_space<hbm>>) target(%arg10 : memref<128xi32, #tpu.memory_space<vmem>>) target_semaphore(%run_scoped3A : memref<!tpu.dma_semaphore, #tpu.memory_space<semaphore_mem>>)
          %dma_wait3A_32 = arith.constant 0 : i32
          %dma_wait3A_33 = tpu.memref_slice %arg4[%add3A_9, %dma_wait3A_32] : memref<1250x128xi32, #tpu.memory_space<hbm>> -> memref<1x128xi32, #tpu.memory_space<hbm>>
          %dma_wait3A_34 = tpu.memref_squeeze %dma_wait3A_33 : memref<1x128xi32, #tpu.memory_space<hbm>> -> memref<128xi32, #tpu.memory_space<hbm>>
          %dma_wait3A_35 = arith.constant 0 : i32
          %dma_wait3A_36 = tpu.memref_slice %arg4[%add3A_9, %dma_wait3A_35] : memref<1250x128xi32, #tpu.memory_space<hbm>> -> memref<1x128xi32, #tpu.memory_space<hbm>>
          %dma_wait3A_37 = tpu.memref_squeeze %dma_wait3A_36 : memref<1x128xi32, #tpu.memory_space<hbm>> -> memref<128xi32, #tpu.memory_space<hbm>>
          tpu.wait_dma2 semaphore(%run_scoped3A : memref<!tpu.dma_semaphore, #tpu.memory_space<semaphore_mem>>) src(%dma_wait3A_37 : memref<128xi32, #tpu.memory_space<hbm>>) dst(%arg10 : memref<128xi32, #tpu.memory_space<vmem>>)
          tpu.yield
        }) : () -> ()
        %dma_start3A = arith.constant 0 : i32
        %dma_start3A_12 = arith.constant 0 : i32
        %dma_start3A_13 = tpu.memref_slice %arg2[%dma_start3A, %dma_start3A_12] : memref<10000x128xf32, #tpu.memory_space<hbm>> -> memref<10000x128xf32, #tpu.memory_space<hbm>>
        tpu.enqueue_indirect_dma source(%dma_start3A_13 : memref<10000x128xf32, #tpu.memory_space<hbm>>) target(%arg8 : memref<128x128xf32, #tpu.memory_space<vmem>>) offsets(%arg10 : memref<128xi32, #tpu.memory_space<vmem>>) semaphore(%arg12 : memref<!tpu.dma_semaphore, #tpu.memory_space<semaphore_mem>>)
        %dma_wait3A = arith.constant 0 : i32
        %dma_wait3A_14 = arith.constant 0 : i32
        %dma_wait3A_15 = tpu.memref_slice %arg2[%dma_wait3A, %dma_wait3A_14] : memref<10000x128xf32, #tpu.memory_space<hbm>> -> memref<10000x128xf32, #tpu.memory_space<hbm>>
        tpu.wait_indirect_dma semaphore(%arg12 : memref<!tpu.dma_semaphore, #tpu.memory_space<semaphore_mem>>) src(%dma_wait3A_15 : memref<10000x128xf32, #tpu.memory_space<hbm>>) dst(%arg8 : memref<128x128xf32, #tpu.memory_space<vmem>>)
        %mul3A_16 = arith.constant 128 : i32
        %mul3A_17 = arith.muli %add3A_9, %mul3A_16 : i32
        "tpu.region"() ({
          %run_scoped3A = tpu.sem_alloc : memref<!tpu.dma_semaphore, #tpu.memory_space<semaphore_mem>>
          %dma_start3A_26 = arith.constant 0 : i32
          %dma_start3A_27 = tpu.memref_slice %arg6[%mul3A_17, %dma_start3A_26] : memref<160000x128xf32, #tpu.memory_space<hbm>> -> memref<128x128xf32, #tpu.memory_space<hbm>>
          %dma_start3A_28 = arith.constant 0 : i32
          %dma_start3A_29 = tpu.memref_slice %arg6[%mul3A_17, %dma_start3A_28] : memref<160000x128xf32, #tpu.memory_space<hbm>> -> memref<128x128xf32, #tpu.memory_space<hbm>>
          tpu.enqueue_dma source(%arg8 : memref<128x128xf32, #tpu.memory_space<vmem>>) target(%dma_start3A_29 : memref<128x128xf32, #tpu.memory_space<hbm>>) target_semaphore(%run_scoped3A : memref<!tpu.dma_semaphore, #tpu.memory_space<semaphore_mem>>)
          %dma_wait3A_30 = arith.constant 0 : i32
          %dma_wait3A_31 = tpu.memref_slice %arg6[%mul3A_17, %dma_wait3A_30] : memref<160000x128xf32, #tpu.memory_space<hbm>> -> memref<128x128xf32, #tpu.memory_space<hbm>>
          %dma_wait3A_32 = arith.constant 0 : i32
          %dma_wait3A_33 = tpu.memref_slice %arg6[%mul3A_17, %dma_wait3A_32] : memref<160000x128xf32, #tpu.memory_space<hbm>> -> memref<128x128xf32, #tpu.memory_space<hbm>>
          tpu.wait_dma2 semaphore(%run_scoped3A : memref<!tpu.dma_semaphore, #tpu.memory_space<semaphore_mem>>) src(%arg8 : memref<128x128xf32, #tpu.memory_space<vmem>>) dst(%dma_wait3A_33 : memref<128x128xf32, #tpu.memory_space<hbm>>)
          tpu.yield
        }) : () -> ()
        "tpu.region"() ({
          %run_scoped3A = tpu.sem_alloc : memref<!tpu.dma_semaphore, #tpu.memory_space<semaphore_mem>>
          %dma_start3A_26 = arith.constant 0 : i32
          %dma_start3A_27 = tpu.memref_slice %arg5[%add3A_9, %dma_start3A_26] : memref<1250x128xi32, #tpu.memory_space<hbm>> -> memref<1x128xi32, #tpu.memory_space<hbm>>
          %dma_start3A_28 = tpu.memref_squeeze %dma_start3A_27 : memref<1x128xi32, #tpu.memory_space<hbm>> -> memref<128xi32, #tpu.memory_space<hbm>>
          %dma_start3A_29 = arith.constant 0 : i32
          %dma_start3A_30 = tpu.memref_slice %arg5[%add3A_9, %dma_start3A_29] : memref<1250x128xi32, #tpu.memory_space<hbm>> -> memref<1x128xi32, #tpu.memory_space<hbm>>
          %dma_start3A_31 = tpu.memref_squeeze %dma_start3A_30 : memref<1x128xi32, #tpu.memory_space<hbm>> -> memref<128xi32, #tpu.memory_space<hbm>>
          tpu.enqueue_dma source(%dma_start3A_31 : memref<128xi32, #tpu.memory_space<hbm>>) target(%arg11 : memref<128xi32, #tpu.memory_space<vmem>>) target_semaphore(%run_scoped3A : memref<!tpu.dma_semaphore, #tpu.memory_space<semaphore_mem>>)
          %dma_wait3A_32 = arith.constant 0 : i32
          %dma_wait3A_33 = tpu.memref_slice %arg5[%add3A_9, %dma_wait3A_32] : memref<1250x128xi32, #tpu.memory_space<hbm>> -> memref<1x128xi32, #tpu.memory_space<hbm>>
          %dma_wait3A_34 = tpu.memref_squeeze %dma_wait3A_33 : memref<1x128xi32, #tpu.memory_space<hbm>> -> memref<128xi32, #tpu.memory_space<hbm>>
          %dma_wait3A_35 = arith.constant 0 : i32
          %dma_wait3A_36 = tpu.memref_slice %arg5[%add3A_9, %dma_wait3A_35] : memref<1250x128xi32, #tpu.memory_space<hbm>> -> memref<1x128xi32, #tpu.memory_space<hbm>>
          %dma_wait3A_37 = tpu.memref_squeeze %dma_wait3A_36 : memref<1x128xi32, #tpu.memory_space<hbm>> -> memref<128xi32, #tpu.memory_space<hbm>>
          tpu.wait_dma2 semaphore(%run_scoped3A : memref<!tpu.dma_semaphore, #tpu.memory_space<semaphore_mem>>) src(%dma_wait3A_37 : memref<128xi32, #tpu.memory_space<hbm>>) dst(%arg11 : memref<128xi32, #tpu.memory_space<vmem>>)
          tpu.yield
        }) : () -> ()
        %dma_start3A_18 = arith.constant 0 : i32
        %dma_start3A_19 = arith.constant 0 : i32
        %dma_start3A_20 = tpu.memref_slice %arg3[%dma_start3A_18, %dma_start3A_19] : memref<10000x256xf32, #tpu.memory_space<hbm>> -> memref<10000x256xf32, #tpu.memory_space<hbm>>
        tpu.enqueue_indirect_dma source(%dma_start3A_20 : memref<10000x256xf32, #tpu.memory_space<hbm>>) target(%arg9 : memref<128x256xf32, #tpu.memory_space<vmem>>) offsets(%arg11 : memref<128xi32, #tpu.memory_space<vmem>>) semaphore(%arg12 : memref<!tpu.dma_semaphore, #tpu.memory_space<semaphore_mem>>)
        %dma_wait3A_21 = arith.constant 0 : i32
        %dma_wait3A_22 = arith.constant 0 : i32
        %dma_wait3A_23 = tpu.memref_slice %arg3[%dma_wait3A_21, %dma_wait3A_22] : memref<10000x256xf32, #tpu.memory_space<hbm>> -> memref<10000x256xf32, #tpu.memory_space<hbm>>
        tpu.wait_indirect_dma semaphore(%arg12 : memref<!tpu.dma_semaphore, #tpu.memory_space<semaphore_mem>>) src(%dma_wait3A_23 : memref<10000x256xf32, #tpu.memory_space<hbm>>) dst(%arg9 : memref<128x256xf32, #tpu.memory_space<vmem>>)
        %mul3A_24 = arith.constant 128 : i32
        %mul3A_25 = arith.muli %add3A_9, %mul3A_24 : i32
        "tpu.region"() ({
          %run_scoped3A = tpu.sem_alloc : memref<!tpu.dma_semaphore, #tpu.memory_space<semaphore_mem>>
          %dma_start3A_26 = arith.constant 0 : i32
          %dma_start3A_27 = tpu.memref_slice %arg7[%mul3A_25, %dma_start3A_26] : memref<160000x256xf32, #tpu.memory_space<hbm>> -> memref<128x256xf32, #tpu.memory_space<hbm>>
          %dma_start3A_28 = arith.constant 0 : i32
          %dma_start3A_29 = tpu.memref_slice %arg7[%mul3A_25, %dma_start3A_28] : memref<160000x256xf32, #tpu.memory_space<hbm>> -> memref<128x256xf32, #tpu.memory_space<hbm>>
          tpu.enqueue_dma source(%arg9 : memref<128x256xf32, #tpu.memory_space<vmem>>) target(%dma_start3A_29 : memref<128x256xf32, #tpu.memory_space<hbm>>) target_semaphore(%run_scoped3A : memref<!tpu.dma_semaphore, #tpu.memory_space<semaphore_mem>>)
          %dma_wait3A_30 = arith.constant 0 : i32
          %dma_wait3A_31 = tpu.memref_slice %arg7[%mul3A_25, %dma_wait3A_30] : memref<160000x256xf32, #tpu.memory_space<hbm>> -> memref<128x256xf32, #tpu.memory_space<hbm>>
          %dma_wait3A_32 = arith.constant 0 : i32
          %dma_wait3A_33 = tpu.memref_slice %arg7[%mul3A_25, %dma_wait3A_32] : memref<160000x256xf32, #tpu.memory_space<hbm>> -> memref<128x256xf32, #tpu.memory_space<hbm>>
          tpu.wait_dma2 semaphore(%run_scoped3A : memref<!tpu.dma_semaphore, #tpu.memory_space<semaphore_mem>>) src(%arg9 : memref<128x256xf32, #tpu.memory_space<vmem>>) dst(%dma_wait3A_33 : memref<128x256xf32, #tpu.memory_space<hbm>>)
          tpu.yield
        }) : () -> ()
      } else {
      }
    }
    %scan3A_5 = arith.constant 40 : i32
    return
  }
}

#map = affine_map<(d0, d1) -> (0, 0)>
#map1 = affine_map<(d0, d1) -> (0, 0, 0)>
module attributes {stable_mosaic.version = 14 : i64} {
  func.func @body(%arg0: i32, %arg1: i32, %arg2: memref<160000x128xf32, #tpu.memory_space<hbm>>, %arg3: memref<1250x128xi32, #tpu.memory_space<hbm>>, %arg4: memref<640x128xf32, #tpu.memory_space<hbm>>, %arg5: memref<2x10240x128xf32, #tpu.memory_space<hbm>>, %arg6: memref<128x128xf32, #tpu.memory_space<vmem>>, %arg7: memref<128xi32, #tpu.memory_space<vmem>>, %arg8: memref<10240x128xf32, #tpu.memory_space<vmem_shared>>, %arg9: memref<!tpu.dma_semaphore, #tpu.memory_space<semaphore_mem>>) attributes {dimension_semantics = [#tpu.dimension_semantics<core_parallel>, #tpu.dimension_semantics<subcore_parallel>], iteration_bounds = array<i64: 2, 16>, scalar_prefetch = 0 : i64, scratch_operands = 4 : i64, tpu.core_type = #tpu.core_type<sc_vector_subcore>, window_params = [{transform_indices = #map}, {transform_indices = #map}, {transform_indices = #map}, {transform_indices = #map1}]} {
    %mul3A = arith.constant 2 : i32
    %mul3A_0 = arith.muli %arg1, %mul3A : i32
    %add3A = arith.addi %mul3A_0, %arg0 : i32
    %mul3A_1 = arith.constant 640 : i32
    %mul3A_2 = arith.muli %arg1, %mul3A_1 : i32
    "tpu.region"() ({
      %run_scoped3A = tpu.sem_alloc : memref<!tpu.dma_semaphore, #tpu.memory_space<semaphore_mem>>
      %dma_start3A = arith.constant 0 : i32
      %dma_start3A_13 = tpu.memref_slice %arg8[%mul3A_2, %dma_start3A] : memref<10240x128xf32, #tpu.memory_space<vmem_shared>> -> memref<640x128xf32, #tpu.memory_space<vmem_shared>>
      tpu.enqueue_dma source(%arg4 : memref<640x128xf32, #tpu.memory_space<hbm>>) target(%dma_start3A_13 : memref<640x128xf32, #tpu.memory_space<vmem_shared>>) target_semaphore(%run_scoped3A : memref<!tpu.dma_semaphore, #tpu.memory_space<semaphore_mem>>)
      %dma_wait3A = arith.constant 0 : i32
      %dma_wait3A_14 = tpu.memref_slice %arg8[%mul3A_2, %dma_wait3A] : memref<10240x128xf32, #tpu.memory_space<vmem_shared>> -> memref<640x128xf32, #tpu.memory_space<vmem_shared>>
      tpu.wait_dma2 semaphore(%run_scoped3A : memref<!tpu.dma_semaphore, #tpu.memory_space<semaphore_mem>>) src(%arg4 : memref<640x128xf32, #tpu.memory_space<hbm>>) dst(%dma_wait3A_14 : memref<640x128xf32, #tpu.memory_space<vmem_shared>>)
      tpu.yield
    }) : () -> ()
    %barrier3A = arith.constant 0 : index
    tpu.barrier barrier_id(%barrier3A)
    %scan3A = arith.constant 0 : i32
    %scan3A_3 = arith.constant 0 : i32
    %scan3A_4 = arith.constant 40 : i32
    %scan3A_5 = arith.addi %scan3A_3, %scan3A_4 : i32
    %scan3A_6 = arith.constant 1 : i32
    scf.for %scan3A_13 = %scan3A_3 to %scan3A_5 step %scan3A_6  : i32 {
      %mul3A_14 = arith.constant 32 : i32
      %mul3A_15 = arith.muli %scan3A_13, %mul3A_14 : i32
      %add3A_16 = arith.addi %mul3A_15, %add3A : i32
      %lt3A = arith.constant 1250 : i32
      %lt3A_17 = arith.cmpi slt, %add3A_16, %lt3A : i32
      %convert_element_type3A = arith.extui %lt3A_17 : i1 to i32
      %cond3A = arith.constant 0 : i32
      %cond3A_18 = arith.cmpi ne, %convert_element_type3A, %cond3A : i32
      scf.if %cond3A_18 {
        "tpu.region"() ({
          %run_scoped3A = tpu.sem_alloc : memref<!tpu.dma_semaphore, #tpu.memory_space<semaphore_mem>>
          %dma_start3A = arith.constant 0 : i32
          %dma_start3A_21 = tpu.memref_slice %arg3[%add3A_16, %dma_start3A] : memref<1250x128xi32, #tpu.memory_space<hbm>> -> memref<1x128xi32, #tpu.memory_space<hbm>>
          %dma_start3A_22 = tpu.memref_squeeze %dma_start3A_21 : memref<1x128xi32, #tpu.memory_space<hbm>> -> memref<128xi32, #tpu.memory_space<hbm>>
          %dma_start3A_23 = arith.constant 0 : i32
          %dma_start3A_24 = tpu.memref_slice %arg3[%add3A_16, %dma_start3A_23] : memref<1250x128xi32, #tpu.memory_space<hbm>> -> memref<1x128xi32, #tpu.memory_space<hbm>>
          %dma_start3A_25 = tpu.memref_squeeze %dma_start3A_24 : memref<1x128xi32, #tpu.memory_space<hbm>> -> memref<128xi32, #tpu.memory_space<hbm>>
          tpu.enqueue_dma source(%dma_start3A_25 : memref<128xi32, #tpu.memory_space<hbm>>) target(%arg7 : memref<128xi32, #tpu.memory_space<vmem>>) target_semaphore(%run_scoped3A : memref<!tpu.dma_semaphore, #tpu.memory_space<semaphore_mem>>)
          %dma_wait3A = arith.constant 0 : i32
          %dma_wait3A_26 = tpu.memref_slice %arg3[%add3A_16, %dma_wait3A] : memref<1250x128xi32, #tpu.memory_space<hbm>> -> memref<1x128xi32, #tpu.memory_space<hbm>>
          %dma_wait3A_27 = tpu.memref_squeeze %dma_wait3A_26 : memref<1x128xi32, #tpu.memory_space<hbm>> -> memref<128xi32, #tpu.memory_space<hbm>>
          %dma_wait3A_28 = arith.constant 0 : i32
          %dma_wait3A_29 = tpu.memref_slice %arg3[%add3A_16, %dma_wait3A_28] : memref<1250x128xi32, #tpu.memory_space<hbm>> -> memref<1x128xi32, #tpu.memory_space<hbm>>
          %dma_wait3A_30 = tpu.memref_squeeze %dma_wait3A_29 : memref<1x128xi32, #tpu.memory_space<hbm>> -> memref<128xi32, #tpu.memory_space<hbm>>
          tpu.wait_dma2 semaphore(%run_scoped3A : memref<!tpu.dma_semaphore, #tpu.memory_space<semaphore_mem>>) src(%dma_wait3A_30 : memref<128xi32, #tpu.memory_space<hbm>>) dst(%arg7 : memref<128xi32, #tpu.memory_space<vmem>>)
          tpu.yield
        }) : () -> ()
        %mul3A_19 = arith.constant 128 : i32
        %mul3A_20 = arith.muli %add3A_16, %mul3A_19 : i32
        "tpu.region"() ({
          %run_scoped3A = tpu.sem_alloc : memref<!tpu.dma_semaphore, #tpu.memory_space<semaphore_mem>>
          %dma_start3A = arith.constant 0 : i32
          %dma_start3A_21 = tpu.memref_slice %arg2[%mul3A_20, %dma_start3A] : memref<160000x128xf32, #tpu.memory_space<hbm>> -> memref<128x128xf32, #tpu.memory_space<hbm>>
          %dma_start3A_22 = arith.constant 0 : i32
          %dma_start3A_23 = tpu.memref_slice %arg2[%mul3A_20, %dma_start3A_22] : memref<160000x128xf32, #tpu.memory_space<hbm>> -> memref<128x128xf32, #tpu.memory_space<hbm>>
          tpu.enqueue_dma source(%dma_start3A_23 : memref<128x128xf32, #tpu.memory_space<hbm>>) target(%arg6 : memref<128x128xf32, #tpu.memory_space<vmem>>) target_semaphore(%run_scoped3A : memref<!tpu.dma_semaphore, #tpu.memory_space<semaphore_mem>>)
          %dma_wait3A = arith.constant 0 : i32
          %dma_wait3A_24 = tpu.memref_slice %arg2[%mul3A_20, %dma_wait3A] : memref<160000x128xf32, #tpu.memory_space<hbm>> -> memref<128x128xf32, #tpu.memory_space<hbm>>
          %dma_wait3A_25 = arith.constant 0 : i32
          %dma_wait3A_26 = tpu.memref_slice %arg2[%mul3A_20, %dma_wait3A_25] : memref<160000x128xf32, #tpu.memory_space<hbm>> -> memref<128x128xf32, #tpu.memory_space<hbm>>
          tpu.wait_dma2 semaphore(%run_scoped3A : memref<!tpu.dma_semaphore, #tpu.memory_space<semaphore_mem>>) src(%dma_wait3A_26 : memref<128x128xf32, #tpu.memory_space<hbm>>) dst(%arg6 : memref<128x128xf32, #tpu.memory_space<vmem>>)
          tpu.yield
        }) : () -> ()
        "tpu.region"() ({
          %run_scoped3A = tpu.sem_alloc : memref<!tpu.dma_semaphore, #tpu.memory_space<semaphore_mem>>
          %dma_start3A = arith.constant 0 : i32
          %dma_start3A_21 = arith.constant 0 : i32
          %dma_start3A_22 = tpu.memref_slice %arg8[%dma_start3A, %dma_start3A_21] : memref<10240x128xf32, #tpu.memory_space<vmem_shared>> -> memref<10240x128xf32, #tpu.memory_space<vmem_shared>>
          tpu.enqueue_indirect_dma source(%arg6 : memref<128x128xf32, #tpu.memory_space<vmem>>) target(%dma_start3A_22 : memref<10240x128xf32, #tpu.memory_space<vmem_shared>>) offsets(%arg7 : memref<128xi32, #tpu.memory_space<vmem>>) semaphore(%run_scoped3A : memref<!tpu.dma_semaphore, #tpu.memory_space<semaphore_mem>>) {add = true}
          %dma_wait3A = arith.constant 0 : i32
          %dma_wait3A_23 = arith.constant 0 : i32
          %dma_wait3A_24 = tpu.memref_slice %arg8[%dma_wait3A, %dma_wait3A_23] : memref<10240x128xf32, #tpu.memory_space<vmem_shared>> -> memref<10240x128xf32, #tpu.memory_space<vmem_shared>>
          tpu.wait_indirect_dma semaphore(%run_scoped3A : memref<!tpu.dma_semaphore, #tpu.memory_space<semaphore_mem>>) src(%arg6 : memref<128x128xf32, #tpu.memory_space<vmem>>) dst(%dma_wait3A_24 : memref<10240x128xf32, #tpu.memory_space<vmem_shared>>)
          tpu.yield
        }) : () -> ()
      } else {
      }
    }
    %scan3A_7 = arith.constant 40 : i32
    %barrier3A_8 = arith.constant 0 : index
    tpu.barrier barrier_id(%barrier3A_8)
    %mul3A_9 = arith.constant 640 : i32
    %mul3A_10 = arith.muli %arg1, %mul3A_9 : i32
    %mul3A_11 = arith.constant 640 : i32
    %mul3A_12 = arith.muli %arg1, %mul3A_11 : i32
    "tpu.region"() ({
      %run_scoped3A = tpu.sem_alloc : memref<!tpu.dma_semaphore, #tpu.memory_space<semaphore_mem>>
      %dma_start3A = arith.constant 0 : i32
      %dma_start3A_13 = tpu.memref_slice %arg5[%arg0, %mul3A_12, %dma_start3A] : memref<2x10240x128xf32, #tpu.memory_space<hbm>> -> memref<1x640x128xf32, #tpu.memory_space<hbm>>
      %dma_start3A_14 = tpu.memref_squeeze %dma_start3A_13 : memref<1x640x128xf32, #tpu.memory_space<hbm>> -> memref<640x128xf32, #tpu.memory_space<hbm>>
      %dma_start3A_15 = arith.constant 0 : i32
      %dma_start3A_16 = tpu.memref_slice %arg8[%mul3A_10, %dma_start3A_15] : memref<10240x128xf32, #tpu.memory_space<vmem_shared>> -> memref<640x128xf32, #tpu.memory_space<vmem_shared>>
      tpu.enqueue_dma source(%dma_start3A_16 : memref<640x128xf32, #tpu.memory_space<vmem_shared>>) target(%dma_start3A_14 : memref<640x128xf32, #tpu.memory_space<hbm>>) target_semaphore(%run_scoped3A : memref<!tpu.dma_semaphore, #tpu.memory_space<semaphore_mem>>)
      %dma_wait3A = arith.constant 0 : i32
      %dma_wait3A_17 = tpu.memref_slice %arg5[%arg0, %mul3A_12, %dma_wait3A] : memref<2x10240x128xf32, #tpu.memory_space<hbm>> -> memref<1x640x128xf32, #tpu.memory_space<hbm>>
      %dma_wait3A_18 = tpu.memref_squeeze %dma_wait3A_17 : memref<1x640x128xf32, #tpu.memory_space<hbm>> -> memref<640x128xf32, #tpu.memory_space<hbm>>
      %dma_wait3A_19 = arith.constant 0 : i32
      %dma_wait3A_20 = tpu.memref_slice %arg8[%mul3A_10, %dma_wait3A_19] : memref<10240x128xf32, #tpu.memory_space<vmem_shared>> -> memref<640x128xf32, #tpu.memory_space<vmem_shared>>
      tpu.wait_dma2 semaphore(%run_scoped3A : memref<!tpu.dma_semaphore, #tpu.memory_space<semaphore_mem>>) src(%dma_wait3A_20 : memref<640x128xf32, #tpu.memory_space<vmem_shared>>) dst(%dma_wait3A_18 : memref<640x128xf32, #tpu.memory_space<hbm>>)
      tpu.yield
    }) : () -> ()
    return
  }
}

#map = affine_map<(d0, d1) -> (0, 0)>
#map1 = affine_map<(d0, d1) -> (0, 0, 0)>
module attributes {stable_mosaic.version = 14 : i64} {
  func.func @body(%arg0: i32, %arg1: i32, %arg2: memref<160000x128xf32, #tpu.memory_space<hbm>>, %arg3: memref<1250x128xi32, #tpu.memory_space<hbm>>, %arg4: memref<640x128xf32, #tpu.memory_space<hbm>>, %arg5: memref<2x10240x128xf32, #tpu.memory_space<hbm>>, %arg6: memref<128x128xf32, #tpu.memory_space<vmem>>, %arg7: memref<128xi32, #tpu.memory_space<vmem>>, %arg8: memref<10240x128xf32, #tpu.memory_space<vmem_shared>>, %arg9: memref<!tpu.dma_semaphore, #tpu.memory_space<semaphore_mem>>) attributes {dimension_semantics = [#tpu.dimension_semantics<core_parallel>, #tpu.dimension_semantics<subcore_parallel>], iteration_bounds = array<i64: 2, 16>, scalar_prefetch = 0 : i64, scratch_operands = 4 : i64, tpu.core_type = #tpu.core_type<sc_vector_subcore>, window_params = [{transform_indices = #map}, {transform_indices = #map}, {transform_indices = #map}, {transform_indices = #map1}]} {
    %mul3A = arith.constant 2 : i32
    %mul3A_0 = arith.muli %arg1, %mul3A : i32
    %add3A = arith.addi %mul3A_0, %arg0 : i32
    %mul3A_1 = arith.constant 640 : i32
    %mul3A_2 = arith.muli %arg1, %mul3A_1 : i32
    "tpu.region"() ({
      %run_scoped3A = tpu.sem_alloc : memref<!tpu.dma_semaphore, #tpu.memory_space<semaphore_mem>>
      %dma_start3A = arith.constant 0 : i32
      %dma_start3A_13 = tpu.memref_slice %arg8[%mul3A_2, %dma_start3A] : memref<10240x128xf32, #tpu.memory_space<vmem_shared>> -> memref<640x128xf32, #tpu.memory_space<vmem_shared>>
      tpu.enqueue_dma source(%arg4 : memref<640x128xf32, #tpu.memory_space<hbm>>) target(%dma_start3A_13 : memref<640x128xf32, #tpu.memory_space<vmem_shared>>) target_semaphore(%run_scoped3A : memref<!tpu.dma_semaphore, #tpu.memory_space<semaphore_mem>>)
      %dma_wait3A = arith.constant 0 : i32
      %dma_wait3A_14 = tpu.memref_slice %arg8[%mul3A_2, %dma_wait3A] : memref<10240x128xf32, #tpu.memory_space<vmem_shared>> -> memref<640x128xf32, #tpu.memory_space<vmem_shared>>
      tpu.wait_dma2 semaphore(%run_scoped3A : memref<!tpu.dma_semaphore, #tpu.memory_space<semaphore_mem>>) src(%arg4 : memref<640x128xf32, #tpu.memory_space<hbm>>) dst(%dma_wait3A_14 : memref<640x128xf32, #tpu.memory_space<vmem_shared>>)
      tpu.yield
    }) : () -> ()
    %barrier3A = arith.constant 0 : index
    tpu.barrier barrier_id(%barrier3A)
    %scan3A = arith.constant 0 : i32
    %scan3A_3 = arith.constant 0 : i32
    %scan3A_4 = arith.constant 40 : i32
    %scan3A_5 = arith.addi %scan3A_3, %scan3A_4 : i32
    %scan3A_6 = arith.constant 1 : i32
    scf.for %scan3A_13 = %scan3A_3 to %scan3A_5 step %scan3A_6  : i32 {
      %mul3A_14 = arith.constant 32 : i32
      %mul3A_15 = arith.muli %scan3A_13, %mul3A_14 : i32
      %add3A_16 = arith.addi %mul3A_15, %add3A : i32
      %lt3A = arith.constant 1250 : i32
      %lt3A_17 = arith.cmpi slt, %add3A_16, %lt3A : i32
      %convert_element_type3A = arith.extui %lt3A_17 : i1 to i32
      %cond3A = arith.constant 0 : i32
      %cond3A_18 = arith.cmpi ne, %convert_element_type3A, %cond3A : i32
      scf.if %cond3A_18 {
        "tpu.region"() ({
          %run_scoped3A = tpu.sem_alloc : memref<!tpu.dma_semaphore, #tpu.memory_space<semaphore_mem>>
          %dma_start3A = arith.constant 0 : i32
          %dma_start3A_21 = tpu.memref_slice %arg3[%add3A_16, %dma_start3A] : memref<1250x128xi32, #tpu.memory_space<hbm>> -> memref<1x128xi32, #tpu.memory_space<hbm>>
          %dma_start3A_22 = tpu.memref_squeeze %dma_start3A_21 : memref<1x128xi32, #tpu.memory_space<hbm>> -> memref<128xi32, #tpu.memory_space<hbm>>
          %dma_start3A_23 = arith.constant 0 : i32
          %dma_start3A_24 = tpu.memref_slice %arg3[%add3A_16, %dma_start3A_23] : memref<1250x128xi32, #tpu.memory_space<hbm>> -> memref<1x128xi32, #tpu.memory_space<hbm>>
          %dma_start3A_25 = tpu.memref_squeeze %dma_start3A_24 : memref<1x128xi32, #tpu.memory_space<hbm>> -> memref<128xi32, #tpu.memory_space<hbm>>
          tpu.enqueue_dma source(%dma_start3A_25 : memref<128xi32, #tpu.memory_space<hbm>>) target(%arg7 : memref<128xi32, #tpu.memory_space<vmem>>) target_semaphore(%run_scoped3A : memref<!tpu.dma_semaphore, #tpu.memory_space<semaphore_mem>>)
          %dma_wait3A = arith.constant 0 : i32
          %dma_wait3A_26 = tpu.memref_slice %arg3[%add3A_16, %dma_wait3A] : memref<1250x128xi32, #tpu.memory_space<hbm>> -> memref<1x128xi32, #tpu.memory_space<hbm>>
          %dma_wait3A_27 = tpu.memref_squeeze %dma_wait3A_26 : memref<1x128xi32, #tpu.memory_space<hbm>> -> memref<128xi32, #tpu.memory_space<hbm>>
          %dma_wait3A_28 = arith.constant 0 : i32
          %dma_wait3A_29 = tpu.memref_slice %arg3[%add3A_16, %dma_wait3A_28] : memref<1250x128xi32, #tpu.memory_space<hbm>> -> memref<1x128xi32, #tpu.memory_space<hbm>>
          %dma_wait3A_30 = tpu.memref_squeeze %dma_wait3A_29 : memref<1x128xi32, #tpu.memory_space<hbm>> -> memref<128xi32, #tpu.memory_space<hbm>>
          tpu.wait_dma2 semaphore(%run_scoped3A : memref<!tpu.dma_semaphore, #tpu.memory_space<semaphore_mem>>) src(%dma_wait3A_30 : memref<128xi32, #tpu.memory_space<hbm>>) dst(%arg7 : memref<128xi32, #tpu.memory_space<vmem>>)
          tpu.yield
        }) : () -> ()
        %mul3A_19 = arith.constant 128 : i32
        %mul3A_20 = arith.muli %add3A_16, %mul3A_19 : i32
        "tpu.region"() ({
          %run_scoped3A = tpu.sem_alloc : memref<!tpu.dma_semaphore, #tpu.memory_space<semaphore_mem>>
          %dma_start3A = arith.constant 0 : i32
          %dma_start3A_21 = tpu.memref_slice %arg2[%mul3A_20, %dma_start3A] : memref<160000x128xf32, #tpu.memory_space<hbm>> -> memref<128x128xf32, #tpu.memory_space<hbm>>
          %dma_start3A_22 = arith.constant 0 : i32
          %dma_start3A_23 = tpu.memref_slice %arg2[%mul3A_20, %dma_start3A_22] : memref<160000x128xf32, #tpu.memory_space<hbm>> -> memref<128x128xf32, #tpu.memory_space<hbm>>
          tpu.enqueue_dma source(%dma_start3A_23 : memref<128x128xf32, #tpu.memory_space<hbm>>) target(%arg6 : memref<128x128xf32, #tpu.memory_space<vmem>>) target_semaphore(%run_scoped3A : memref<!tpu.dma_semaphore, #tpu.memory_space<semaphore_mem>>)
          %dma_wait3A = arith.constant 0 : i32
          %dma_wait3A_24 = tpu.memref_slice %arg2[%mul3A_20, %dma_wait3A] : memref<160000x128xf32, #tpu.memory_space<hbm>> -> memref<128x128xf32, #tpu.memory_space<hbm>>
          %dma_wait3A_25 = arith.constant 0 : i32
          %dma_wait3A_26 = tpu.memref_slice %arg2[%mul3A_20, %dma_wait3A_25] : memref<160000x128xf32, #tpu.memory_space<hbm>> -> memref<128x128xf32, #tpu.memory_space<hbm>>
          tpu.wait_dma2 semaphore(%run_scoped3A : memref<!tpu.dma_semaphore, #tpu.memory_space<semaphore_mem>>) src(%dma_wait3A_26 : memref<128x128xf32, #tpu.memory_space<hbm>>) dst(%arg6 : memref<128x128xf32, #tpu.memory_space<vmem>>)
          tpu.yield
        }) : () -> ()
        "tpu.region"() ({
          %run_scoped3A = tpu.sem_alloc : memref<!tpu.dma_semaphore, #tpu.memory_space<semaphore_mem>>
          %dma_start3A = arith.constant 0 : i32
          %dma_start3A_21 = arith.constant 0 : i32
          %dma_start3A_22 = tpu.memref_slice %arg8[%dma_start3A, %dma_start3A_21] : memref<10240x128xf32, #tpu.memory_space<vmem_shared>> -> memref<10240x128xf32, #tpu.memory_space<vmem_shared>>
          tpu.enqueue_indirect_dma source(%arg6 : memref<128x128xf32, #tpu.memory_space<vmem>>) target(%dma_start3A_22 : memref<10240x128xf32, #tpu.memory_space<vmem_shared>>) offsets(%arg7 : memref<128xi32, #tpu.memory_space<vmem>>) semaphore(%run_scoped3A : memref<!tpu.dma_semaphore, #tpu.memory_space<semaphore_mem>>) {add = true}
          %dma_wait3A = arith.constant 0 : i32
          %dma_wait3A_23 = arith.constant 0 : i32
          %dma_wait3A_24 = tpu.memref_slice %arg8[%dma_wait3A, %dma_wait3A_23] : memref<10240x128xf32, #tpu.memory_space<vmem_shared>> -> memref<10240x128xf32, #tpu.memory_space<vmem_shared>>
          tpu.wait_indirect_dma semaphore(%run_scoped3A : memref<!tpu.dma_semaphore, #tpu.memory_space<semaphore_mem>>) src(%arg6 : memref<128x128xf32, #tpu.memory_space<vmem>>) dst(%dma_wait3A_24 : memref<10240x128xf32, #tpu.memory_space<vmem_shared>>)
          tpu.yield
        }) : () -> ()
      } else {
      }
    }
    %scan3A_7 = arith.constant 40 : i32
    %barrier3A_8 = arith.constant 0 : index
    tpu.barrier barrier_id(%barrier3A_8)
    %mul3A_9 = arith.constant 640 : i32
    %mul3A_10 = arith.muli %arg1, %mul3A_9 : i32
    %mul3A_11 = arith.constant 640 : i32
    %mul3A_12 = arith.muli %arg1, %mul3A_11 : i32
    "tpu.region"() ({
      %run_scoped3A = tpu.sem_alloc : memref<!tpu.dma_semaphore, #tpu.memory_space<semaphore_mem>>
      %dma_start3A = arith.constant 0 : i32
      %dma_start3A_13 = tpu.memref_slice %arg5[%arg0, %mul3A_12, %dma_start3A] : memref<2x10240x128xf32, #tpu.memory_space<hbm>> -> memref<1x640x128xf32, #tpu.memory_space<hbm>>
      %dma_start3A_14 = tpu.memref_squeeze %dma_start3A_13 : memref<1x640x128xf32, #tpu.memory_space<hbm>> -> memref<640x128xf32, #tpu.memory_space<hbm>>
      %dma_start3A_15 = arith.constant 0 : i32
      %dma_start3A_16 = tpu.memref_slice %arg8[%mul3A_10, %dma_start3A_15] : memref<10240x128xf32, #tpu.memory_space<vmem_shared>> -> memref<640x128xf32, #tpu.memory_space<vmem_shared>>
      tpu.enqueue_dma source(%dma_start3A_16 : memref<640x128xf32, #tpu.memory_space<vmem_shared>>) target(%dma_start3A_14 : memref<640x128xf32, #tpu.memory_space<hbm>>) target_semaphore(%run_scoped3A : memref<!tpu.dma_semaphore, #tpu.memory_space<semaphore_mem>>)
      %dma_wait3A = arith.constant 0 : i32
      %dma_wait3A_17 = tpu.memref_slice %arg5[%arg0, %mul3A_12, %dma_wait3A] : memref<2x10240x128xf32, #tpu.memory_space<hbm>> -> memref<1x640x128xf32, #tpu.memory_space<hbm>>
      %dma_wait3A_18 = tpu.memref_squeeze %dma_wait3A_17 : memref<1x640x128xf32, #tpu.memory_space<hbm>> -> memref<640x128xf32, #tpu.memory_space<hbm>>
      %dma_wait3A_19 = arith.constant 0 : i32
      %dma_wait3A_20 = tpu.memref_slice %arg8[%mul3A_10, %dma_wait3A_19] : memref<10240x128xf32, #tpu.memory_space<vmem_shared>> -> memref<640x128xf32, #tpu.memory_space<vmem_shared>>
      tpu.wait_dma2 semaphore(%run_scoped3A : memref<!tpu.dma_semaphore, #tpu.memory_space<semaphore_mem>>) src(%dma_wait3A_20 : memref<640x128xf32, #tpu.memory_space<vmem_shared>>) dst(%dma_wait3A_18 : memref<640x128xf32, #tpu.memory_space<hbm>>)
      tpu.yield
    }) : () -> ()
    return
  }
}

#map = affine_map<(d0, d1) -> (0, 0)>
#map1 = affine_map<(d0, d1) -> (0, 0, 0)>
module attributes {stable_mosaic.version = 14 : i64} {
  func.func @body(%arg0: i32, %arg1: i32, %arg2: memref<160000x128xf32, #tpu.memory_space<hbm>>, %arg3: memref<1250x128xi32, #tpu.memory_space<hbm>>, %arg4: memref<640x128xf32, #tpu.memory_space<hbm>>, %arg5: memref<2x10240x128xf32, #tpu.memory_space<hbm>>, %arg6: memref<128x128xf32, #tpu.memory_space<vmem>>, %arg7: memref<128xi32, #tpu.memory_space<vmem>>, %arg8: memref<10240x128xf32, #tpu.memory_space<vmem_shared>>, %arg9: memref<!tpu.dma_semaphore, #tpu.memory_space<semaphore_mem>>) attributes {dimension_semantics = [#tpu.dimension_semantics<core_parallel>, #tpu.dimension_semantics<subcore_parallel>], iteration_bounds = array<i64: 2, 16>, scalar_prefetch = 0 : i64, scratch_operands = 4 : i64, tpu.core_type = #tpu.core_type<sc_vector_subcore>, window_params = [{transform_indices = #map}, {transform_indices = #map}, {transform_indices = #map}, {transform_indices = #map1}]} {
    %mul3A = arith.constant 2 : i32
    %mul3A_0 = arith.muli %arg1, %mul3A : i32
    %add3A = arith.addi %mul3A_0, %arg0 : i32
    %mul3A_1 = arith.constant 640 : i32
    %mul3A_2 = arith.muli %arg1, %mul3A_1 : i32
    "tpu.region"() ({
      %run_scoped3A = tpu.sem_alloc : memref<!tpu.dma_semaphore, #tpu.memory_space<semaphore_mem>>
      %dma_start3A = arith.constant 0 : i32
      %dma_start3A_13 = tpu.memref_slice %arg8[%mul3A_2, %dma_start3A] : memref<10240x128xf32, #tpu.memory_space<vmem_shared>> -> memref<640x128xf32, #tpu.memory_space<vmem_shared>>
      tpu.enqueue_dma source(%arg4 : memref<640x128xf32, #tpu.memory_space<hbm>>) target(%dma_start3A_13 : memref<640x128xf32, #tpu.memory_space<vmem_shared>>) target_semaphore(%run_scoped3A : memref<!tpu.dma_semaphore, #tpu.memory_space<semaphore_mem>>)
      %dma_wait3A = arith.constant 0 : i32
      %dma_wait3A_14 = tpu.memref_slice %arg8[%mul3A_2, %dma_wait3A] : memref<10240x128xf32, #tpu.memory_space<vmem_shared>> -> memref<640x128xf32, #tpu.memory_space<vmem_shared>>
      tpu.wait_dma2 semaphore(%run_scoped3A : memref<!tpu.dma_semaphore, #tpu.memory_space<semaphore_mem>>) src(%arg4 : memref<640x128xf32, #tpu.memory_space<hbm>>) dst(%dma_wait3A_14 : memref<640x128xf32, #tpu.memory_space<vmem_shared>>)
      tpu.yield
    }) : () -> ()
    %barrier3A = arith.constant 0 : index
    tpu.barrier barrier_id(%barrier3A)
    %scan3A = arith.constant 0 : i32
    %scan3A_3 = arith.constant 0 : i32
    %scan3A_4 = arith.constant 40 : i32
    %scan3A_5 = arith.addi %scan3A_3, %scan3A_4 : i32
    %scan3A_6 = arith.constant 1 : i32
    scf.for %scan3A_13 = %scan3A_3 to %scan3A_5 step %scan3A_6  : i32 {
      %mul3A_14 = arith.constant 32 : i32
      %mul3A_15 = arith.muli %scan3A_13, %mul3A_14 : i32
      %add3A_16 = arith.addi %mul3A_15, %add3A : i32
      %lt3A = arith.constant 1250 : i32
      %lt3A_17 = arith.cmpi slt, %add3A_16, %lt3A : i32
      %convert_element_type3A = arith.extui %lt3A_17 : i1 to i32
      %cond3A = arith.constant 0 : i32
      %cond3A_18 = arith.cmpi ne, %convert_element_type3A, %cond3A : i32
      scf.if %cond3A_18 {
        "tpu.region"() ({
          %run_scoped3A = tpu.sem_alloc : memref<!tpu.dma_semaphore, #tpu.memory_space<semaphore_mem>>
          %dma_start3A = arith.constant 0 : i32
          %dma_start3A_21 = tpu.memref_slice %arg3[%add3A_16, %dma_start3A] : memref<1250x128xi32, #tpu.memory_space<hbm>> -> memref<1x128xi32, #tpu.memory_space<hbm>>
          %dma_start3A_22 = tpu.memref_squeeze %dma_start3A_21 : memref<1x128xi32, #tpu.memory_space<hbm>> -> memref<128xi32, #tpu.memory_space<hbm>>
          %dma_start3A_23 = arith.constant 0 : i32
          %dma_start3A_24 = tpu.memref_slice %arg3[%add3A_16, %dma_start3A_23] : memref<1250x128xi32, #tpu.memory_space<hbm>> -> memref<1x128xi32, #tpu.memory_space<hbm>>
          %dma_start3A_25 = tpu.memref_squeeze %dma_start3A_24 : memref<1x128xi32, #tpu.memory_space<hbm>> -> memref<128xi32, #tpu.memory_space<hbm>>
          tpu.enqueue_dma source(%dma_start3A_25 : memref<128xi32, #tpu.memory_space<hbm>>) target(%arg7 : memref<128xi32, #tpu.memory_space<vmem>>) target_semaphore(%run_scoped3A : memref<!tpu.dma_semaphore, #tpu.memory_space<semaphore_mem>>)
          %dma_wait3A = arith.constant 0 : i32
          %dma_wait3A_26 = tpu.memref_slice %arg3[%add3A_16, %dma_wait3A] : memref<1250x128xi32, #tpu.memory_space<hbm>> -> memref<1x128xi32, #tpu.memory_space<hbm>>
          %dma_wait3A_27 = tpu.memref_squeeze %dma_wait3A_26 : memref<1x128xi32, #tpu.memory_space<hbm>> -> memref<128xi32, #tpu.memory_space<hbm>>
          %dma_wait3A_28 = arith.constant 0 : i32
          %dma_wait3A_29 = tpu.memref_slice %arg3[%add3A_16, %dma_wait3A_28] : memref<1250x128xi32, #tpu.memory_space<hbm>> -> memref<1x128xi32, #tpu.memory_space<hbm>>
          %dma_wait3A_30 = tpu.memref_squeeze %dma_wait3A_29 : memref<1x128xi32, #tpu.memory_space<hbm>> -> memref<128xi32, #tpu.memory_space<hbm>>
          tpu.wait_dma2 semaphore(%run_scoped3A : memref<!tpu.dma_semaphore, #tpu.memory_space<semaphore_mem>>) src(%dma_wait3A_30 : memref<128xi32, #tpu.memory_space<hbm>>) dst(%arg7 : memref<128xi32, #tpu.memory_space<vmem>>)
          tpu.yield
        }) : () -> ()
        %mul3A_19 = arith.constant 128 : i32
        %mul3A_20 = arith.muli %add3A_16, %mul3A_19 : i32
        "tpu.region"() ({
          %run_scoped3A = tpu.sem_alloc : memref<!tpu.dma_semaphore, #tpu.memory_space<semaphore_mem>>
          %dma_start3A = arith.constant 0 : i32
          %dma_start3A_21 = tpu.memref_slice %arg2[%mul3A_20, %dma_start3A] : memref<160000x128xf32, #tpu.memory_space<hbm>> -> memref<128x128xf32, #tpu.memory_space<hbm>>
          %dma_start3A_22 = arith.constant 0 : i32
          %dma_start3A_23 = tpu.memref_slice %arg2[%mul3A_20, %dma_start3A_22] : memref<160000x128xf32, #tpu.memory_space<hbm>> -> memref<128x128xf32, #tpu.memory_space<hbm>>
          tpu.enqueue_dma source(%dma_start3A_23 : memref<128x128xf32, #tpu.memory_space<hbm>>) target(%arg6 : memref<128x128xf32, #tpu.memory_space<vmem>>) target_semaphore(%run_scoped3A : memref<!tpu.dma_semaphore, #tpu.memory_space<semaphore_mem>>)
          %dma_wait3A = arith.constant 0 : i32
          %dma_wait3A_24 = tpu.memref_slice %arg2[%mul3A_20, %dma_wait3A] : memref<160000x128xf32, #tpu.memory_space<hbm>> -> memref<128x128xf32, #tpu.memory_space<hbm>>
          %dma_wait3A_25 = arith.constant 0 : i32
          %dma_wait3A_26 = tpu.memref_slice %arg2[%mul3A_20, %dma_wait3A_25] : memref<160000x128xf32, #tpu.memory_space<hbm>> -> memref<128x128xf32, #tpu.memory_space<hbm>>
          tpu.wait_dma2 semaphore(%run_scoped3A : memref<!tpu.dma_semaphore, #tpu.memory_space<semaphore_mem>>) src(%dma_wait3A_26 : memref<128x128xf32, #tpu.memory_space<hbm>>) dst(%arg6 : memref<128x128xf32, #tpu.memory_space<vmem>>)
          tpu.yield
        }) : () -> ()
        "tpu.region"() ({
          %run_scoped3A = tpu.sem_alloc : memref<!tpu.dma_semaphore, #tpu.memory_space<semaphore_mem>>
          %dma_start3A = arith.constant 0 : i32
          %dma_start3A_21 = arith.constant 0 : i32
          %dma_start3A_22 = tpu.memref_slice %arg8[%dma_start3A, %dma_start3A_21] : memref<10240x128xf32, #tpu.memory_space<vmem_shared>> -> memref<10240x128xf32, #tpu.memory_space<vmem_shared>>
          tpu.enqueue_indirect_dma source(%arg6 : memref<128x128xf32, #tpu.memory_space<vmem>>) target(%dma_start3A_22 : memref<10240x128xf32, #tpu.memory_space<vmem_shared>>) offsets(%arg7 : memref<128xi32, #tpu.memory_space<vmem>>) semaphore(%run_scoped3A : memref<!tpu.dma_semaphore, #tpu.memory_space<semaphore_mem>>) {add = true}
          %dma_wait3A = arith.constant 0 : i32
          %dma_wait3A_23 = arith.constant 0 : i32
          %dma_wait3A_24 = tpu.memref_slice %arg8[%dma_wait3A, %dma_wait3A_23] : memref<10240x128xf32, #tpu.memory_space<vmem_shared>> -> memref<10240x128xf32, #tpu.memory_space<vmem_shared>>
          tpu.wait_indirect_dma semaphore(%run_scoped3A : memref<!tpu.dma_semaphore, #tpu.memory_space<semaphore_mem>>) src(%arg6 : memref<128x128xf32, #tpu.memory_space<vmem>>) dst(%dma_wait3A_24 : memref<10240x128xf32, #tpu.memory_space<vmem_shared>>)
          tpu.yield
        }) : () -> ()
      } else {
      }
    }
    %scan3A_7 = arith.constant 40 : i32
    %barrier3A_8 = arith.constant 0 : index
    tpu.barrier barrier_id(%barrier3A_8)
    %mul3A_9 = arith.constant 640 : i32
    %mul3A_10 = arith.muli %arg1, %mul3A_9 : i32
    %mul3A_11 = arith.constant 640 : i32
    %mul3A_12 = arith.muli %arg1, %mul3A_11 : i32
    "tpu.region"() ({
      %run_scoped3A = tpu.sem_alloc : memref<!tpu.dma_semaphore, #tpu.memory_space<semaphore_mem>>
      %dma_start3A = arith.constant 0 : i32
      %dma_start3A_13 = tpu.memref_slice %arg5[%arg0, %mul3A_12, %dma_start3A] : memref<2x10240x128xf32, #tpu.memory_space<hbm>> -> memref<1x640x128xf32, #tpu.memory_space<hbm>>
      %dma_start3A_14 = tpu.memref_squeeze %dma_start3A_13 : memref<1x640x128xf32, #tpu.memory_space<hbm>> -> memref<640x128xf32, #tpu.memory_space<hbm>>
      %dma_start3A_15 = arith.constant 0 : i32
      %dma_start3A_16 = tpu.memref_slice %arg8[%mul3A_10, %dma_start3A_15] : memref<10240x128xf32, #tpu.memory_space<vmem_shared>> -> memref<640x128xf32, #tpu.memory_space<vmem_shared>>
      tpu.enqueue_dma source(%dma_start3A_16 : memref<640x128xf32, #tpu.memory_space<vmem_shared>>) target(%dma_start3A_14 : memref<640x128xf32, #tpu.memory_space<hbm>>) target_semaphore(%run_scoped3A : memref<!tpu.dma_semaphore, #tpu.memory_space<semaphore_mem>>)
      %dma_wait3A = arith.constant 0 : i32
      %dma_wait3A_17 = tpu.memref_slice %arg5[%arg0, %mul3A_12, %dma_wait3A] : memref<2x10240x128xf32, #tpu.memory_space<hbm>> -> memref<1x640x128xf32, #tpu.memory_space<hbm>>
      %dma_wait3A_18 = tpu.memref_squeeze %dma_wait3A_17 : memref<1x640x128xf32, #tpu.memory_space<hbm>> -> memref<640x128xf32, #tpu.memory_space<hbm>>
      %dma_wait3A_19 = arith.constant 0 : i32
      %dma_wait3A_20 = tpu.memref_slice %arg8[%mul3A_10, %dma_wait3A_19] : memref<10240x128xf32, #tpu.memory_space<vmem_shared>> -> memref<640x128xf32, #tpu.memory_space<vmem_shared>>
      tpu.wait_dma2 semaphore(%run_scoped3A : memref<!tpu.dma_semaphore, #tpu.memory_space<semaphore_mem>>) src(%dma_wait3A_20 : memref<640x128xf32, #tpu.memory_space<vmem_shared>>) dst(%dma_wait3A_18 : memref<640x128xf32, #tpu.memory_space<hbm>>)
      tpu.yield
    }) : () -> ()
    return
  }
}

module attributes {stable_mosaic.version = 14 : i64} {
  func.func @body(%arg0: i32, %arg1: memref<2000x128xf32, #tpu.memory_space<vmem>>, %arg2: memref<2000x16xf32, #tpu.memory_space<vmem>>, %arg3: memref<128x384xf32, #tpu.memory_space<vmem>>, %arg4: memref<2000x384xf32, #tpu.memory_space<vmem>>, %arg5: memref<2000x256xf32, #tpu.memory_space<vmem>>) attributes {dimension_semantics = [#tpu.dimension_semantics<arbitrary>], iteration_bounds = array<i64: 5>, scalar_prefetch = 0 : i64, scratch_operands = 0 : i64, tpu.core_type = #tpu.core_type<tc>, window_params = [{transform_indices = @transform_0, window_bounds = array<i64: 2000, 128>}, {transform_indices = @transform_1, window_bounds = array<i64: 2000, 16>}, {pipeline_mode = #tpu.pipeline_mode<synchronous>, transform_indices = @transform_2, window_bounds = array<i64: 128, 384>}, {transform_indices = @transform_3, window_bounds = array<i64: 2000, 384>}, {transform_indices = @transform_4, window_bounds = array<i64: 2000, 256>}]} {
    %get3A = arith.constant 0 : index
    %get3A_0 = arith.constant 0 : index
    %get3A_1 = vector.load %arg1[%get3A, %get3A_0] : memref<2000x128xf32, #tpu.memory_space<vmem>>, vector<2000x128xf32>
    %get3A_2 = arith.constant 0 : index
    %get3A_3 = arith.constant 0 : index
    %get3A_4 = vector.load %arg3[%get3A_2, %get3A_3] : memref<128x384xf32, #tpu.memory_space<vmem>>, vector<128x384xf32>
    %dot_general3A = arith.constant dense<0.000000e+00> : vector<2000x384xf32>
    %dot_general3A_5 = tpu.matmul %get3A_1, %get3A_4, %dot_general3A {dimension_numbers = #tpu.dot_dimension_numbers<[1], [0], [0], [1], [0, 0, 1, 1], [], []>, transpose_lhs_hint = false} : vector<2000x128xf32>, vector<128x384xf32>, vector<2000x384xf32> -> vector<2000x384xf32>
    %broadcast_in_dim3A = arith.constant 0.000000e+00 : f32
    %broadcast_in_dim3A_6 = vector.broadcast %broadcast_in_dim3A : f32 to vector<2000x112xf32>
    %slice3A = vector.extract_strided_slice %dot_general3A_5 {offsets = [0, 128], sizes = [2000, 128], strides = [1, 1]} : vector<2000x384xf32> to vector<2000x128xf32>
    %slice3A_7 = vector.extract_strided_slice %dot_general3A_5 {offsets = [0, 256], sizes = [2000, 128], strides = [1, 1]} : vector<2000x384xf32> to vector<2000x128xf32>
    %get3A_8 = arith.constant 0 : index
    %get3A_9 = arith.constant 0 : index
    %get3A_10 = vector.load %arg2[%get3A_8, %get3A_9] : memref<2000x16xf32, #tpu.memory_space<vmem>>, vector<2000x16xf32>
    %concatenate3A = tpu.concatenate %slice3A, %slice3A_7, %get3A_10, %broadcast_in_dim3A_6 in 1 : vector<2000x128xf32>, vector<2000x128xf32>, vector<2000x16xf32>, vector<2000x112xf32> -> vector<2000x384xf32>
    %swap3A = arith.constant 0 : index
    %swap3A_11 = arith.constant 0 : index
    %swap3A_12 = vector.load %arg4[%swap3A, %swap3A_11] : memref<2000x384xf32, #tpu.memory_space<vmem>>, vector<2000x384xf32>
    tpu.vector_store %arg4[%swap3A, %swap3A_11], %concatenate3A {strides = array<i32>} : memref<2000x384xf32, #tpu.memory_space<vmem>>, vector<2000x384xf32>,
    %slice3A_13 = vector.extract_strided_slice %dot_general3A_5 {offsets = [0, 0], sizes = [2000, 128], strides = [1, 1]} : vector<2000x384xf32> to vector<2000x128xf32>
    %get3A_14 = arith.constant 0 : index
    %get3A_15 = arith.constant 0 : index
    %get3A_16 = vector.load %arg2[%get3A_14, %get3A_15] : memref<2000x16xf32, #tpu.memory_space<vmem>>, vector<2000x16xf32>
    %concatenate3A_17 = tpu.concatenate %slice3A_13, %get3A_16, %broadcast_in_dim3A_6 in 1 : vector<2000x128xf32>, vector<2000x16xf32>, vector<2000x112xf32> -> vector<2000x256xf32>
    %swap3A_18 = arith.constant 0 : index
    %swap3A_19 = arith.constant 0 : index
    %swap3A_20 = vector.load %arg5[%swap3A_18, %swap3A_19] : memref<2000x256xf32, #tpu.memory_space<vmem>>, vector<2000x256xf32>
    tpu.vector_store %arg5[%swap3A_18, %swap3A_19], %concatenate3A_17 {strides = array<i32>} : memref<2000x256xf32, #tpu.memory_space<vmem>>, vector<2000x256xf32>,
    return
  }
  func.func @transform_0(%arg0: i32) -> (i32, i32) {
    %c0_i32 = arith.constant 0 : i32
    %c0_i32_0 = arith.constant 0 : i32
    return %arg0, %c0_i32 : i32, i32
  }
  func.func @transform_1(%arg0: i32) -> (i32, i32) {
    %c0_i32 = arith.constant 0 : i32
    %c0_i32_0 = arith.constant 0 : i32
    return %arg0, %c0_i32 : i32, i32
  }
  func.func @transform_2(%arg0: i32) -> (i32, i32) {
    %c0_i32 = arith.constant 0 : i32
    %c0_i32_0 = arith.constant 0 : i32
    %c0_i32_1 = arith.constant 0 : i32
    return %c0_i32, %c0_i32_0 : i32, i32
  }
  func.func @transform_3(%arg0: i32) -> (i32, i32) {
    %c0_i32 = arith.constant 0 : i32
    %c0_i32_0 = arith.constant 0 : i32
    return %arg0, %c0_i32 : i32, i32
  }
  func.func @transform_4(%arg0: i32) -> (i32, i32) {
    %c0_i32 = arith.constant 0 : i32
    %c0_i32_0 = arith.constant 0 : i32
    return %arg0, %c0_i32 : i32, i32
  }
}

module attributes {stable_mosaic.version = 14 : i64} {
  func.func @body(%arg0: i32, %arg1: memref<2000x384xf32, #tpu.memory_space<vmem>>, %arg2: memref<2000x256xf32, #tpu.memory_space<vmem>>, %arg3: memref<2000x4xf32, #tpu.memory_space<vmem>>, %arg4: memref<80x128xf32, #tpu.memory_space<vmem>>, %arg5: memref<80x128xf32, #tpu.memory_space<vmem>>, %arg6: memref<4x80xf32, #tpu.memory_space<vmem>>, %arg7: memref<20x80xf32, #tpu.memory_space<vmem>>, %arg8: memref<128x16xf32, #tpu.memory_space<vmem>>, %arg9: memref<1x20xf32, #tpu.memory_space<vmem>>, %arg10: memref<2000x16xf32, #tpu.memory_space<vmem>>, %arg11: memref<2000x128xf32, #tpu.memory_space<vmem>>, %arg12: memref<2000x80xf32, #tpu.memory_space<vmem>>, %arg13: memref<2000x16xf32, #tpu.memory_space<vmem>>, %arg14: memref<1x16xf32, #tpu.memory_space<vmem>>) attributes {dimension_semantics = [#tpu.dimension_semantics<arbitrary>], iteration_bounds = array<i64: 80>, scalar_prefetch = 0 : i64, scratch_operands = 0 : i64, tpu.core_type = #tpu.core_type<tc>, window_params = [{transform_indices = @transform_0, window_bounds = array<i64: 2000, 384>}, {transform_indices = @transform_1, window_bounds = array<i64: 2000, 256>}, {transform_indices = @transform_2, window_bounds = array<i64: 2000, 4>}, {pipeline_mode = #tpu.pipeline_mode<synchronous>, transform_indices = @transform_3, window_bounds = array<i64: 80, 128>}, {pipeline_mode = #tpu.pipeline_mode<synchronous>, transform_indices = @transform_4, window_bounds = array<i64: 80, 128>}, {pipeline_mode = #tpu.pipeline_mode<synchronous>, transform_indices = @transform_5, window_bounds = array<i64: 4, 80>}, {pipeline_mode = #tpu.pipeline_mode<synchronous>, transform_indices = @transform_6, window_bounds = array<i64: 20, 80>}, {pipeline_mode = #tpu.pipeline_mode<synchronous>, transform_indices = @transform_7, window_bounds = array<i64: 128, 16>}, {pipeline_mode = #tpu.pipeline_mode<synchronous>, transform_indices = @transform_8, window_bounds = array<i64: 1, 20>}, {transform_indices = @transform_9, window_bounds = array<i64: 2000, 16>}, {transform_indices = @transform_10, window_bounds = array<i64: 2000, 128>}, {transform_indices = @transform_11, window_bounds = array<i64: 2000, 80>}, {transform_indices = @transform_12, window_bounds = array<i64: 2000, 16>}, {pipeline_mode = #tpu.pipeline_mode<synchronous>, transform_indices = @transform_13, window_bounds = array<i64: 1, 16>}]} {
    %get3A = arith.constant 0 : index
    %get3A_0 = arith.constant 0 : index
    %get3A_1 = vector.load %arg1[%get3A, %get3A_0] : memref<2000x384xf32, #tpu.memory_space<vmem>>, vector<2000x384xf32>
    %get3A_2 = arith.constant 0 : index
    %get3A_3 = arith.constant 0 : index
    %get3A_4 = vector.load %arg2[%get3A_2, %get3A_3] : memref<2000x256xf32, #tpu.memory_space<vmem>>, vector<2000x256xf32>
    %slice3A = vector.extract_strided_slice %get3A_1 {offsets = [0, 0], sizes = [2000, 128], strides = [1, 1]} : vector<2000x384xf32> to vector<2000x128xf32>
    %slice3A_5 = vector.extract_strided_slice %get3A_1 {offsets = [0, 128], sizes = [2000, 128], strides = [1, 1]} : vector<2000x384xf32> to vector<2000x128xf32>
    %slice3A_6 = vector.extract_strided_slice %get3A_1 {offsets = [0, 256], sizes = [2000, 16], strides = [1, 1]} : vector<2000x384xf32> to vector<2000x16xf32>
    %slice3A_7 = vector.extract_strided_slice %get3A_4 {offsets = [0, 0], sizes = [2000, 128], strides = [1, 1]} : vector<2000x256xf32> to vector<2000x128xf32>
    %slice3A_8 = vector.extract_strided_slice %get3A_4 {offsets = [0, 128], sizes = [2000, 16], strides = [1, 1]} : vector<2000x256xf32> to vector<2000x16xf32>
    %sub3A = arith.subf %slice3A_8, %slice3A_6 : vector<2000x16xf32>
    %mul3A = arith.mulf %sub3A, %sub3A : vector<2000x16xf32>
    %reduce_sum3A = arith.constant dense<0.000000e+00> : vector<2000xf32>
    %reduce_sum3A_9 = vector.multi_reduction <add>, %mul3A, %reduce_sum3A [1] : vector<2000x16xf32> to vector<2000xf32>
    %broadcast_in_dim3A = vector.shape_cast %reduce_sum3A_9 : vector<2000xf32> to vector<2000x1xf32>
    %sqrt3A = math.sqrt %broadcast_in_dim3A : vector<2000x1xf32>
    %get3A_10 = arith.constant 0 : index
    %get3A_11 = arith.constant 0 : index
    %get3A_12 = vector.load %arg9[%get3A_10, %get3A_11] : memref<1x20xf32, #tpu.memory_space<vmem>>, vector<1x20xf32>
    %sub3A_13 = vector.broadcast %sqrt3A : vector<2000x1xf32> to vector<2000x20xf32>
    %sub3A_14 = vector.broadcast %get3A_12 : vector<1x20xf32> to vector<2000x20xf32>
    %sub3A_15 = arith.subf %sub3A_13, %sub3A_14 : vector<2000x20xf32>
    %mul3A_16 = arith.constant -1.805000e+00 : f32
    %mul3A_17 = vector.broadcast %mul3A_16 : f32 to vector<2000x20xf32>
    %mul3A_18 = arith.mulf %mul3A_17, %sub3A_15 : vector<2000x20xf32>
    %mul3A_19 = arith.mulf %mul3A_18, %sub3A_15 : vector<2000x20xf32>
    %exp3A = math.exp %mul3A_19 : vector<2000x20xf32>
    %get3A_20 = arith.constant 0 : index
    %get3A_21 = arith.constant 0 : index
    %get3A_22 = vector.load %arg3[%get3A_20, %get3A_21] : memref<2000x4xf32, #tpu.memory_space<vmem>>, vector<2000x4xf32>
    %get3A_23 = arith.constant 0 : index
    %get3A_24 = arith.constant 0 : index
    %get3A_25 = vector.load %arg6[%get3A_23, %get3A_24] : memref<4x80xf32, #tpu.memory_space<vmem>>, vector<4x80xf32>
    %dot_general3A = arith.constant dense<0.000000e+00> : vector<2000x80xf32>
    %dot_general3A_26 = tpu.matmul %get3A_22, %get3A_25, %dot_general3A {dimension_numbers = #tpu.dot_dimension_numbers<[1], [0], [0], [1], [0, 0, 1, 1], [], []>, transpose_lhs_hint = false} : vector<2000x4xf32>, vector<4x80xf32>, vector<2000x80xf32> -> vector<2000x80xf32>
    %get3A_27 = arith.constant 0 : index
    %get3A_28 = arith.constant 0 : index
    %get3A_29 = vector.load %arg7[%get3A_27, %get3A_28] : memref<20x80xf32, #tpu.memory_space<vmem>>, vector<20x80xf32>
    %dot_general3A_30 = arith.constant dense<0.000000e+00> : vector<2000x80xf32>
    %dot_general3A_31 = tpu.matmul %exp3A, %get3A_29, %dot_general3A_30 {dimension_numbers = #tpu.dot_dimension_numbers<[1], [0], [0], [1], [0, 0, 1, 1], [], []>, transpose_lhs_hint = false} : vector<2000x20xf32>, vector<20x80xf32>, vector<2000x80xf32> -> vector<2000x80xf32>
    %mul3A_32 = arith.mulf %dot_general3A_26, %dot_general3A_31 : vector<2000x80xf32>
    %get3A_33 = arith.constant 0 : index
    %get3A_34 = arith.constant 0 : index
    %get3A_35 = vector.load %arg4[%get3A_33, %get3A_34] : memref<80x128xf32, #tpu.memory_space<vmem>>, vector<80x128xf32>
    %dot_general3A_36 = arith.constant dense<0.000000e+00> : vector<2000x128xf32>
    %dot_general3A_37 = tpu.matmul %mul3A_32, %get3A_35, %dot_general3A_36 {dimension_numbers = #tpu.dot_dimension_numbers<[1], [0], [0], [1], [0, 0, 1, 1], [], []>, transpose_lhs_hint = false} : vector<2000x80xf32>, vector<80x128xf32>, vector<2000x128xf32> -> vector<2000x128xf32>
    %tanh3A = math.tanh %dot_general3A_37 : vector<2000x128xf32>
    %mul3A_38 = arith.mulf %slice3A_7, %slice3A : vector<2000x128xf32>
    %mul3A_39 = arith.mulf %mul3A_38, %tanh3A : vector<2000x128xf32>
    %get3A_40 = arith.constant 0 : index
    %get3A_41 = arith.constant 0 : index
    %get3A_42 = vector.load %arg8[%get3A_40, %get3A_41] : memref<128x16xf32, #tpu.memory_space<vmem>>, vector<128x16xf32>
    %dot_general3A_43 = arith.constant dense<0.000000e+00> : vector<2000x16xf32>
    %dot_general3A_44 = tpu.matmul %mul3A_39, %get3A_42, %dot_general3A_43 {dimension_numbers = #tpu.dot_dimension_numbers<[1], [0], [0], [1], [0, 0, 1, 1], [], []>, transpose_lhs_hint = false} : vector<2000x128xf32>, vector<128x16xf32>, vector<2000x16xf32> -> vector<2000x16xf32>
    %mul3A_45 = arith.constant 0.353553385 : f32
    %mul3A_46 = vector.broadcast %mul3A_45 : f32 to vector<2000x16xf32>
    %mul3A_47 = arith.mulf %dot_general3A_44, %mul3A_46 : vector<2000x16xf32>
    %get3A_48 = arith.constant 0 : index
    %get3A_49 = arith.constant 0 : index
    %get3A_50 = vector.load %arg5[%get3A_48, %get3A_49] : memref<80x128xf32, #tpu.memory_space<vmem>>, vector<80x128xf32>
    %dot_general3A_51 = arith.constant dense<0.000000e+00> : vector<2000x128xf32>
    %dot_general3A_52 = tpu.matmul %mul3A_32, %get3A_50, %dot_general3A_51 {dimension_numbers = #tpu.dot_dimension_numbers<[1], [0], [0], [1], [0, 0, 1, 1], [], []>, transpose_lhs_hint = false} : vector<2000x80xf32>, vector<80x128xf32>, vector<2000x128xf32> -> vector<2000x128xf32>
    %tanh3A_53 = math.tanh %dot_general3A_52 : vector<2000x128xf32>
    %mul3A_54 = arith.mulf %slice3A_5, %tanh3A_53 : vector<2000x128xf32>
    %swap3A = arith.constant 0 : index
    %swap3A_55 = arith.constant 0 : index
    %swap3A_56 = vector.load %arg10[%swap3A, %swap3A_55] : memref<2000x16xf32, #tpu.memory_space<vmem>>, vector<2000x16xf32>
    tpu.vector_store %arg10[%swap3A, %swap3A_55], %mul3A_47 {strides = array<i32>} : memref<2000x16xf32, #tpu.memory_space<vmem>>, vector<2000x16xf32>,
    %swap3A_57 = arith.constant 0 : index
    %swap3A_58 = arith.constant 0 : index
    %swap3A_59 = vector.load %arg11[%swap3A_57, %swap3A_58] : memref<2000x128xf32, #tpu.memory_space<vmem>>, vector<2000x128xf32>
    tpu.vector_store %arg11[%swap3A_57, %swap3A_58], %mul3A_54 {strides = array<i32>} : memref<2000x128xf32, #tpu.memory_space<vmem>>, vector<2000x128xf32>,
    %swap3A_60 = arith.constant 0 : index
    %swap3A_61 = arith.constant 0 : index
    %swap3A_62 = vector.load %arg12[%swap3A_60, %swap3A_61] : memref<2000x80xf32, #tpu.memory_space<vmem>>, vector<2000x80xf32>
    tpu.vector_store %arg12[%swap3A_60, %swap3A_61], %mul3A_32 {strides = array<i32>} : memref<2000x80xf32, #tpu.memory_space<vmem>>, vector<2000x80xf32>,
    %swap3A_63 = arith.constant 0 : index
    %swap3A_64 = arith.constant 0 : index
    %swap3A_65 = vector.load %arg13[%swap3A_63, %swap3A_64] : memref<2000x16xf32, #tpu.memory_space<vmem>>, vector<2000x16xf32>
    tpu.vector_store %arg13[%swap3A_63, %swap3A_64], %sub3A {strides = array<i32>} : memref<2000x16xf32, #tpu.memory_space<vmem>>, vector<2000x16xf32>,
    %eq3A = arith.constant 0 : i32
    %eq3A_66 = arith.cmpi eq, %arg0, %eq3A : i32
    %convert_element_type3A = arith.extui %eq3A_66 : i1 to i32
    %cond3A = arith.constant 0 : i32
    %cond3A_67 = arith.cmpi ne, %convert_element_type3A, %cond3A : i32
    scf.if %cond3A_67 {
      %broadcast_in_dim3A_76 = arith.constant -1.000000e+30 : f32
      %broadcast_in_dim3A_77 = vector.broadcast %broadcast_in_dim3A_76 : f32 to vector<1x16xf32>
      %swap3A_78 = arith.constant 0 : index
      %swap3A_79 = arith.constant 0 : index
      %swap3A_80 = vector.load %arg14[%swap3A_78, %swap3A_79] : memref<1x16xf32, #tpu.memory_space<vmem>>, vector<1x16xf32>
      tpu.vector_store %arg14[%swap3A_78, %swap3A_79], %broadcast_in_dim3A_77 {strides = array<i32>} : memref<1x16xf32, #tpu.memory_space<vmem>>, vector<1x16xf32>,
    } else {
    }
    %get3A_68 = arith.constant 0 : index
    %get3A_69 = arith.constant 0 : index
    %get3A_70 = vector.load %arg14[%get3A_68, %get3A_69] : memref<1x16xf32, #tpu.memory_space<vmem>>, vector<1x16xf32>
    %reduce_max3A = arith.constant dense<0xFF800000> : vector<16xf32>
    %reduce_max3A_71 = vector.multi_reduction <maximumf>, %mul3A_47, %reduce_max3A [0] : vector<2000x16xf32> to vector<16xf32>
    %broadcast_in_dim3A_72 = vector.shape_cast %reduce_max3A_71 : vector<16xf32> to vector<1x16xf32>
    %max3A = arith.maximumf %get3A_70, %broadcast_in_dim3A_72 : vector<1x16xf32>
    %swap3A_73 = arith.constant 0 : index
    %swap3A_74 = arith.constant 0 : index
    %swap3A_75 = vector.load %arg14[%swap3A_73, %swap3A_74] : memref<1x16xf32, #tpu.memory_space<vmem>>, vector<1x16xf32>
    tpu.vector_store %arg14[%swap3A_73, %swap3A_74], %max3A {strides = array<i32>} : memref<1x16xf32, #tpu.memory_space<vmem>>, vector<1x16xf32>,
    return
  }
  func.func @transform_0(%arg0: i32) -> (i32, i32) {
    %c0_i32 = arith.constant 0 : i32
    %c0_i32_0 = arith.constant 0 : i32
    return %arg0, %c0_i32 : i32, i32
  }
  func.func @transform_1(%arg0: i32) -> (i32, i32) {
    %c0_i32 = arith.constant 0 : i32
    %c0_i32_0 = arith.constant 0 : i32
    return %arg0, %c0_i32 : i32, i32
  }
  func.func @transform_2(%arg0: i32) -> (i32, i32) {
    %c0_i32 = arith.constant 0 : i32
    %c0_i32_0 = arith.constant 0 : i32
    return %arg0, %c0_i32 : i32, i32
  }
  func.func @transform_3(%arg0: i32) -> (i32, i32) {
    %c0_i32 = arith.constant 0 : i32
    %c0_i32_0 = arith.constant 0 : i32
    %c0_i32_1 = arith.constant 0 : i32
    return %c0_i32, %c0_i32_0 : i32, i32
  }
  func.func @transform_4(%arg0: i32) -> (i32, i32) {
    %c0_i32 = arith.constant 0 : i32
    %c0_i32_0 = arith.constant 0 : i32
    %c0_i32_1 = arith.constant 0 : i32
    return %c0_i32, %c0_i32_0 : i32, i32
  }
  func.func @transform_5(%arg0: i32) -> (i32, i32) {
    %c0_i32 = arith.constant 0 : i32
    %c0_i32_0 = arith.constant 0 : i32
    %c0_i32_1 = arith.constant 0 : i32
    return %c0_i32, %c0_i32_0 : i32, i32
  }
  func.func @transform_6(%arg0: i32) -> (i32, i32) {
    %c0_i32 = arith.constant 0 : i32
    %c0_i32_0 = arith.constant 0 : i32
    %c0_i32_1 = arith.constant 0 : i32
    return %c0_i32, %c0_i32_0 : i32, i32
  }
  func.func @transform_7(%arg0: i32) -> (i32, i32) {
    %c0_i32 = arith.constant 0 : i32
    %c0_i32_0 = arith.constant 0 : i32
    %c0_i32_1 = arith.constant 0 : i32
    return %c0_i32, %c0_i32_0 : i32, i32
  }
  func.func @transform_8(%arg0: i32) -> (i32, i32) {
    %c0_i32 = arith.constant 0 : i32
    %c0_i32_0 = arith.constant 0 : i32
    %c0_i32_1 = arith.constant 0 : i32
    return %c0_i32, %c0_i32_0 : i32, i32
  }
  func.func @transform_9(%arg0: i32) -> (i32, i32) {
    %c0_i32 = arith.constant 0 : i32
    %c0_i32_0 = arith.constant 0 : i32
    return %arg0, %c0_i32 : i32, i32
  }
  func.func @transform_10(%arg0: i32) -> (i32, i32) {
    %c0_i32 = arith.constant 0 : i32
    %c0_i32_0 = arith.constant 0 : i32
    return %arg0, %c0_i32 : i32, i32
  }
  func.func @transform_11(%arg0: i32) -> (i32, i32) {
    %c0_i32 = arith.constant 0 : i32
    %c0_i32_0 = arith.constant 0 : i32
    return %arg0, %c0_i32 : i32, i32
  }
  func.func @transform_12(%arg0: i32) -> (i32, i32) {
    %c0_i32 = arith.constant 0 : i32
    %c0_i32_0 = arith.constant 0 : i32
    return %arg0, %c0_i32 : i32, i32
  }
  func.func @transform_13(%arg0: i32) -> (i32, i32) {
    %c0_i32 = arith.constant 0 : i32
    %c0_i32_0 = arith.constant 0 : i32
    %c0_i32_1 = arith.constant 0 : i32
    return %c0_i32, %c0_i32_0 : i32, i32
  }
}

module attributes {stable_mosaic.version = 14 : i64} {
  func.func @body(%arg0: i32, %arg1: memref<2000x16xf32, #tpu.memory_space<vmem>>, %arg2: memref<1x16xf32, #tpu.memory_space<vmem>>, %arg3: memref<2000x128xf32, #tpu.memory_space<vmem>>, %arg4: memref<16x128xf32, #tpu.memory_space<vmem>>, %arg5: memref<2000x128xf32, #tpu.memory_space<vmem>>, %arg6: memref<2000x128xf32, #tpu.memory_space<vmem>>) attributes {dimension_semantics = [#tpu.dimension_semantics<arbitrary>], iteration_bounds = array<i64: 80>, scalar_prefetch = 0 : i64, scratch_operands = 0 : i64, tpu.core_type = #tpu.core_type<tc>, window_params = [{transform_indices = @transform_0, window_bounds = array<i64: 2000, 16>}, {pipeline_mode = #tpu.pipeline_mode<synchronous>, transform_indices = @transform_1, window_bounds = array<i64: 1, 16>}, {transform_indices = @transform_2, window_bounds = array<i64: 2000, 128>}, {pipeline_mode = #tpu.pipeline_mode<synchronous>, transform_indices = @transform_3, window_bounds = array<i64: 16, 128>}, {transform_indices = @transform_4, window_bounds = array<i64: 2000, 128>}, {transform_indices = @transform_5, window_bounds = array<i64: 2000, 128>}]} {
    %get3A = arith.constant 0 : index
    %get3A_0 = arith.constant 0 : index
    %get3A_1 = vector.load %arg1[%get3A, %get3A_0] : memref<2000x16xf32, #tpu.memory_space<vmem>>, vector<2000x16xf32>
    %get3A_2 = arith.constant 0 : index
    %get3A_3 = arith.constant 0 : index
    %get3A_4 = vector.load %arg2[%get3A_2, %get3A_3] : memref<1x16xf32, #tpu.memory_space<vmem>>, vector<1x16xf32>
    %sub3A = vector.broadcast %get3A_4 : vector<1x16xf32> to vector<2000x16xf32>
    %sub3A_5 = arith.subf %get3A_1, %sub3A : vector<2000x16xf32>
    %max3A = arith.constant -8.000000e+01 : f32
    %max3A_6 = vector.broadcast %max3A : f32 to vector<2000x16xf32>
    %max3A_7 = arith.maximumf %sub3A_5, %max3A_6 : vector<2000x16xf32>
    %exp3A = math.exp %max3A_7 : vector<2000x16xf32>
    %get3A_8 = arith.constant 0 : index
    %get3A_9 = arith.constant 0 : index
    %get3A_10 = vector.load %arg4[%get3A_8, %get3A_9] : memref<16x128xf32, #tpu.memory_space<vmem>>, vector<16x128xf32>
    %dot_general3A = arith.constant dense<0.000000e+00> : vector<2000x128xf32>
    %dot_general3A_11 = tpu.matmul %exp3A, %get3A_10, %dot_general3A {dimension_numbers = #tpu.dot_dimension_numbers<[1], [0], [0], [1], [0, 0, 1, 1], [], []>, transpose_lhs_hint = false} : vector<2000x16xf32>, vector<16x128xf32>, vector<2000x128xf32> -> vector<2000x128xf32>
    %get3A_12 = arith.constant 0 : index
    %get3A_13 = arith.constant 0 : index
    %get3A_14 = vector.load %arg3[%get3A_12, %get3A_13] : memref<2000x128xf32, #tpu.memory_space<vmem>>, vector<2000x128xf32>
    %mul3A = arith.mulf %get3A_14, %dot_general3A_11 : vector<2000x128xf32>
    %swap3A = arith.constant 0 : index
    %swap3A_15 = arith.constant 0 : index
    %swap3A_16 = vector.load %arg5[%swap3A, %swap3A_15] : memref<2000x128xf32, #tpu.memory_space<vmem>>, vector<2000x128xf32>
    tpu.vector_store %arg5[%swap3A, %swap3A_15], %mul3A {strides = array<i32>} : memref<2000x128xf32, #tpu.memory_space<vmem>>, vector<2000x128xf32>,
    %swap3A_17 = arith.constant 0 : index
    %swap3A_18 = arith.constant 0 : index
    %swap3A_19 = vector.load %arg6[%swap3A_17, %swap3A_18] : memref<2000x128xf32, #tpu.memory_space<vmem>>, vector<2000x128xf32>
    tpu.vector_store %arg6[%swap3A_17, %swap3A_18], %dot_general3A_11 {strides = array<i32>} : memref<2000x128xf32, #tpu.memory_space<vmem>>, vector<2000x128xf32>,
    return
  }
  func.func @transform_0(%arg0: i32) -> (i32, i32) {
    %c0_i32 = arith.constant 0 : i32
    %c0_i32_0 = arith.constant 0 : i32
    return %arg0, %c0_i32 : i32, i32
  }
  func.func @transform_1(%arg0: i32) -> (i32, i32) {
    %c0_i32 = arith.constant 0 : i32
    %c0_i32_0 = arith.constant 0 : i32
    %c0_i32_1 = arith.constant 0 : i32
    return %c0_i32, %c0_i32_0 : i32, i32
  }
  func.func @transform_2(%arg0: i32) -> (i32, i32) {
    %c0_i32 = arith.constant 0 : i32
    %c0_i32_0 = arith.constant 0 : i32
    return %arg0, %c0_i32 : i32, i32
  }
  func.func @transform_3(%arg0: i32) -> (i32, i32) {
    %c0_i32 = arith.constant 0 : i32
    %c0_i32_0 = arith.constant 0 : i32
    %c0_i32_1 = arith.constant 0 : i32
    return %c0_i32, %c0_i32_0 : i32, i32
  }
  func.func @transform_4(%arg0: i32) -> (i32, i32) {
    %c0_i32 = arith.constant 0 : i32
    %c0_i32_0 = arith.constant 0 : i32
    return %arg0, %c0_i32 : i32, i32
  }
  func.func @transform_5(%arg0: i32) -> (i32, i32) {
    %c0_i32 = arith.constant 0 : i32
    %c0_i32_0 = arith.constant 0 : i32
    return %arg0, %c0_i32 : i32, i32
  }
}

module attributes {stable_mosaic.version = 14 : i64} {
  func.func @body(%arg0: i32, %arg1: memref<2000x128xf32, #tpu.memory_space<vmem>>, %arg2: memref<2000x128xf32, #tpu.memory_space<vmem>>, %arg3: memref<2000x128xf32, #tpu.memory_space<vmem>>, %arg4: memref<2000x128xf32, #tpu.memory_space<vmem>>, %arg5: memref<2000x128xf32, #tpu.memory_space<vmem>>, %arg6: memref<256x128xf32, #tpu.memory_space<vmem>>, %arg7: memref<1x128xf32, #tpu.memory_space<vmem>>, %arg8: memref<1x128xf32, #tpu.memory_space<vmem>>, %arg9: memref<1x128xf32, #tpu.memory_space<vmem>>, %arg10: memref<128x128xf32, #tpu.memory_space<vmem>>, %arg11: memref<1x128xf32, #tpu.memory_space<vmem>>, %arg12: memref<128x128xf32, #tpu.memory_space<vmem>>, %arg13: memref<1x128xf32, #tpu.memory_space<vmem>>, %arg14: memref<1x128xf32, #tpu.memory_space<vmem>>, %arg15: memref<1x128xf32, #tpu.memory_space<vmem>>, %arg16: memref<128x128xf32, #tpu.memory_space<vmem>>, %arg17: memref<1x128xf32, #tpu.memory_space<vmem>>, %arg18: memref<2000x128xf32, #tpu.memory_space<vmem>>, %arg19: memref<2000x256xf32, #tpu.memory_space<vmem>>) attributes {dimension_semantics = [#tpu.dimension_semantics<arbitrary>], iteration_bounds = array<i64: 5>, scalar_prefetch = 0 : i64, scratch_operands = 0 : i64, tpu.core_type = #tpu.core_type<tc>, window_params = [{transform_indices = @transform_0, window_bounds = array<i64: 2000, 128>}, {transform_indices = @transform_1, window_bounds = array<i64: 2000, 128>}, {transform_indices = @transform_2, window_bounds = array<i64: 2000, 128>}, {transform_indices = @transform_3, window_bounds = array<i64: 2000, 128>}, {transform_indices = @transform_4, window_bounds = array<i64: 2000, 128>}, {pipeline_mode = #tpu.pipeline_mode<synchronous>, transform_indices = @transform_5, window_bounds = array<i64: 256, 128>}, {pipeline_mode = #tpu.pipeline_mode<synchronous>, transform_indices = @transform_6, window_bounds = array<i64: 1, 128>}, {pipeline_mode = #tpu.pipeline_mode<synchronous>, transform_indices = @transform_7, window_bounds = array<i64: 1, 128>}, {pipeline_mode = #tpu.pipeline_mode<synchronous>, transform_indices = @transform_8, window_bounds = array<i64: 1, 128>}, {pipeline_mode = #tpu.pipeline_mode<synchronous>, transform_indices = @transform_9, window_bounds = array<i64: 128, 128>}, {pipeline_mode = #tpu.pipeline_mode<synchronous>, transform_indices = @transform_10, window_bounds = array<i64: 1, 128>}, {pipeline_mode = #tpu.pipeline_mode<synchronous>, transform_indices = @transform_11, window_bounds = array<i64: 128, 128>}, {pipeline_mode = #tpu.pipeline_mode<synchronous>, transform_indices = @transform_12, window_bounds = array<i64: 1, 128>}, {pipeline_mode = #tpu.pipeline_mode<synchronous>, transform_indices = @transform_13, window_bounds = array<i64: 1, 128>}, {pipeline_mode = #tpu.pipeline_mode<synchronous>, transform_indices = @transform_14, window_bounds = array<i64: 1, 128>}, {pipeline_mode = #tpu.pipeline_mode<synchronous>, transform_indices = @transform_15, window_bounds = array<i64: 128, 128>}, {pipeline_mode = #tpu.pipeline_mode<synchronous>, transform_indices = @transform_16, window_bounds = array<i64: 1, 128>}, {transform_indices = @transform_17, window_bounds = array<i64: 2000, 128>}, {transform_indices = @transform_18, window_bounds = array<i64: 2000, 256>}]} {
    %get3A = arith.constant 0 : index
    %get3A_0 = arith.constant 0 : index
    %get3A_1 = vector.load %arg1[%get3A, %get3A_0] : memref<2000x128xf32, #tpu.memory_space<vmem>>, vector<2000x128xf32>
    %get3A_2 = arith.constant 0 : index
    %get3A_3 = arith.constant 0 : index
    %get3A_4 = vector.load %arg2[%get3A_2, %get3A_3] : memref<2000x128xf32, #tpu.memory_space<vmem>>, vector<2000x128xf32>
    %add3A = arith.addf %get3A_1, %get3A_4 : vector<2000x128xf32>
    %get3A_5 = arith.constant 0 : index
    %get3A_6 = arith.constant 0 : index
    %get3A_7 = vector.load %arg3[%get3A_5, %get3A_6] : memref<2000x128xf32, #tpu.memory_space<vmem>>, vector<2000x128xf32>
    %get3A_8 = arith.constant 0 : index
    %get3A_9 = arith.constant 0 : index
    %get3A_10 = vector.load %arg4[%get3A_8, %get3A_9] : memref<2000x128xf32, #tpu.memory_space<vmem>>, vector<2000x128xf32>
    %add3A_11 = arith.addf %get3A_7, %get3A_10 : vector<2000x128xf32>
    %add3A_12 = arith.constant 1.000000e-16 : f32
    %add3A_13 = vector.broadcast %add3A_12 : f32 to vector<2000x128xf32>
    %add3A_14 = arith.addf %add3A_11, %add3A_13 : vector<2000x128xf32>
    %div3A = arith.divf %add3A, %add3A_14 : vector<2000x128xf32>
    %get3A_15 = arith.constant 0 : index
    %get3A_16 = arith.constant 0 : index
    %get3A_17 = vector.load %arg5[%get3A_15, %get3A_16] : memref<2000x128xf32, #tpu.memory_space<vmem>>, vector<2000x128xf32>
    %concatenate3A = tpu.concatenate %div3A, %get3A_17 in 1 : vector<2000x128xf32>, vector<2000x128xf32> -> vector<2000x256xf32>
    %get3A_18 = arith.constant 0 : index
    %get3A_19 = arith.constant 0 : index
    %get3A_20 = vector.load %arg6[%get3A_18, %get3A_19] : memref<256x128xf32, #tpu.memory_space<vmem>>, vector<256x128xf32>
    %dot_general3A = arith.constant dense<0.000000e+00> : vector<2000x128xf32>
    %dot_general3A_21 = tpu.matmul %concatenate3A, %get3A_20, %dot_general3A {dimension_numbers = #tpu.dot_dimension_numbers<[1], [0], [0], [1], [0, 0, 1, 1], [], []>, transpose_lhs_hint = false} : vector<2000x256xf32>, vector<256x128xf32>, vector<2000x128xf32> -> vector<2000x128xf32>
    %get3A_22 = arith.constant 0 : index
    %get3A_23 = arith.constant 0 : index
    %get3A_24 = vector.load %arg7[%get3A_22, %get3A_23] : memref<1x128xf32, #tpu.memory_space<vmem>>, vector<1x128xf32>
    %add3A_25 = vector.broadcast %get3A_24 : vector<1x128xf32> to vector<2000x128xf32>
    %add3A_26 = arith.addf %dot_general3A_21, %add3A_25 : vector<2000x128xf32>
    %get3A_27 = arith.constant 0 : index
    %get3A_28 = arith.constant 0 : index
    %get3A_29 = vector.load %arg8[%get3A_27, %get3A_28] : memref<1x128xf32, #tpu.memory_space<vmem>>, vector<1x128xf32>
    %get3A_30 = arith.constant 0 : index
    %get3A_31 = arith.constant 0 : index
    %get3A_32 = vector.load %arg9[%get3A_30, %get3A_31] : memref<1x128xf32, #tpu.memory_space<vmem>>, vector<1x128xf32>
    %reduce_sum3A = arith.constant dense<0.000000e+00> : vector<2000xf32>
    %reduce_sum3A_33 = vector.multi_reduction <add>, %add3A_26, %reduce_sum3A [1] : vector<2000x128xf32> to vector<2000xf32>
    %broadcast_in_dim3A = vector.shape_cast %reduce_sum3A_33 : vector<2000xf32> to vector<2000x1xf32>
    %div3A_34 = arith.constant 1.280000e+02 : f32
    %div3A_35 = vector.broadcast %div3A_34 : f32 to vector<2000x1xf32>
    %div3A_36 = arith.divf %broadcast_in_dim3A, %div3A_35 : vector<2000x1xf32>
    %sub3A = vector.broadcast %div3A_36 : vector<2000x1xf32> to vector<2000x128xf32>
    %sub3A_37 = arith.subf %add3A_26, %sub3A : vector<2000x128xf32>
    %integer_pow3A = arith.mulf %sub3A_37, %sub3A_37 : vector<2000x128xf32>
    %reduce_sum3A_38 = arith.constant dense<0.000000e+00> : vector<2000xf32>
    %reduce_sum3A_39 = vector.multi_reduction <add>, %integer_pow3A, %reduce_sum3A_38 [1] : vector<2000x128xf32> to vector<2000xf32>
    %broadcast_in_dim3A_40 = vector.shape_cast %reduce_sum3A_39 : vector<2000xf32> to vector<2000x1xf32>
    %div3A_41 = arith.constant 1.280000e+02 : f32
    %div3A_42 = vector.broadcast %div3A_41 : f32 to vector<2000x1xf32>
    %div3A_43 = arith.divf %broadcast_in_dim3A_40, %div3A_42 : vector<2000x1xf32>
    %sub3A_44 = vector.broadcast %div3A_36 : vector<2000x1xf32> to vector<2000x128xf32>
    %sub3A_45 = arith.subf %add3A_26, %sub3A_44 : vector<2000x128xf32>
    %add3A_46 = arith.constant 9.99999974E-6 : f32
    %add3A_47 = vector.broadcast %add3A_46 : f32 to vector<2000x1xf32>
    %add3A_48 = arith.addf %div3A_43, %add3A_47 : vector<2000x1xf32>
    %sqrt3A = math.sqrt %add3A_48 : vector<2000x1xf32>
    %div3A_49 = vector.broadcast %sqrt3A : vector<2000x1xf32> to vector<2000x128xf32>
    %div3A_50 = arith.divf %sub3A_45, %div3A_49 : vector<2000x128xf32>
    %mul3A = vector.broadcast %get3A_29 : vector<1x128xf32> to vector<2000x128xf32>
    %mul3A_51 = arith.mulf %div3A_50, %mul3A : vector<2000x128xf32>
    %add3A_52 = vector.broadcast %get3A_32 : vector<1x128xf32> to vector<2000x128xf32>
    %add3A_53 = arith.addf %mul3A_51, %add3A_52 : vector<2000x128xf32>
    %max3A = arith.constant 0.000000e+00 : f32
    %max3A_54 = vector.broadcast %max3A : f32 to vector<2000x128xf32>
    %max3A_55 = arith.maximumf %add3A_53, %max3A_54 : vector<2000x128xf32>
    %get3A_56 = arith.constant 0 : index
    %get3A_57 = arith.constant 0 : index
    %get3A_58 = vector.load %arg10[%get3A_56, %get3A_57] : memref<128x128xf32, #tpu.memory_space<vmem>>, vector<128x128xf32>
    %dot_general3A_59 = arith.constant dense<0.000000e+00> : vector<2000x128xf32>
    %dot_general3A_60 = tpu.matmul %max3A_55, %get3A_58, %dot_general3A_59 {dimension_numbers = #tpu.dot_dimension_numbers<[1], [0], [0], [1], [0, 0, 1, 1], [], []>, transpose_lhs_hint = false} : vector<2000x128xf32>, vector<128x128xf32>, vector<2000x128xf32> -> vector<2000x128xf32>
    %get3A_61 = arith.constant 0 : index
    %get3A_62 = arith.constant 0 : index
    %get3A_63 = vector.load %arg11[%get3A_61, %get3A_62] : memref<1x128xf32, #tpu.memory_space<vmem>>, vector<1x128xf32>
    %add3A_64 = vector.broadcast %get3A_63 : vector<1x128xf32> to vector<2000x128xf32>
    %add3A_65 = arith.addf %dot_general3A_60, %add3A_64 : vector<2000x128xf32>
    %get3A_66 = arith.constant 0 : index
    %get3A_67 = arith.constant 0 : index
    %get3A_68 = vector.load %arg12[%get3A_66, %get3A_67] : memref<128x128xf32, #tpu.memory_space<vmem>>, vector<128x128xf32>
    %dot_general3A_69 = arith.constant dense<0.000000e+00> : vector<2000x128xf32>
    %dot_general3A_70 = tpu.matmul %add3A_65, %get3A_68, %dot_general3A_69 {dimension_numbers = #tpu.dot_dimension_numbers<[1], [0], [0], [1], [0, 0, 1, 1], [], []>, transpose_lhs_hint = false} : vector<2000x128xf32>, vector<128x128xf32>, vector<2000x128xf32> -> vector<2000x128xf32>
    %get3A_71 = arith.constant 0 : index
    %get3A_72 = arith.constant 0 : index
    %get3A_73 = vector.load %arg13[%get3A_71, %get3A_72] : memref<1x128xf32, #tpu.memory_space<vmem>>, vector<1x128xf32>
    %add3A_74 = vector.broadcast %get3A_73 : vector<1x128xf32> to vector<2000x128xf32>
    %add3A_75 = arith.addf %dot_general3A_70, %add3A_74 : vector<2000x128xf32>
    %get3A_76 = arith.constant 0 : index
    %get3A_77 = arith.constant 0 : index
    %get3A_78 = vector.load %arg14[%get3A_76, %get3A_77] : memref<1x128xf32, #tpu.memory_space<vmem>>, vector<1x128xf32>
    %get3A_79 = arith.constant 0 : index
    %get3A_80 = arith.constant 0 : index
    %get3A_81 = vector.load %arg15[%get3A_79, %get3A_80] : memref<1x128xf32, #tpu.memory_space<vmem>>, vector<1x128xf32>
    %reduce_sum3A_82 = arith.constant dense<0.000000e+00> : vector<2000xf32>
    %reduce_sum3A_83 = vector.multi_reduction <add>, %add3A_75, %reduce_sum3A_82 [1] : vector<2000x128xf32> to vector<2000xf32>
    %broadcast_in_dim3A_84 = vector.shape_cast %reduce_sum3A_83 : vector<2000xf32> to vector<2000x1xf32>
    %div3A_85 = arith.constant 1.280000e+02 : f32
    %div3A_86 = vector.broadcast %div3A_85 : f32 to vector<2000x1xf32>
    %div3A_87 = arith.divf %broadcast_in_dim3A_84, %div3A_86 : vector<2000x1xf32>
    %sub3A_88 = vector.broadcast %div3A_87 : vector<2000x1xf32> to vector<2000x128xf32>
    %sub3A_89 = arith.subf %add3A_75, %sub3A_88 : vector<2000x128xf32>
    %integer_pow3A_90 = arith.mulf %sub3A_89, %sub3A_89 : vector<2000x128xf32>
    %reduce_sum3A_91 = arith.constant dense<0.000000e+00> : vector<2000xf32>
    %reduce_sum3A_92 = vector.multi_reduction <add>, %integer_pow3A_90, %reduce_sum3A_91 [1] : vector<2000x128xf32> to vector<2000xf32>
    %broadcast_in_dim3A_93 = vector.shape_cast %reduce_sum3A_92 : vector<2000xf32> to vector<2000x1xf32>
    %div3A_94 = arith.constant 1.280000e+02 : f32
    %div3A_95 = vector.broadcast %div3A_94 : f32 to vector<2000x1xf32>
    %div3A_96 = arith.divf %broadcast_in_dim3A_93, %div3A_95 : vector<2000x1xf32>
    %sub3A_97 = vector.broadcast %div3A_87 : vector<2000x1xf32> to vector<2000x128xf32>
    %sub3A_98 = arith.subf %add3A_75, %sub3A_97 : vector<2000x128xf32>
    %add3A_99 = arith.constant 9.99999974E-6 : f32
    %add3A_100 = vector.broadcast %add3A_99 : f32 to vector<2000x1xf32>
    %add3A_101 = arith.addf %div3A_96, %add3A_100 : vector<2000x1xf32>
    %sqrt3A_102 = math.sqrt %add3A_101 : vector<2000x1xf32>
    %div3A_103 = vector.broadcast %sqrt3A_102 : vector<2000x1xf32> to vector<2000x128xf32>
    %div3A_104 = arith.divf %sub3A_98, %div3A_103 : vector<2000x128xf32>
    %mul3A_105 = vector.broadcast %get3A_78 : vector<1x128xf32> to vector<2000x128xf32>
    %mul3A_106 = arith.mulf %div3A_104, %mul3A_105 : vector<2000x128xf32>
    %add3A_107 = vector.broadcast %get3A_81 : vector<1x128xf32> to vector<2000x128xf32>
    %add3A_108 = arith.addf %mul3A_106, %add3A_107 : vector<2000x128xf32>
    %max3A_109 = arith.constant 0.000000e+00 : f32
    %max3A_110 = vector.broadcast %max3A_109 : f32 to vector<2000x128xf32>
    %max3A_111 = arith.maximumf %add3A_108, %max3A_110 : vector<2000x128xf32>
    %get3A_112 = arith.constant 0 : index
    %get3A_113 = arith.constant 0 : index
    %get3A_114 = vector.load %arg16[%get3A_112, %get3A_113] : memref<128x128xf32, #tpu.memory_space<vmem>>, vector<128x128xf32>
    %dot_general3A_115 = arith.constant dense<0.000000e+00> : vector<2000x128xf32>
    %dot_general3A_116 = tpu.matmul %max3A_111, %get3A_114, %dot_general3A_115 {dimension_numbers = #tpu.dot_dimension_numbers<[1], [0], [0], [1], [0, 0, 1, 1], [], []>, transpose_lhs_hint = false} : vector<2000x128xf32>, vector<128x128xf32>, vector<2000x128xf32> -> vector<2000x128xf32>
    %get3A_117 = arith.constant 0 : index
    %get3A_118 = arith.constant 0 : index
    %get3A_119 = vector.load %arg17[%get3A_117, %get3A_118] : memref<1x128xf32, #tpu.memory_space<vmem>>, vector<1x128xf32>
    %add3A_120 = vector.broadcast %get3A_119 : vector<1x128xf32> to vector<2000x128xf32>
    %add3A_121 = arith.addf %dot_general3A_116, %add3A_120 : vector<2000x128xf32>
    %swap3A = arith.constant 0 : index
    %swap3A_122 = arith.constant 0 : index
    %swap3A_123 = vector.load %arg18[%swap3A, %swap3A_122] : memref<2000x128xf32, #tpu.memory_space<vmem>>, vector<2000x128xf32>
    tpu.vector_store %arg18[%swap3A, %swap3A_122], %add3A_65 {strides = array<i32>} : memref<2000x128xf32, #tpu.memory_space<vmem>>, vector<2000x128xf32>,
    %concatenate3A_124 = tpu.concatenate %add3A_65, %add3A_121 in 1 : vector<2000x128xf32>, vector<2000x128xf32> -> vector<2000x256xf32>
    %swap3A_125 = arith.constant 0 : index
    %swap3A_126 = arith.constant 0 : index
    %swap3A_127 = vector.load %arg19[%swap3A_125, %swap3A_126] : memref<2000x256xf32, #tpu.memory_space<vmem>>, vector<2000x256xf32>
    tpu.vector_store %arg19[%swap3A_125, %swap3A_126], %concatenate3A_124 {strides = array<i32>} : memref<2000x256xf32, #tpu.memory_space<vmem>>, vector<2000x256xf32>,
    return
  }
  func.func @transform_0(%arg0: i32) -> (i32, i32) {
    %c0_i32 = arith.constant 0 : i32
    %c0_i32_0 = arith.constant 0 : i32
    return %arg0, %c0_i32 : i32, i32
  }
  func.func @transform_1(%arg0: i32) -> (i32, i32) {
    %c0_i32 = arith.constant 0 : i32
    %c0_i32_0 = arith.constant 0 : i32
    return %arg0, %c0_i32 : i32, i32
  }
  func.func @transform_2(%arg0: i32) -> (i32, i32) {
    %c0_i32 = arith.constant 0 : i32
    %c0_i32_0 = arith.constant 0 : i32
    return %arg0, %c0_i32 : i32, i32
  }
  func.func @transform_3(%arg0: i32) -> (i32, i32) {
    %c0_i32 = arith.constant 0 : i32
    %c0_i32_0 = arith.constant 0 : i32
    return %arg0, %c0_i32 : i32, i32
  }
  func.func @transform_4(%arg0: i32) -> (i32, i32) {
    %c0_i32 = arith.constant 0 : i32
    %c0_i32_0 = arith.constant 0 : i32
    return %arg0, %c0_i32 : i32, i32
  }
  func.func @transform_5(%arg0: i32) -> (i32, i32) {
    %c0_i32 = arith.constant 0 : i32
    %c0_i32_0 = arith.constant 0 : i32
    %c0_i32_1 = arith.constant 0 : i32
    return %c0_i32, %c0_i32_0 : i32, i32
  }
  func.func @transform_6(%arg0: i32) -> (i32, i32) {
    %c0_i32 = arith.constant 0 : i32
    %c0_i32_0 = arith.constant 0 : i32
    %c0_i32_1 = arith.constant 0 : i32
    return %c0_i32, %c0_i32_0 : i32, i32
  }
  func.func @transform_7(%arg0: i32) -> (i32, i32) {
    %c0_i32 = arith.constant 0 : i32
    %c0_i32_0 = arith.constant 0 : i32
    %c0_i32_1 = arith.constant 0 : i32
    return %c0_i32, %c0_i32_0 : i32, i32
  }
  func.func @transform_8(%arg0: i32) -> (i32, i32) {
    %c0_i32 = arith.constant 0 : i32
    %c0_i32_0 = arith.constant 0 : i32
    %c0_i32_1 = arith.constant 0 : i32
    return %c0_i32, %c0_i32_0 : i32, i32
  }
  func.func @transform_9(%arg0: i32) -> (i32, i32) {
    %c0_i32 = arith.constant 0 : i32
    %c0_i32_0 = arith.constant 0 : i32
    %c0_i32_1 = arith.constant 0 : i32
    return %c0_i32, %c0_i32_0 : i32, i32
  }
  func.func @transform_10(%arg0: i32) -> (i32, i32) {
    %c0_i32 = arith.constant 0 : i32
    %c0_i32_0 = arith.constant 0 : i32
    %c0_i32_1 = arith.constant 0 : i32
    return %c0_i32, %c0_i32_0 : i32, i32
  }
  func.func @transform_11(%arg0: i32) -> (i32, i32) {
    %c0_i32 = arith.constant 0 : i32
    %c0_i32_0 = arith.constant 0 : i32
    %c0_i32_1 = arith.constant 0 : i32
    return %c0_i32, %c0_i32_0 : i32, i32
  }
  func.func @transform_12(%arg0: i32) -> (i32, i32) {
    %c0_i32 = arith.constant 0 : i32
    %c0_i32_0 = arith.constant 0 : i32
    %c0_i32_1 = arith.constant 0 : i32
    return %c0_i32, %c0_i32_0 : i32, i32
  }
  func.func @transform_13(%arg0: i32) -> (i32, i32) {
    %c0_i32 = arith.constant 0 : i32
    %c0_i32_0 = arith.constant 0 : i32
    %c0_i32_1 = arith.constant 0 : i32
    return %c0_i32, %c0_i32_0 : i32, i32
  }
  func.func @transform_14(%arg0: i32) -> (i32, i32) {
    %c0_i32 = arith.constant 0 : i32
    %c0_i32_0 = arith.constant 0 : i32
    %c0_i32_1 = arith.constant 0 : i32
    return %c0_i32, %c0_i32_0 : i32, i32
  }
  func.func @transform_15(%arg0: i32) -> (i32, i32) {
    %c0_i32 = arith.constant 0 : i32
    %c0_i32_0 = arith.constant 0 : i32
    %c0_i32_1 = arith.constant 0 : i32
    return %c0_i32, %c0_i32_0 : i32, i32
  }
  func.func @transform_16(%arg0: i32) -> (i32, i32) {
    %c0_i32 = arith.constant 0 : i32
    %c0_i32_0 = arith.constant 0 : i32
    %c0_i32_1 = arith.constant 0 : i32
    return %c0_i32, %c0_i32_0 : i32, i32
  }
  func.func @transform_17(%arg0: i32) -> (i32, i32) {
    %c0_i32 = arith.constant 0 : i32
    %c0_i32_0 = arith.constant 0 : i32
    return %arg0, %c0_i32 : i32, i32
  }
  func.func @transform_18(%arg0: i32) -> (i32, i32) {
    %c0_i32 = arith.constant 0 : i32
    %c0_i32_0 = arith.constant 0 : i32
    return %arg0, %c0_i32 : i32, i32
  }
}

module attributes {stable_mosaic.version = 14 : i64} {
  func.func @body(%arg0: i32, %arg1: memref<2000x80xf32, #tpu.memory_space<vmem>>, %arg2: memref<2000x128xf32, #tpu.memory_space<vmem>>, %arg3: memref<2000x256xf32, #tpu.memory_space<vmem>>, %arg4: memref<2000x8xf32, #tpu.memory_space<vmem>>, %arg5: memref<336x128xf32, #tpu.memory_space<vmem>>, %arg6: memref<1x128xf32, #tpu.memory_space<vmem>>, %arg7: memref<1x128xf32, #tpu.memory_space<vmem>>, %arg8: memref<1x128xf32, #tpu.memory_space<vmem>>, %arg9: memref<128x128xf32, #tpu.memory_space<vmem>>, %arg10: memref<1x128xf32, #tpu.memory_space<vmem>>, %arg11: memref<336x128xf32, #tpu.memory_space<vmem>>, %arg12: memref<1x128xf32, #tpu.memory_space<vmem>>, %arg13: memref<1x128xf32, #tpu.memory_space<vmem>>, %arg14: memref<1x128xf32, #tpu.memory_space<vmem>>, %arg15: memref<128x16xf32, #tpu.memory_space<vmem>>, %arg16: memref<1x16xf32, #tpu.memory_space<vmem>>, %arg17: memref<128x16xf32, #tpu.memory_space<vmem>>, %arg18: memref<2000x16xf32, #tpu.memory_space<vmem>>, %arg19: memref<2000x16xf32, #tpu.memory_space<vmem>>, %arg20: memref<1x16xf32, #tpu.memory_space<vmem>>) attributes {dimension_semantics = [#tpu.dimension_semantics<arbitrary>], iteration_bounds = array<i64: 80>, scalar_prefetch = 0 : i64, scratch_operands = 0 : i64, tpu.core_type = #tpu.core_type<tc>, window_params = [{transform_indices = @transform_0, window_bounds = array<i64: 2000, 80>}, {transform_indices = @transform_1, window_bounds = array<i64: 2000, 128>}, {transform_indices = @transform_2, window_bounds = array<i64: 2000, 256>}, {transform_indices = @transform_3, window_bounds = array<i64: 2000, 8>}, {pipeline_mode = #tpu.pipeline_mode<synchronous>, transform_indices = @transform_4, window_bounds = array<i64: 336, 128>}, {pipeline_mode = #tpu.pipeline_mode<synchronous>, transform_indices = @transform_5, window_bounds = array<i64: 1, 128>}, {pipeline_mode = #tpu.pipeline_mode<synchronous>, transform_indices = @transform_6, window_bounds = array<i64: 1, 128>}, {pipeline_mode = #tpu.pipeline_mode<synchronous>, transform_indices = @transform_7, window_bounds = array<i64: 1, 128>}, {pipeline_mode = #tpu.pipeline_mode<synchronous>, transform_indices = @transform_8, window_bounds = array<i64: 128, 128>}, {pipeline_mode = #tpu.pipeline_mode<synchronous>, transform_indices = @transform_9, window_bounds = array<i64: 1, 128>}, {pipeline_mode = #tpu.pipeline_mode<synchronous>, transform_indices = @transform_10, window_bounds = array<i64: 336, 128>}, {pipeline_mode = #tpu.pipeline_mode<synchronous>, transform_indices = @transform_11, window_bounds = array<i64: 1, 128>}, {pipeline_mode = #tpu.pipeline_mode<synchronous>, transform_indices = @transform_12, window_bounds = array<i64: 1, 128>}, {pipeline_mode = #tpu.pipeline_mode<synchronous>, transform_indices = @transform_13, window_bounds = array<i64: 1, 128>}, {pipeline_mode = #tpu.pipeline_mode<synchronous>, transform_indices = @transform_14, window_bounds = array<i64: 128, 16>}, {pipeline_mode = #tpu.pipeline_mode<synchronous>, transform_indices = @transform_15, window_bounds = array<i64: 1, 16>}, {pipeline_mode = #tpu.pipeline_mode<synchronous>, transform_indices = @transform_16, window_bounds = array<i64: 128, 16>}, {transform_indices = @transform_17, window_bounds = array<i64: 2000, 16>}, {transform_indices = @transform_18, window_bounds = array<i64: 2000, 16>}, {pipeline_mode = #tpu.pipeline_mode<synchronous>, transform_indices = @transform_19, window_bounds = array<i64: 1, 16>}]} {
    %get3A = arith.constant 0 : index
    %get3A_0 = arith.constant 0 : index
    %get3A_1 = vector.load %arg3[%get3A, %get3A_0] : memref<2000x256xf32, #tpu.memory_space<vmem>>, vector<2000x256xf32>
    %slice3A = vector.extract_strided_slice %get3A_1 {offsets = [0, 0], sizes = [2000, 128], strides = [1, 1]} : vector<2000x256xf32> to vector<2000x128xf32>
    %slice3A_2 = vector.extract_strided_slice %get3A_1 {offsets = [0, 128], sizes = [2000, 128], strides = [1, 1]} : vector<2000x256xf32> to vector<2000x128xf32>
    %get3A_3 = arith.constant 0 : index
    %get3A_4 = arith.constant 0 : index
    %get3A_5 = vector.load %arg1[%get3A_3, %get3A_4] : memref<2000x80xf32, #tpu.memory_space<vmem>>, vector<2000x80xf32>
    %get3A_6 = arith.constant 0 : index
    %get3A_7 = arith.constant 0 : index
    %get3A_8 = vector.load %arg2[%get3A_6, %get3A_7] : memref<2000x128xf32, #tpu.memory_space<vmem>>, vector<2000x128xf32>
    %concatenate3A = tpu.concatenate %get3A_5, %slice3A, %get3A_8 in 1 : vector<2000x80xf32>, vector<2000x128xf32>, vector<2000x128xf32> -> vector<2000x336xf32>
    %get3A_9 = arith.constant 0 : index
    %get3A_10 = arith.constant 0 : index
    %get3A_11 = vector.load %arg5[%get3A_9, %get3A_10] : memref<336x128xf32, #tpu.memory_space<vmem>>, vector<336x128xf32>
    %dot_general3A = arith.constant dense<0.000000e+00> : vector<2000x128xf32>
    %dot_general3A_12 = tpu.matmul %concatenate3A, %get3A_11, %dot_general3A {dimension_numbers = #tpu.dot_dimension_numbers<[1], [0], [0], [1], [0, 0, 1, 1], [], []>, transpose_lhs_hint = false} : vector<2000x336xf32>, vector<336x128xf32>, vector<2000x128xf32> -> vector<2000x128xf32>
    %get3A_13 = arith.constant 0 : index
    %get3A_14 = arith.constant 0 : index
    %get3A_15 = vector.load %arg6[%get3A_13, %get3A_14] : memref<1x128xf32, #tpu.memory_space<vmem>>, vector<1x128xf32>
    %add3A = vector.broadcast %get3A_15 : vector<1x128xf32> to vector<2000x128xf32>
    %add3A_16 = arith.addf %dot_general3A_12, %add3A : vector<2000x128xf32>
    %get3A_17 = arith.constant 0 : index
    %get3A_18 = arith.constant 0 : index
    %get3A_19 = vector.load %arg7[%get3A_17, %get3A_18] : memref<1x128xf32, #tpu.memory_space<vmem>>, vector<1x128xf32>
    %get3A_20 = arith.constant 0 : index
    %get3A_21 = arith.constant 0 : index
    %get3A_22 = vector.load %arg8[%get3A_20, %get3A_21] : memref<1x128xf32, #tpu.memory_space<vmem>>, vector<1x128xf32>
    %reduce_sum3A = arith.constant dense<0.000000e+00> : vector<2000xf32>
    %reduce_sum3A_23 = vector.multi_reduction <add>, %add3A_16, %reduce_sum3A [1] : vector<2000x128xf32> to vector<2000xf32>
    %broadcast_in_dim3A = vector.shape_cast %reduce_sum3A_23 : vector<2000xf32> to vector<2000x1xf32>
    %div3A = arith.constant 1.280000e+02 : f32
    %div3A_24 = vector.broadcast %div3A : f32 to vector<2000x1xf32>
    %div3A_25 = arith.divf %broadcast_in_dim3A, %div3A_24 : vector<2000x1xf32>
    %sub3A = vector.broadcast %div3A_25 : vector<2000x1xf32> to vector<2000x128xf32>
    %sub3A_26 = arith.subf %add3A_16, %sub3A : vector<2000x128xf32>
    %integer_pow3A = arith.mulf %sub3A_26, %sub3A_26 : vector<2000x128xf32>
    %reduce_sum3A_27 = arith.constant dense<0.000000e+00> : vector<2000xf32>
    %reduce_sum3A_28 = vector.multi_reduction <add>, %integer_pow3A, %reduce_sum3A_27 [1] : vector<2000x128xf32> to vector<2000xf32>
    %broadcast_in_dim3A_29 = vector.shape_cast %reduce_sum3A_28 : vector<2000xf32> to vector<2000x1xf32>
    %div3A_30 = arith.constant 1.280000e+02 : f32
    %div3A_31 = vector.broadcast %div3A_30 : f32 to vector<2000x1xf32>
    %div3A_32 = arith.divf %broadcast_in_dim3A_29, %div3A_31 : vector<2000x1xf32>
    %sub3A_33 = vector.broadcast %div3A_25 : vector<2000x1xf32> to vector<2000x128xf32>
    %sub3A_34 = arith.subf %add3A_16, %sub3A_33 : vector<2000x128xf32>
    %add3A_35 = arith.constant 9.99999974E-6 : f32
    %add3A_36 = vector.broadcast %add3A_35 : f32 to vector<2000x1xf32>
    %add3A_37 = arith.addf %div3A_32, %add3A_36 : vector<2000x1xf32>
    %sqrt3A = math.sqrt %add3A_37 : vector<2000x1xf32>
    %div3A_38 = vector.broadcast %sqrt3A : vector<2000x1xf32> to vector<2000x128xf32>
    %div3A_39 = arith.divf %sub3A_34, %div3A_38 : vector<2000x128xf32>
    %mul3A = vector.broadcast %get3A_19 : vector<1x128xf32> to vector<2000x128xf32>
    %mul3A_40 = arith.mulf %div3A_39, %mul3A : vector<2000x128xf32>
    %add3A_41 = vector.broadcast %get3A_22 : vector<1x128xf32> to vector<2000x128xf32>
    %add3A_42 = arith.addf %mul3A_40, %add3A_41 : vector<2000x128xf32>
    %max3A = arith.constant 0.000000e+00 : f32
    %max3A_43 = vector.broadcast %max3A : f32 to vector<2000x128xf32>
    %max3A_44 = arith.maximumf %add3A_42, %max3A_43 : vector<2000x128xf32>
    %get3A_45 = arith.constant 0 : index
    %get3A_46 = arith.constant 0 : index
    %get3A_47 = vector.load %arg9[%get3A_45, %get3A_46] : memref<128x128xf32, #tpu.memory_space<vmem>>, vector<128x128xf32>
    %dot_general3A_48 = arith.constant dense<0.000000e+00> : vector<2000x128xf32>
    %dot_general3A_49 = tpu.matmul %max3A_44, %get3A_47, %dot_general3A_48 {dimension_numbers = #tpu.dot_dimension_numbers<[1], [0], [0], [1], [0, 0, 1, 1], [], []>, transpose_lhs_hint = false} : vector<2000x128xf32>, vector<128x128xf32>, vector<2000x128xf32> -> vector<2000x128xf32>
    %get3A_50 = arith.constant 0 : index
    %get3A_51 = arith.constant 0 : index
    %get3A_52 = vector.load %arg10[%get3A_50, %get3A_51] : memref<1x128xf32, #tpu.memory_space<vmem>>, vector<1x128xf32>
    %add3A_53 = vector.broadcast %get3A_52 : vector<1x128xf32> to vector<2000x128xf32>
    %add3A_54 = arith.addf %dot_general3A_49, %add3A_53 : vector<2000x128xf32>
    %get3A_55 = arith.constant 0 : index
    %get3A_56 = arith.constant 0 : index
    %get3A_57 = vector.load %arg11[%get3A_55, %get3A_56] : memref<336x128xf32, #tpu.memory_space<vmem>>, vector<336x128xf32>
    %dot_general3A_58 = arith.constant dense<0.000000e+00> : vector<2000x128xf32>
    %dot_general3A_59 = tpu.matmul %concatenate3A, %get3A_57, %dot_general3A_58 {dimension_numbers = #tpu.dot_dimension_numbers<[1], [0], [0], [1], [0, 0, 1, 1], [], []>, transpose_lhs_hint = false} : vector<2000x336xf32>, vector<336x128xf32>, vector<2000x128xf32> -> vector<2000x128xf32>
    %get3A_60 = arith.constant 0 : index
    %get3A_61 = arith.constant 0 : index
    %get3A_62 = vector.load %arg12[%get3A_60, %get3A_61] : memref<1x128xf32, #tpu.memory_space<vmem>>, vector<1x128xf32>
    %add3A_63 = vector.broadcast %get3A_62 : vector<1x128xf32> to vector<2000x128xf32>
    %add3A_64 = arith.addf %dot_general3A_59, %add3A_63 : vector<2000x128xf32>
    %get3A_65 = arith.constant 0 : index
    %get3A_66 = arith.constant 0 : index
    %get3A_67 = vector.load %arg13[%get3A_65, %get3A_66] : memref<1x128xf32, #tpu.memory_space<vmem>>, vector<1x128xf32>
    %get3A_68 = arith.constant 0 : index
    %get3A_69 = arith.constant 0 : index
    %get3A_70 = vector.load %arg14[%get3A_68, %get3A_69] : memref<1x128xf32, #tpu.memory_space<vmem>>, vector<1x128xf32>
    %reduce_sum3A_71 = arith.constant dense<0.000000e+00> : vector<2000xf32>
    %reduce_sum3A_72 = vector.multi_reduction <add>, %add3A_64, %reduce_sum3A_71 [1] : vector<2000x128xf32> to vector<2000xf32>
    %broadcast_in_dim3A_73 = vector.shape_cast %reduce_sum3A_72 : vector<2000xf32> to vector<2000x1xf32>
    %div3A_74 = arith.constant 1.280000e+02 : f32
    %div3A_75 = vector.broadcast %div3A_74 : f32 to vector<2000x1xf32>
    %div3A_76 = arith.divf %broadcast_in_dim3A_73, %div3A_75 : vector<2000x1xf32>
    %sub3A_77 = vector.broadcast %div3A_76 : vector<2000x1xf32> to vector<2000x128xf32>
    %sub3A_78 = arith.subf %add3A_64, %sub3A_77 : vector<2000x128xf32>
    %integer_pow3A_79 = arith.mulf %sub3A_78, %sub3A_78 : vector<2000x128xf32>
    %reduce_sum3A_80 = arith.constant dense<0.000000e+00> : vector<2000xf32>
    %reduce_sum3A_81 = vector.multi_reduction <add>, %integer_pow3A_79, %reduce_sum3A_80 [1] : vector<2000x128xf32> to vector<2000xf32>
    %broadcast_in_dim3A_82 = vector.shape_cast %reduce_sum3A_81 : vector<2000xf32> to vector<2000x1xf32>
    %div3A_83 = arith.constant 1.280000e+02 : f32
    %div3A_84 = vector.broadcast %div3A_83 : f32 to vector<2000x1xf32>
    %div3A_85 = arith.divf %broadcast_in_dim3A_82, %div3A_84 : vector<2000x1xf32>
    %sub3A_86 = vector.broadcast %div3A_76 : vector<2000x1xf32> to vector<2000x128xf32>
    %sub3A_87 = arith.subf %add3A_64, %sub3A_86 : vector<2000x128xf32>
    %add3A_88 = arith.constant 9.99999974E-6 : f32
    %add3A_89 = vector.broadcast %add3A_88 : f32 to vector<2000x1xf32>
    %add3A_90 = arith.addf %div3A_85, %add3A_89 : vector<2000x1xf32>
    %sqrt3A_91 = math.sqrt %add3A_90 : vector<2000x1xf32>
    %div3A_92 = vector.broadcast %sqrt3A_91 : vector<2000x1xf32> to vector<2000x128xf32>
    %div3A_93 = arith.divf %sub3A_87, %div3A_92 : vector<2000x128xf32>
    %mul3A_94 = vector.broadcast %get3A_67 : vector<1x128xf32> to vector<2000x128xf32>
    %mul3A_95 = arith.mulf %div3A_93, %mul3A_94 : vector<2000x128xf32>
    %add3A_96 = vector.broadcast %get3A_70 : vector<1x128xf32> to vector<2000x128xf32>
    %add3A_97 = arith.addf %mul3A_95, %add3A_96 : vector<2000x128xf32>
    %max3A_98 = arith.constant 0.000000e+00 : f32
    %max3A_99 = vector.broadcast %max3A_98 : f32 to vector<2000x128xf32>
    %max3A_100 = arith.maximumf %add3A_97, %max3A_99 : vector<2000x128xf32>
    %get3A_101 = arith.constant 0 : index
    %get3A_102 = arith.constant 0 : index
    %get3A_103 = vector.load %arg15[%get3A_101, %get3A_102] : memref<128x16xf32, #tpu.memory_space<vmem>>, vector<128x16xf32>
    %dot_general3A_104 = arith.constant dense<0.000000e+00> : vector<2000x16xf32>
    %dot_general3A_105 = tpu.matmul %max3A_100, %get3A_103, %dot_general3A_104 {dimension_numbers = #tpu.dot_dimension_numbers<[1], [0], [0], [1], [0, 0, 1, 1], [], []>, transpose_lhs_hint = false} : vector<2000x128xf32>, vector<128x16xf32>, vector<2000x16xf32> -> vector<2000x16xf32>
    %get3A_106 = arith.constant 0 : index
    %get3A_107 = arith.constant 0 : index
    %get3A_108 = vector.load %arg16[%get3A_106, %get3A_107] : memref<1x16xf32, #tpu.memory_space<vmem>>, vector<1x16xf32>
    %add3A_109 = vector.broadcast %get3A_108 : vector<1x16xf32> to vector<2000x16xf32>
    %add3A_110 = arith.addf %dot_general3A_105, %add3A_109 : vector<2000x16xf32>
    %get3A_111 = arith.constant 0 : index
    %get3A_112 = arith.constant 0 : index
    %get3A_113 = vector.load %arg4[%get3A_111, %get3A_112] : memref<2000x8xf32, #tpu.memory_space<vmem>>, vector<2000x8xf32>
    %slice3A_114 = vector.extract_strided_slice %get3A_113 {offsets = [0, 0], sizes = [2000, 1], strides = [1, 1]} : vector<2000x8xf32> to vector<2000x1xf32>
    %mul3A_115 = vector.broadcast %slice3A_114 : vector<2000x1xf32> to vector<2000x16xf32>
    %mul3A_116 = arith.mulf %add3A_110, %mul3A_115 : vector<2000x16xf32>
    %mul3A_117 = arith.mulf %slice3A_2, %add3A_54 : vector<2000x128xf32>
    %get3A_118 = arith.constant 0 : index
    %get3A_119 = arith.constant 0 : index
    %get3A_120 = vector.load %arg17[%get3A_118, %get3A_119] : memref<128x16xf32, #tpu.memory_space<vmem>>, vector<128x16xf32>
    %dot_general3A_121 = arith.constant dense<0.000000e+00> : vector<2000x16xf32>
    %dot_general3A_122 = tpu.matmul %mul3A_117, %get3A_120, %dot_general3A_121 {dimension_numbers = #tpu.dot_dimension_numbers<[1], [0], [0], [1], [0, 0, 1, 1], [], []>, transpose_lhs_hint = false} : vector<2000x128xf32>, vector<128x16xf32>, vector<2000x16xf32> -> vector<2000x16xf32>
    %mul3A_123 = arith.constant 0.353553385 : f32
    %mul3A_124 = vector.broadcast %mul3A_123 : f32 to vector<2000x16xf32>
    %mul3A_125 = arith.mulf %dot_general3A_122, %mul3A_124 : vector<2000x16xf32>
    %swap3A = arith.constant 0 : index
    %swap3A_126 = arith.constant 0 : index
    %swap3A_127 = vector.load %arg18[%swap3A, %swap3A_126] : memref<2000x16xf32, #tpu.memory_space<vmem>>, vector<2000x16xf32>
    tpu.vector_store %arg18[%swap3A, %swap3A_126], %mul3A_125 {strides = array<i32>} : memref<2000x16xf32, #tpu.memory_space<vmem>>, vector<2000x16xf32>,
    %swap3A_128 = arith.constant 0 : index
    %swap3A_129 = arith.constant 0 : index
    %swap3A_130 = vector.load %arg19[%swap3A_128, %swap3A_129] : memref<2000x16xf32, #tpu.memory_space<vmem>>, vector<2000x16xf32>
    tpu.vector_store %arg19[%swap3A_128, %swap3A_129], %mul3A_116 {strides = array<i32>} : memref<2000x16xf32, #tpu.memory_space<vmem>>, vector<2000x16xf32>,
    %eq3A = arith.constant 0 : i32
    %eq3A_131 = arith.cmpi eq, %arg0, %eq3A : i32
    %convert_element_type3A = arith.extui %eq3A_131 : i1 to i32
    %cond3A = arith.constant 0 : i32
    %cond3A_132 = arith.cmpi ne, %convert_element_type3A, %cond3A : i32
    scf.if %cond3A_132 {
      %broadcast_in_dim3A_142 = arith.constant -1.000000e+30 : f32
      %broadcast_in_dim3A_143 = vector.broadcast %broadcast_in_dim3A_142 : f32 to vector<1x16xf32>
      %swap3A_144 = arith.constant 0 : index
      %swap3A_145 = arith.constant 0 : index
      %swap3A_146 = vector.load %arg20[%swap3A_144, %swap3A_145] : memref<1x16xf32, #tpu.memory_space<vmem>>, vector<1x16xf32>
      tpu.vector_store %arg20[%swap3A_144, %swap3A_145], %broadcast_in_dim3A_143 {strides = array<i32>} : memref<1x16xf32, #tpu.memory_space<vmem>>, vector<1x16xf32>,
    } else {
    }
    %get3A_133 = arith.constant 0 : index
    %get3A_134 = arith.constant 0 : index
    %get3A_135 = vector.load %arg20[%get3A_133, %get3A_134] : memref<1x16xf32, #tpu.memory_space<vmem>>, vector<1x16xf32>
    %reduce_max3A = arith.constant dense<0xFF800000> : vector<16xf32>
    %reduce_max3A_136 = vector.multi_reduction <maximumf>, %mul3A_125, %reduce_max3A [0] : vector<2000x16xf32> to vector<16xf32>
    %broadcast_in_dim3A_137 = vector.shape_cast %reduce_max3A_136 : vector<16xf32> to vector<1x16xf32>
    %max3A_138 = arith.maximumf %get3A_135, %broadcast_in_dim3A_137 : vector<1x16xf32>
    %swap3A_139 = arith.constant 0 : index
    %swap3A_140 = arith.constant 0 : index
    %swap3A_141 = vector.load %arg20[%swap3A_139, %swap3A_140] : memref<1x16xf32, #tpu.memory_space<vmem>>, vector<1x16xf32>
    tpu.vector_store %arg20[%swap3A_139, %swap3A_140], %max3A_138 {strides = array<i32>} : memref<1x16xf32, #tpu.memory_space<vmem>>, vector<1x16xf32>,
    return
  }
  func.func @transform_0(%arg0: i32) -> (i32, i32) {
    %c0_i32 = arith.constant 0 : i32
    %c0_i32_0 = arith.constant 0 : i32
    return %arg0, %c0_i32 : i32, i32
  }
  func.func @transform_1(%arg0: i32) -> (i32, i32) {
    %c0_i32 = arith.constant 0 : i32
    %c0_i32_0 = arith.constant 0 : i32
    return %arg0, %c0_i32 : i32, i32
  }
  func.func @transform_2(%arg0: i32) -> (i32, i32) {
    %c0_i32 = arith.constant 0 : i32
    %c0_i32_0 = arith.constant 0 : i32
    return %arg0, %c0_i32 : i32, i32
  }
  func.func @transform_3(%arg0: i32) -> (i32, i32) {
    %c0_i32 = arith.constant 0 : i32
    %c0_i32_0 = arith.constant 0 : i32
    return %arg0, %c0_i32 : i32, i32
  }
  func.func @transform_4(%arg0: i32) -> (i32, i32) {
    %c0_i32 = arith.constant 0 : i32
    %c0_i32_0 = arith.constant 0 : i32
    %c0_i32_1 = arith.constant 0 : i32
    return %c0_i32, %c0_i32_0 : i32, i32
  }
  func.func @transform_5(%arg0: i32) -> (i32, i32) {
    %c0_i32 = arith.constant 0 : i32
    %c0_i32_0 = arith.constant 0 : i32
    %c0_i32_1 = arith.constant 0 : i32
    return %c0_i32, %c0_i32_0 : i32, i32
  }
  func.func @transform_6(%arg0: i32) -> (i32, i32) {
    %c0_i32 = arith.constant 0 : i32
    %c0_i32_0 = arith.constant 0 : i32
    %c0_i32_1 = arith.constant 0 : i32
    return %c0_i32, %c0_i32_0 : i32, i32
  }
  func.func @transform_7(%arg0: i32) -> (i32, i32) {
    %c0_i32 = arith.constant 0 : i32
    %c0_i32_0 = arith.constant 0 : i32
    %c0_i32_1 = arith.constant 0 : i32
    return %c0_i32, %c0_i32_0 : i32, i32
  }
  func.func @transform_8(%arg0: i32) -> (i32, i32) {
    %c0_i32 = arith.constant 0 : i32
    %c0_i32_0 = arith.constant 0 : i32
    %c0_i32_1 = arith.constant 0 : i32
    return %c0_i32, %c0_i32_0 : i32, i32
  }
  func.func @transform_9(%arg0: i32) -> (i32, i32) {
    %c0_i32 = arith.constant 0 : i32
    %c0_i32_0 = arith.constant 0 : i32
    %c0_i32_1 = arith.constant 0 : i32
    return %c0_i32, %c0_i32_0 : i32, i32
  }
  func.func @transform_10(%arg0: i32) -> (i32, i32) {
    %c0_i32 = arith.constant 0 : i32
    %c0_i32_0 = arith.constant 0 : i32
    %c0_i32_1 = arith.constant 0 : i32
    return %c0_i32, %c0_i32_0 : i32, i32
  }
  func.func @transform_11(%arg0: i32) -> (i32, i32) {
    %c0_i32 = arith.constant 0 : i32
    %c0_i32_0 = arith.constant 0 : i32
    %c0_i32_1 = arith.constant 0 : i32
    return %c0_i32, %c0_i32_0 : i32, i32
  }
  func.func @transform_12(%arg0: i32) -> (i32, i32) {
    %c0_i32 = arith.constant 0 : i32
    %c0_i32_0 = arith.constant 0 : i32
    %c0_i32_1 = arith.constant 0 : i32
    return %c0_i32, %c0_i32_0 : i32, i32
  }
  func.func @transform_13(%arg0: i32) -> (i32, i32) {
    %c0_i32 = arith.constant 0 : i32
    %c0_i32_0 = arith.constant 0 : i32
    %c0_i32_1 = arith.constant 0 : i32
    return %c0_i32, %c0_i32_0 : i32, i32
  }
  func.func @transform_14(%arg0: i32) -> (i32, i32) {
    %c0_i32 = arith.constant 0 : i32
    %c0_i32_0 = arith.constant 0 : i32
    %c0_i32_1 = arith.constant 0 : i32
    return %c0_i32, %c0_i32_0 : i32, i32
  }
  func.func @transform_15(%arg0: i32) -> (i32, i32) {
    %c0_i32 = arith.constant 0 : i32
    %c0_i32_0 = arith.constant 0 : i32
    %c0_i32_1 = arith.constant 0 : i32
    return %c0_i32, %c0_i32_0 : i32, i32
  }
  func.func @transform_16(%arg0: i32) -> (i32, i32) {
    %c0_i32 = arith.constant 0 : i32
    %c0_i32_0 = arith.constant 0 : i32
    %c0_i32_1 = arith.constant 0 : i32
    return %c0_i32, %c0_i32_0 : i32, i32
  }
  func.func @transform_17(%arg0: i32) -> (i32, i32) {
    %c0_i32 = arith.constant 0 : i32
    %c0_i32_0 = arith.constant 0 : i32
    return %arg0, %c0_i32 : i32, i32
  }
  func.func @transform_18(%arg0: i32) -> (i32, i32) {
    %c0_i32 = arith.constant 0 : i32
    %c0_i32_0 = arith.constant 0 : i32
    return %arg0, %c0_i32 : i32, i32
  }
  func.func @transform_19(%arg0: i32) -> (i32, i32) {
    %c0_i32 = arith.constant 0 : i32
    %c0_i32_0 = arith.constant 0 : i32
    %c0_i32_1 = arith.constant 0 : i32
    return %c0_i32, %c0_i32_0 : i32, i32
  }
}

module attributes {stable_mosaic.version = 14 : i64} {
  func.func @body(%arg0: i32, %arg1: memref<2000x16xf32, #tpu.memory_space<vmem>>, %arg2: memref<1x16xf32, #tpu.memory_space<vmem>>, %arg3: memref<2000x16xf32, #tpu.memory_space<vmem>>, %arg4: memref<2000x16xf32, #tpu.memory_space<vmem>>, %arg5: memref<16x128xf32, #tpu.memory_space<vmem>>, %arg6: memref<16x128xf32, #tpu.memory_space<vmem>>, %arg7: memref<2000x128xf32, #tpu.memory_space<vmem>>, %arg8: memref<2000x128xf32, #tpu.memory_space<vmem>>) attributes {dimension_semantics = [#tpu.dimension_semantics<arbitrary>], iteration_bounds = array<i64: 80>, scalar_prefetch = 0 : i64, scratch_operands = 0 : i64, tpu.core_type = #tpu.core_type<tc>, window_params = [{transform_indices = @transform_0, window_bounds = array<i64: 2000, 16>}, {pipeline_mode = #tpu.pipeline_mode<synchronous>, transform_indices = @transform_1, window_bounds = array<i64: 1, 16>}, {transform_indices = @transform_2, window_bounds = array<i64: 2000, 16>}, {transform_indices = @transform_3, window_bounds = array<i64: 2000, 16>}, {pipeline_mode = #tpu.pipeline_mode<synchronous>, transform_indices = @transform_4, window_bounds = array<i64: 16, 128>}, {pipeline_mode = #tpu.pipeline_mode<synchronous>, transform_indices = @transform_5, window_bounds = array<i64: 16, 128>}, {transform_indices = @transform_6, window_bounds = array<i64: 2000, 128>}, {transform_indices = @transform_7, window_bounds = array<i64: 2000, 128>}]} {
    %get3A = arith.constant 0 : index
    %get3A_0 = arith.constant 0 : index
    %get3A_1 = vector.load %arg1[%get3A, %get3A_0] : memref<2000x16xf32, #tpu.memory_space<vmem>>, vector<2000x16xf32>
    %get3A_2 = arith.constant 0 : index
    %get3A_3 = arith.constant 0 : index
    %get3A_4 = vector.load %arg2[%get3A_2, %get3A_3] : memref<1x16xf32, #tpu.memory_space<vmem>>, vector<1x16xf32>
    %sub3A = vector.broadcast %get3A_4 : vector<1x16xf32> to vector<2000x16xf32>
    %sub3A_5 = arith.subf %get3A_1, %sub3A : vector<2000x16xf32>
    %max3A = arith.constant -8.000000e+01 : f32
    %max3A_6 = vector.broadcast %max3A : f32 to vector<2000x16xf32>
    %max3A_7 = arith.maximumf %sub3A_5, %max3A_6 : vector<2000x16xf32>
    %exp3A = math.exp %max3A_7 : vector<2000x16xf32>
    %get3A_8 = arith.constant 0 : index
    %get3A_9 = arith.constant 0 : index
    %get3A_10 = vector.load %arg3[%get3A_8, %get3A_9] : memref<2000x16xf32, #tpu.memory_space<vmem>>, vector<2000x16xf32>
    %mul3A = arith.mulf %exp3A, %get3A_10 : vector<2000x16xf32>
    %get3A_11 = arith.constant 0 : index
    %get3A_12 = arith.constant 0 : index
    %get3A_13 = vector.load %arg5[%get3A_11, %get3A_12] : memref<16x128xf32, #tpu.memory_space<vmem>>, vector<16x128xf32>
    %dot_general3A = arith.constant dense<0.000000e+00> : vector<2000x128xf32>
    %dot_general3A_14 = tpu.matmul %mul3A, %get3A_13, %dot_general3A {dimension_numbers = #tpu.dot_dimension_numbers<[1], [0], [0], [1], [0, 0, 1, 1], [], []>, transpose_lhs_hint = false} : vector<2000x16xf32>, vector<16x128xf32>, vector<2000x128xf32> -> vector<2000x128xf32>
    %get3A_15 = arith.constant 0 : index
    %get3A_16 = arith.constant 0 : index
    %get3A_17 = vector.load %arg4[%get3A_15, %get3A_16] : memref<2000x16xf32, #tpu.memory_space<vmem>>, vector<2000x16xf32>
    %get3A_18 = arith.constant 0 : index
    %get3A_19 = arith.constant 0 : index
    %get3A_20 = vector.load %arg6[%get3A_18, %get3A_19] : memref<16x128xf32, #tpu.memory_space<vmem>>, vector<16x128xf32>
    %dot_general3A_21 = arith.constant dense<0.000000e+00> : vector<2000x128xf32>
    %dot_general3A_22 = tpu.matmul %get3A_17, %get3A_20, %dot_general3A_21 {dimension_numbers = #tpu.dot_dimension_numbers<[1], [0], [0], [1], [0, 0, 1, 1], [], []>, transpose_lhs_hint = false} : vector<2000x16xf32>, vector<16x128xf32>, vector<2000x128xf32> -> vector<2000x128xf32>
    %mul3A_23 = arith.mulf %dot_general3A_14, %dot_general3A_22 : vector<2000x128xf32>
    %swap3A = arith.constant 0 : index
    %swap3A_24 = arith.constant 0 : index
    %swap3A_25 = vector.load %arg7[%swap3A, %swap3A_24] : memref<2000x128xf32, #tpu.memory_space<vmem>>, vector<2000x128xf32>
    tpu.vector_store %arg7[%swap3A, %swap3A_24], %mul3A_23 {strides = array<i32>} : memref<2000x128xf32, #tpu.memory_space<vmem>>, vector<2000x128xf32>,
    %get3A_26 = arith.constant 0 : index
    %get3A_27 = arith.constant 0 : index
    %get3A_28 = vector.load %arg5[%get3A_26, %get3A_27] : memref<16x128xf32, #tpu.memory_space<vmem>>, vector<16x128xf32>
    %dot_general3A_29 = arith.constant dense<0.000000e+00> : vector<2000x128xf32>
    %dot_general3A_30 = tpu.matmul %exp3A, %get3A_28, %dot_general3A_29 {dimension_numbers = #tpu.dot_dimension_numbers<[1], [0], [0], [1], [0, 0, 1, 1], [], []>, transpose_lhs_hint = false} : vector<2000x16xf32>, vector<16x128xf32>, vector<2000x128xf32> -> vector<2000x128xf32>
    %swap3A_31 = arith.constant 0 : index
    %swap3A_32 = arith.constant 0 : index
    %swap3A_33 = vector.load %arg8[%swap3A_31, %swap3A_32] : memref<2000x128xf32, #tpu.memory_space<vmem>>, vector<2000x128xf32>
    tpu.vector_store %arg8[%swap3A_31, %swap3A_32], %dot_general3A_30 {strides = array<i32>} : memref<2000x128xf32, #tpu.memory_space<vmem>>, vector<2000x128xf32>,
    return
  }
  func.func @transform_0(%arg0: i32) -> (i32, i32) {
    %c0_i32 = arith.constant 0 : i32
    %c0_i32_0 = arith.constant 0 : i32
    return %arg0, %c0_i32 : i32, i32
  }
  func.func @transform_1(%arg0: i32) -> (i32, i32) {
    %c0_i32 = arith.constant 0 : i32
    %c0_i32_0 = arith.constant 0 : i32
    %c0_i32_1 = arith.constant 0 : i32
    return %c0_i32, %c0_i32_0 : i32, i32
  }
  func.func @transform_2(%arg0: i32) -> (i32, i32) {
    %c0_i32 = arith.constant 0 : i32
    %c0_i32_0 = arith.constant 0 : i32
    return %arg0, %c0_i32 : i32, i32
  }
  func.func @transform_3(%arg0: i32) -> (i32, i32) {
    %c0_i32 = arith.constant 0 : i32
    %c0_i32_0 = arith.constant 0 : i32
    return %arg0, %c0_i32 : i32, i32
  }
  func.func @transform_4(%arg0: i32) -> (i32, i32) {
    %c0_i32 = arith.constant 0 : i32
    %c0_i32_0 = arith.constant 0 : i32
    %c0_i32_1 = arith.constant 0 : i32
    return %c0_i32, %c0_i32_0 : i32, i32
  }
  func.func @transform_5(%arg0: i32) -> (i32, i32) {
    %c0_i32 = arith.constant 0 : i32
    %c0_i32_0 = arith.constant 0 : i32
    %c0_i32_1 = arith.constant 0 : i32
    return %c0_i32, %c0_i32_0 : i32, i32
  }
  func.func @transform_6(%arg0: i32) -> (i32, i32) {
    %c0_i32 = arith.constant 0 : i32
    %c0_i32_0 = arith.constant 0 : i32
    return %arg0, %c0_i32 : i32, i32
  }
  func.func @transform_7(%arg0: i32) -> (i32, i32) {
    %c0_i32 = arith.constant 0 : i32
    %c0_i32_0 = arith.constant 0 : i32
    return %arg0, %c0_i32 : i32, i32
  }
}

module attributes {stable_mosaic.version = 14 : i64} {
  func.func @body(%arg0: i32, %arg1: memref<2000x16xf32, #tpu.memory_space<vmem>>, %arg2: memref<2000x128xf32, #tpu.memory_space<vmem>>, %arg3: memref<2000x128xf32, #tpu.memory_space<vmem>>, %arg4: memref<2000x128xf32, #tpu.memory_space<vmem>>, %arg5: memref<2000x128xf32, #tpu.memory_space<vmem>>, %arg6: memref<2000x1xf32, #tpu.memory_space<vmem>>, %arg7: memref<128x16xf32, #tpu.memory_space<vmem>>, %arg8: memref<2000x16xf32, #tpu.memory_space<vmem>>) attributes {dimension_semantics = [#tpu.dimension_semantics<arbitrary>], iteration_bounds = array<i64: 5>, scalar_prefetch = 0 : i64, scratch_operands = 0 : i64, tpu.core_type = #tpu.core_type<tc>, window_params = [{transform_indices = @transform_0, window_bounds = array<i64: 2000, 16>}, {transform_indices = @transform_1, window_bounds = array<i64: 2000, 128>}, {transform_indices = @transform_2, window_bounds = array<i64: 2000, 128>}, {transform_indices = @transform_3, window_bounds = array<i64: 2000, 128>}, {transform_indices = @transform_4, window_bounds = array<i64: 2000, 128>}, {transform_indices = @transform_5, window_bounds = array<i64: 2000, 1>}, {pipeline_mode = #tpu.pipeline_mode<synchronous>, transform_indices = @transform_6, window_bounds = array<i64: 128, 16>}, {transform_indices = @transform_7, window_bounds = array<i64: 2000, 16>}]} {
    %get3A = arith.constant 0 : index
    %get3A_0 = arith.constant 0 : index
    %get3A_1 = vector.load %arg2[%get3A, %get3A_0] : memref<2000x128xf32, #tpu.memory_space<vmem>>, vector<2000x128xf32>
    %get3A_2 = arith.constant 0 : index
    %get3A_3 = arith.constant 0 : index
    %get3A_4 = vector.load %arg3[%get3A_2, %get3A_3] : memref<2000x128xf32, #tpu.memory_space<vmem>>, vector<2000x128xf32>
    %add3A = arith.addf %get3A_1, %get3A_4 : vector<2000x128xf32>
    %get3A_5 = arith.constant 0 : index
    %get3A_6 = arith.constant 0 : index
    %get3A_7 = vector.load %arg4[%get3A_5, %get3A_6] : memref<2000x128xf32, #tpu.memory_space<vmem>>, vector<2000x128xf32>
    %get3A_8 = arith.constant 0 : index
    %get3A_9 = arith.constant 0 : index
    %get3A_10 = vector.load %arg5[%get3A_8, %get3A_9] : memref<2000x128xf32, #tpu.memory_space<vmem>>, vector<2000x128xf32>
    %add3A_11 = arith.addf %get3A_7, %get3A_10 : vector<2000x128xf32>
    %add3A_12 = arith.constant 1.000000e-16 : f32
    %add3A_13 = vector.broadcast %add3A_12 : f32 to vector<2000x128xf32>
    %add3A_14 = arith.addf %add3A_11, %add3A_13 : vector<2000x128xf32>
    %div3A = arith.divf %add3A, %add3A_14 : vector<2000x128xf32>
    %get3A_15 = arith.constant 0 : index
    %get3A_16 = arith.constant 0 : index
    %get3A_17 = vector.load %arg7[%get3A_15, %get3A_16] : memref<128x16xf32, #tpu.memory_space<vmem>>, vector<128x16xf32>
    %dot_general3A = arith.constant dense<0.000000e+00> : vector<2000x16xf32>
    %dot_general3A_18 = tpu.matmul %div3A, %get3A_17, %dot_general3A {dimension_numbers = #tpu.dot_dimension_numbers<[1], [0], [0], [1], [0, 0, 1, 1], [], []>, transpose_lhs_hint = false} : vector<2000x128xf32>, vector<128x16xf32>, vector<2000x16xf32> -> vector<2000x16xf32>
    %mul3A = arith.constant 6.250000e-02 : f32
    %mul3A_19 = vector.broadcast %mul3A : f32 to vector<2000x16xf32>
    %mul3A_20 = arith.mulf %dot_general3A_18, %mul3A_19 : vector<2000x16xf32>
    %get3A_21 = arith.constant 0 : index
    %get3A_22 = arith.constant 0 : index
    %get3A_23 = vector.load %arg1[%get3A_21, %get3A_22] : memref<2000x16xf32, #tpu.memory_space<vmem>>, vector<2000x16xf32>
    %get3A_24 = arith.constant 0 : index
    %get3A_25 = arith.constant 0 : index
    %get3A_26 = vector.load %arg6[%get3A_24, %get3A_25] : memref<2000x1xf32, #tpu.memory_space<vmem>>, vector<2000x1xf32>
    %mul3A_27 = vector.broadcast %get3A_26 : vector<2000x1xf32> to vector<2000x16xf32>
    %mul3A_28 = arith.mulf %mul3A_20, %mul3A_27 : vector<2000x16xf32>
    %add3A_29 = arith.addf %get3A_23, %mul3A_28 : vector<2000x16xf32>
    %swap3A = arith.constant 0 : index
    %swap3A_30 = arith.constant 0 : index
    %swap3A_31 = vector.load %arg8[%swap3A, %swap3A_30] : memref<2000x16xf32, #tpu.memory_space<vmem>>, vector<2000x16xf32>
    tpu.vector_store %arg8[%swap3A, %swap3A_30], %add3A_29 {strides = array<i32>} : memref<2000x16xf32, #tpu.memory_space<vmem>>, vector<2000x16xf32>,
    return
  }
  func.func @transform_0(%arg0: i32) -> (i32, i32) {
    %c0_i32 = arith.constant 0 : i32
    %c0_i32_0 = arith.constant 0 : i32
    return %arg0, %c0_i32 : i32, i32
  }
  func.func @transform_1(%arg0: i32) -> (i32, i32) {
    %c0_i32 = arith.constant 0 : i32
    %c0_i32_0 = arith.constant 0 : i32
    return %arg0, %c0_i32 : i32, i32
  }
  func.func @transform_2(%arg0: i32) -> (i32, i32) {
    %c0_i32 = arith.constant 0 : i32
    %c0_i32_0 = arith.constant 0 : i32
    return %arg0, %c0_i32 : i32, i32
  }
  func.func @transform_3(%arg0: i32) -> (i32, i32) {
    %c0_i32 = arith.constant 0 : i32
    %c0_i32_0 = arith.constant 0 : i32
    return %arg0, %c0_i32 : i32, i32
  }
  func.func @transform_4(%arg0: i32) -> (i32, i32) {
    %c0_i32 = arith.constant 0 : i32
    %c0_i32_0 = arith.constant 0 : i32
    return %arg0, %c0_i32 : i32, i32
  }
  func.func @transform_5(%arg0: i32) -> (i32, i32) {
    %c0_i32 = arith.constant 0 : i32
    %c0_i32_0 = arith.constant 0 : i32
    return %arg0, %c0_i32 : i32, i32
  }
  func.func @transform_6(%arg0: i32) -> (i32, i32) {
    %c0_i32 = arith.constant 0 : i32
    %c0_i32_0 = arith.constant 0 : i32
    %c0_i32_1 = arith.constant 0 : i32
    return %c0_i32, %c0_i32_0 : i32, i32
  }
  func.func @transform_7(%arg0: i32) -> (i32, i32) {
    %c0_i32 = arith.constant 0 : i32
    %c0_i32_0 = arith.constant 0 : i32
    return %arg0, %c0_i32 : i32, i32
  }
}

</mosaic_0001>

<sc_bundles>
// kernel: kernel.15.cloned.1.call-start
scs
__scs_entry_jumppad:
0x0: {  	(pc) =	sbr.rel $0x88, $3  }
0x1: {  	(tag) =	ssettag $0x0;
	lr =	simm.s32 $0x1  }
0x2: {  	[smem:$0x3F7E] =	sst lr;
	_ =	strace $0xD0000000  }
0x3: {  	_ = 	snop  }
0x4: {  	_ = 	snop  }
0x5: {  	_ = 	snop  }
0x6: {  	_ = 	snop  }
0x7: {  	_ = 	snop  }
__scs_overlays_trampoline_lowered:
0x8: {  	[smem:$0x3F8D] =	sst s0  }
0x9: {  	[smem:$0x3F8E] =	sst s1  }
0xa: {  	[smem:$0x3F8F] =	sst s2  }
0xb: {  	[smem:$0x3F90] =	sst s3  }
0xc: {  	[smem:$0x3F91] =	sst s4  }
0xd: {  	[smem:$0x3F92] =	sst s5  }
0xe: {  	[smem:$0x3F93] =	sst s6  }
0xf: {  	[smem:$0x3F94] =	sst s7  }
0x10: {  	[smem:$0x3F95] =	sst s8  }
0x11: {  	[smem:$0x3F96] =	sst s9;
	s0 =	simm.s32 @!p0 $0x0  }
0x12: {  	s1 =	sld [smem:$0x3F7C];
	s0 =	simm.s32 @p0 $0x1  }
0x13: {  	[smem:$0x3F97] =	sst s0;
	s0 =	simm.s32 @!p1 $0x0  }
0x14: {  	s2 =	sld [smem:$0x3F7B];
	s0 =	simm.s32 @p1 $0x1  }
0x15: {  	[smem:$0x3F98] =	sst s0;
	s0 =	simm.s32 @!p2 $0x0  }
0x16: {  	s3 =	sld [smem:$0x3FDB];
	s0 =	simm.s32 @p2 $0x1  }
0x17: {  	s4 =	simm.s32 $0x1BF5;
	[smem:$0x3F9A] =	sst s0  }
0x18: {  	s0 =	sld [smem:$0x3F7D];
	_ =	swait.ge [sflag:s4], $0x0  }
0x19: {  	s7 =	sld [smem:$0x3F7E]  }
0x1a: {  	s8 =	sadd.s32 $0xFFFFE003, lr  }
0x1b: {  	s9 =	sadd.s32 $0xFFFFFEF7, lr;
	s5 =	simm.s32 $0xFFFFFFFF;
	p2 =	slt.u32 s8, $0xFFFFF086  }
0x1c: {  	p1 =	slt.u32 s9, $0xF7A;
	s5 =	simm.s32 @!p2 $0x0  }
0x1d: {  	s5 =	simm.s32 @p1 $0x1;
	p0 =	seq.s32 s7, s2  }
0x1e: {  	s7 =	smul.u32 @!p0 $0xF7A, s2;
	p2 =	seq.s32 @!p0 s5, $0x0  }
0x1f: {  	s9 =	smul.u32 $0xF7A, s1;
	s8 =	simm.s32 @!p0 $0x1BF5;
	p2 =	por !p2, p0  }
0x20: {  	[sflag:s8] =	ssyncset.s32 @!p0 $0xFFFFF086;
	s6 =	sadd.s32 @!p0 s3, s7;
	s7 =	simm.s32 @!p0 $0x108  }
0x21: {  	s3 =	sadd.s32 s3, s9;
	s6 =	sadd.s32 @!p0 $0x88, s6;
	s7 =	simm.s32 @p2 $0x1082  }
0x22: {  	[simem:s7], [sflag:s8] =	dma.local @!p0 [hbm:s6], $0xF7A  }
0x23: {  	s9 =	sor.u32 $0xD0000000, s2;
	s6 =	simm.s32 $0x108;
	_ =	swait.ge @!p0 [sflag:s8], $0x0  }
0x24: {  	s3 =	sadd.s32 $0x88, s3;
	s6 =	simm.s32 @!p1 $0x1082;
	[sflag:s4] =	ssyncset.s32 $0xFFFFF086  }
0x25: {  	[simem:s6], [sflag:s4] =	dma.local [hbm:s3], $0xF7A  }
0x26: {  	[smem:$0x3F7E] =	sst s1;
	(tag) =	ssettag s2;
	_ =	strace s9  }
0x27: {  	s1 =	sld [smem:$0x3F8E]  }
0x28: {  	s2 =	sld [smem:$0x3F8F]  }
0x29: {  	s4 =	sld [smem:$0x3F91]  }
0x2a: {  	p0 =	seq.s32 s5, $0x0;
	s5 =	sld [smem:$0x3F92]  }
0x2b: {  	s6 =	sld [smem:$0x3F93]  }
0x2c: {  	s7 =	sld [smem:$0x3F94]  }
0x2d: {  	s3 =	simm.s32 $0x108;
	s8 =	sld [smem:$0x3F95]  }
0x2e: {  	s3 =	simm.s32 @!p0 $0x1082;
	s9 =	sld [smem:$0x3F96]  }
0x2f: {  	lr =	sadd.s32 s0, s3;
	s0 =	sld [smem:$0x3F8D]  }
0x30: {  	s3 =	sld [smem:$0x3F90]  }
0x31: {  	[smem:$0x3F99] =	sst s10  }
0x32: {  	s10 =	sld [smem:$0x3F97];
	_ =	sdelay $0x3  }
0x33: {  	p0 =	seq.s32 s10, $0x1;
	s10 =	sld [smem:$0x3F99];
	_ =	sdelay $0x3  }
0x34: {  	[smem:$0x3F99] =	sst s10  }
0x35: {  	s10 =	sld [smem:$0x3F98];
	_ =	sdelay $0x3  }
0x36: {  	p1 =	seq.s32 s10, $0x1;
	s10 =	sld [smem:$0x3F99];
	_ =	sdelay $0x3  }
0x37: {  	[smem:$0x3F99] =	sst s10  }
0x38: {  	s10 =	sld [smem:$0x3F9A]  }
0x39: {  	_ = 	snop;
	(pc) =	sbr.ind lr, $3  }
0x3a: {  	_ = 	snop  }
0x3b: {  	_ = 	snop  }
0x3c: {  	p2 =	seq.s32 s10, $0x1;
	s10 =	sld [smem:$0x3F99]  }
0x3d: {  	_ =	shalt  }
0x3e: {  	_ =	shalt  }
0x3f: {  	_ =	shalt  }
0x40: {  	_ =	shalt  }
0x41: {  	_ =	shalt  }
0x42: {  	_ =	shalt  }
0x43: {  	_ =	shalt  }
0x44: {  	_ =	shalt  }
0x45: {  	_ =	shalt  }
0x46: {  	_ =	shalt  }
0x47: {  	_ =	shalt  }
0x48: {  	_ =	shalt  }
0x49: {  	_ =	shalt  }
0x4a: {  	_ =	shalt  }
0x4b: {  	_ =	shalt  }
0x4c: {  	_ =	shalt  }
0x4d: {  	_ =	shalt  }
0x4e: {  	_ =	shalt  }
0x4f: {  	_ =	shalt  }
0x50: {  	_ =	shalt  }
0x51: {  	_ =	shalt  }
0x52: {  	_ =	shalt  }
0x53: {  	_ =	shalt  }
0x54: {  	_ =	shalt  }
0x55: {  	_ =	shalt  }
0x56: {  	_ =	shalt  }
0x57: {  	_ =	shalt  }
0x58: {  	_ =	shalt  }
0x59: {  	_ =	shalt  }
0x5a: {  	_ =	shalt  }
0x5b: {  	_ =	shalt  }
0x5c: {  	_ =	shalt  }
0x5d: {  	_ =	shalt  }
0x5e: {  	_ =	shalt  }
0x5f: {  	_ =	shalt  }
0x60: {  	_ =	shalt  }
0x61: {  	_ =	shalt  }
0x62: {  	_ =	shalt  }
0x63: {  	_ =	shalt  }
0x64: {  	_ =	shalt  }
0x65: {  	_ =	shalt  }
0x66: {  	_ =	shalt  }
0x67: {  	_ =	shalt  }
0x68: {  	_ =	shalt  }
0x69: {  	_ =	shalt  }
0x6a: {  	_ =	shalt  }
0x6b: {  	_ =	shalt  }
0x6c: {  	_ =	shalt  }
0x6d: {  	_ =	shalt  }
0x6e: {  	_ =	shalt  }
0x6f: {  	_ =	shalt  }
0x70: {  	_ =	shalt  }
0x71: {  	_ =	shalt  }
0x72: {  	_ =	shalt  }
0x73: {  	_ =	shalt  }
0x74: {  	_ =	shalt  }
0x75: {  	_ =	shalt  }
0x76: {  	_ =	shalt  }
0x77: {  	_ =	shalt  }
0x78: {  	_ =	shalt  }
0x79: {  	_ =	shalt  }
0x7a: {  	_ =	shalt  }
0x7b: {  	_ =	shalt  }
0x7c: {  	_ =	shalt  }
0x7d: {  	_ =	shalt  }
0x7e: {  	_ =	shalt  }
0x7f: {  	_ =	shalt  }
0x80: {  	_ =	shalt  }
0x81: {  	_ =	shalt  }
0x82: {  	_ =	shalt  }
0x83: {  	_ =	shalt  }
0x84: {  	_ =	shalt  }
0x85: {  	_ =	shalt  }
0x86: {  	_ =	shalt  }
0x87: {  	_ =	shalt  }
.Lfunc_end0:
.L_simem_size_0:
called_computation_lowered:
.L_overlay_start_0:
0x88: {  	s2 =	sld [smem:$0x3FD9]  }
0x89: {  	s3 =	sld [smem:$0x3FFE];
	_ =	sdelay $0x1  }
0x8a: {  	s1 =	srdreg.scid  }
0x8b: {  	s0 =	sand.u32 $0x1, s1  }
0x8c: {  	s16 =	sshll.u32 s0, $0xA;
	s2 =	sadd.s32 s3, s2  }
0x8d: {  	s2 =	sadd.s32 s2, s16  }
0x8e: {  	[smem:$0x3FA5] =	sst s2  }
0x8f: {  	_ = 	snop  }
0x90: {  	(tm) =	ssettm $0x1  }
0x91: {  	s17 =	sld [smem:$0x3FFB];
	_ =	sdelay $0x3  }
0x92: {  	_ =	strace s17  }
0x93: {  	s2 =	sld [smem:$0x3FFC];
	_ =	sdelay $0x3  }
0x94: {  	_ =	strace s2  }
0x95: {  	s2 =	sld [smem:$0x3FFD];
	_ =	sdelay $0x3  }
0x96: {  	_ =	strace s2  }
0x97: {  	_ =	strace $0x8FFFFFFF  }
0x98: {  	s18 =	sld [smem:$0x3FDB];
	_ =	sdelay $0x1  }
0x99: {  	s19 =	simm.s32 $_scs_section_size  }
0x9a: {  	s4 =	simm.s32 $_size__tile_overlayer_lowered;
	s5 =	simm.s32 $_tile_overlayer_lowered  }
0x9b: {  	s22 =	simm.s32 $0x1BFF;
	s21 =	sshll.u32 s5, $0x1;
	s2 =	sadd.s32 s19, s18  }
0x9c: {  	s6 =	simm.s32 $0x0;
	s20 =	sshll.u32 s4, $0x1;
	s4 =	sadd.s32 s21, s2  }
0x9d: {  	[timem:s6], [sflag:s22] =	dma.local [hbm:s4], s20  }
0x9e: {  	_ =	swait.ge [sflag:s22], s20  }
0x9f: {  	s3 =	ssub.s32 $0x0, s20;
	[sflag:s22] =	ssyncset.done $0x0  }
0xa0: {  	[sflag:s22] =	ssyncadd.s32 s3;
	_ =	sdelay $0x1  }
0xa1: {  	s23 =	simm.s32 $0x1B8B  }
0xa2: {  	_ =	swait.ge [sflag:s23], $0x1  }
0xa3: {  	[sflag:s23] =	ssyncset.done $0x0  }
0xa4: {  	s25 =	simm.s32 $0x1B8E;
	s24 =	sld [smem:$0x3FFE];
	[sflag:s23] =	ssyncadd.s32 $0xFFFFFFFF  }
0xa5: {  	s26 =	simm.s32 $execute0_lowered;
	[smem:$0x3FD2] =	sst s25  }
0xa6: {  	s4 =	sshll.u32 s26, $0x1;
	_ =	strace $0x80000046;
	[dreg:$0x1] =	wrdreg $0xFFFFFFFF  }
0xa7: {  	s28 =	simm.s32 $_size_execute0_lowered;
	s2 =	sadd.s32 s2, s4;
	[dreg:$0x0] =	wrdreg $0x0  }
0xa8: {  	s4 =	sshll.u32 s28, $0x1;
	[dreg:$0x2] =	wrdreg s2  }
0xa9: {  	[dreg:$0x3] =	wrdreg s4  }
0xaa: {  	[dreg:$0x4] =	wrdreg $0xC0  }
0xab: {  	_ =	task [dreg:s6], $0x5FFFF  }
0xac: {  	[dreg:$0x1] =	wrdreg $0xFFFFFFFF  }
0xad: {  	[dreg:$0x0] =	wrdreg $0x60  }
0xae: {  	[dreg:$0x2] =	wrdreg s24  }
0xaf: {  	[dreg:$0x3] =	wrdreg $0x9  }
0xb0: {  	_ =	task.clear_ibuf [dreg:s6], $0x4FFFF;
	_ =	strace $0x90000046  }
0xb1: {  	s29 =	simm.s32 $0x9;
	_ =	strace $0x80000048  }
0xb2: {  	_ =	swait.ge [sflag:s29], $0x1  }
0xb3: {  	[sflag:s29] =	ssyncadd.s32 $0xFFFFFFFF  }
0xb4: {  	_ =	strace $0x90000048  }
0xb5: {  	_ =	sfence  }
0xb6: {  	s30 =	sld [smem:$0x0];
	_ =	sdelay $0x2  }
0xb7: {  	s31 =	sshll.u32 s1, $0xD;
	s1 =	sshrl.u32 s1, $0x2  }
0xb8: {  	s3 =	sand.u32 $0x4000, s31;
	s1 =	sadd.s32 s1, s30  }
0xb9: {  	s0 =	sor.u32 s3, s0;
	s1 =	sshll.u32 s1, $0x11  }
0xba: {  	s0 =	sor.u32 s1, s0  }
0xbb: {  	s0 =	sadd.s32 $0x8F2B, s0  }
0xbc: {  	[sflag:s0] =	ssyncadd.remote.s32 $0x1  }
0xbd: {  	_ =	sfence.sel $0xFFFF  }
0xbe: {  	[dreg:$0x0] =	wrdreg $0xFFFFFFFF;
	(pc) =	sbr.abs _section_cstart, $3  }
0xbf: {  	[dreg:$0x1] =	wrdreg $0xFFFFFFFF  }
0xc0: {  	_ =	task.clear_ibuf [dreg:s6], $0x2FFFF;
	_ =	strace $0x9FFFFFFF  }
0xc1: {  	(tm) =	ssettm $0x7FFFFFFF  }
tec
execute0_lowered:
.L_overlay_start_1:
0x0: {  	(tag) =	ssettag $0x1  }
0x1: {  	s0 =	rddreg [dreg:$0x0];
	s1 =	srdreg.scid;
	s2 =	simm.s32 $0x0  }
0x2: {  	s12 =	stileid.u32;
	s13 =	simm.s32 $0x3;
	s28 =	simm.s32 $0xE000  }
0x3: {  	s29 =	simm.s32 $0xE800;
	s30 =	simm.s32 $0xF000;
	s31 =	simm.s32 $0xF800  }
0x4: {  	s14 =	simm.s32 $0x13800;
	s15 =	simm.s32 $0x2;
	s1 =	sand.u32 $0x1, s1  }
0x5: {  	[smem:$0x7FF] =	sst s2;
	s3 =	sshll.u32 s12, $0x5;
	s7 =	smul.u32 $0x3000, s12  }
0x6: {  	s17 =	sshll.u32 s12, $0xD;
	s19 =	sshll.u32 s12, $0x1;
	s12 =	simm.s32 $0x13000  }
0x7: {  	s4 =	sshll.u32 s1, $0x4;
	_ =	strace $0x80000047;
	s16 =	ssub.s32 $0x2, s1  }
0x8: {  	s11 =	sadd.s32 s17, s0;
	s21 =	smul.u32 $0x1800, s1;
	s22 =	sshll.u32 s1, $0xC  }
0x9: {  	s26 =	sor.u32 s1, s19;
	s1 =	simm.s32 $0x10800;
	s17 =	simm.s32 $0x0  }
0xa: {  	s6 =	sor.u32 s4, s3;
	s3 =	sadd.s32 $0x39C00, s0;
	s4 =	sadd.s32 $0xAF000, s0  }
0xb: {  	s9 =	sadd.s32 s7, s0;
	s10 =	sshrl.u32 s16, $0x1;
	s23 =	sadd.s32 s22, s11  }
0xc: {  	[dreg:$0x5] =	wrdreg s26;
	s26 =	simm.s32 $0xD800;
	s11 =	simm.s32 $0x12800  }
0xd: {  	s5 =	sand.u32 $0x180, s6;
	s18 =	ssub.s32 s16, s10;
	s20 =	sand.u32 $0x70, s6  }
0xe: {  	s6 =	sadd.s32 s21, s9;
	s25 =	sadd.s32 $0x850200, s23;
	s21 =	simm.s32 $0x1  }
0xf: {  	s23 =	simm.s32 $0xC000;
	s9 =	simm.s32 $0x11800;
	s10 =	simm.s32 $0x12000  }
.Ltmp0:
0x10: {  	s8 =	sadd.s32 s5, s0;
	s5 =	sadd.s32 $0x39D00, s0;
	(pc) =	sbr.rel .LBB2_1-.Ltmp0, $4  }
0x11: {  	s7 =	smax.u32 s18, $0x1;
	s24 =	sadd.s32 $0xFD200, s6;
	[dreg:$0x4] =	wrdreg s25  }
0x12: {  	v2 =	vlaneseq.u32;
	s25 =	simm.s32 $0xD000;
	s6 =	simm.s32 $0x11000;
	[dreg:$0x2] =	wrdreg s7  }
0x13: {  	vm0 =	vmmov $0xffff;
	vm1 =	vmmov $0xff;
	v1 =	vshrl.u32 v2, $0x3;
	s0 =	sadd.s32 s20, s8;
	[dreg:$0x3] =	wrdreg s24;
	s24 =	simm.s32 $0xC800  }
0x14: {  	v0 =	vand.u32 $0x7, v2;
	v2 =	vor.u32 $0x8, v2;
	v1 =	vmul.u32 $0x8, v1;
	s7 =	sadd.s32 $0x8A00, s0;
	s8 =	sadd.s32 $0xDA00, s0;
	s0 =	simm.s32 $0x10000  }
.LBB2_5:
0x15: {  	s17 =	rddreg [dreg:$0x6]  }
0x16: {  	s16 =	rddreg [dreg:$0x2];
	s17 =	sadd.s32 $0x1, s17  }
0x17: {  	p0 =	sne.s32 s17, s16  }
.Ltmp1:
0x18: {  	_ = 	snop;
	(pc) =	sbr.rel @!p0 .LBB2_6-.Ltmp1, $1  }
0x19: {  	_ =	sdelay $0x3  }
.LBB2_1:
.Ltmp2:
0x1a: {  	(pc) =	sbr.rel .LBB2_2-.Ltmp2, $4  }
0x1b: {  	[dreg:$0x6] =	wrdreg s17  }
0x1c: {  	s16 =	rddreg [dreg:$0x5]  }
0x1d: {  	s17 =	rddreg [dreg:$0x4]  }
0x1e: {  	s18 =	rddreg [dreg:$0x3];
	s19 =	simm.s32 $0x0  }
.LBB2_4:
0x1f: {  	s19 =	sadd.s32 $0x200, s19  }
0x20: {  	p0 =	sne.s32 s19, $0x5000  }
.Ltmp3:
0x21: {  	_ = 	snop;
	(pc) =	sbr.rel @!p0 .LBB2_5-.Ltmp3, $2  }
0x22: {  	_ =	sdelay $0x2  }
0x23: {  	s18 =	sadd.s32 $0x30000, s18;
	s17 =	sadd.s32 $0x20000, s17;
	s16 =	sadd.s32 $0x20, s16  }
.LBB2_2:
0x24: {  	p0 =	sgt.u32 s16, $0x4E1  }
.Ltmp4:
0x25: {  	_ = 	snop;
	(pc) =	sbr.rel @p0 .LBB2_4-.Ltmp4, $1  }
0x26: {  	_ =	sdelay $0x3  }
0x27: {  	s20 =	sadd.s32 s19, s7;
	s22 =	simm.s32 $0x14000  }
0x28: {  	[tilespmem:s22], [sflag:$0x3] =	stream.linear.gather [hbm4b:s20+s2], $0x80, $0x38;
	[tilespmem:$0x14100] =	vst v63  }
0x29: {  	_ =	swait.ge [sflag:s13], $0x80  }
0x2a: {  	[sflag:s13] =	ssyncset.done $0x0  }
0x2b: {  	[sflag:s13] =	ssyncadd.s32 $0xFFFFFF80  }
0x2c: {  	v3 =	vld [tilespmem:$0x14000];
	_ =	sdelay $0x4  }
0x2d: {  	v4 =	vshrl.u32 v3, $0x3  }
0x2e: {  	v4 =	vmul.u32 $0x18, v4  }
0x2f: {  	v3 =	vand.u32 $0x7, v3  }
0x30: {  	v3 =	vor.u32 v3, v4  }
0x31: {  	v4 =	vperm.xlane v3, v0;
	_ =	sdelay $0x1  }
0x32: {  	v4 =	vadd.s32 v1, v4;
	_ =	sdelay $0x1  }
0x33: {  	v3 =	vperm.xlane v3, v2;
	_ =	sdelay $0x1  }
0x34: {  	v3 =	vadd.s32 v1, v3  }
0x35: {  	[tilespmem:s2], [sflag:$0x1] =	stream.indirect_vreg.gather [hbm4b:s3+s2], $0x80, v4, vm0, $0xb8;
	[tilespmem:$0x14100] =	vst v63  }
0x36: {  	s22 =	simm.s32 $0x800  }
0x37: {  	[tilespmem:s22], [sflag:$0x1] =	stream.indirect_vreg.gather [hbm4b:s5+s2], $0x80, v4, vm1, $0xb8;
	[tilespmem:$0x14100] =	vst v63  }
0x38: {  	s22 =	simm.s32 $0xC00  }
0x39: {  	[tilespmem:s22], [sflag:$0x1] =	stream.indirect_vreg.gather [hbm4b:s3+s2], $0x80, v3, vm0, $0xb8;
	[tilespmem:$0x14100] =	vst v63  }
0x3a: {  	s22 =	simm.s32 $0x1400  }
0x3b: {  	[tilespmem:s22], [sflag:$0x1] =	stream.indirect_vreg.gather [hbm4b:s5+s2], $0x80, v3, vm1, $0xb8;
	[tilespmem:$0x14100] =	vst v63  }
0x3c: {  	v3 =	vld [tilespmem:$0x14010];
	_ =	sdelay $0x4  }
0x3d: {  	v49 =	vshrl.u32 v3, $0x3  }
0x3e: {  	v4 =	vmul.u32 $0x18, v49  }
0x3f: {  	v3 =	vand.u32 $0x7, v3  }
0x40: {  	v3 =	vor.u32 v3, v4  }
0x41: {  	v4 =	vperm.xlane v3, v0;
	_ =	sdelay $0x1  }
0x42: {  	v4 =	vadd.s32 v1, v4;
	_ =	sdelay $0x1  }
0x43: {  	v3 =	vperm.xlane v3, v2;
	_ =	sdelay $0x1  }
0x44: {  	s22 =	simm.s32 $0x1800;
	v3 =	vadd.s32 v1, v3  }
0x45: {  	[tilespmem:s22], [sflag:$0x1] =	stream.indirect_vreg.gather [hbm4b:s3+s2], $0x80, v4, vm0, $0xb8;
	[tilespmem:$0x14100] =	vst v63  }
0x46: {  	s22 =	simm.s32 $0x2000  }
0x47: {  	[tilespmem:s22], [sflag:$0x1] =	stream.indirect_vreg.gather [hbm4b:s5+s2], $0x80, v4, vm1, $0xb8;
	[tilespmem:$0x14100] =	vst v63  }
0x48: {  	s22 =	simm.s32 $0x2400  }
0x49: {  	[tilespmem:s22], [sflag:$0x1] =	stream.indirect_vreg.gather [hbm4b:s3+s2], $0x80, v3, vm0, $0xb8;
	[tilespmem:$0x14100] =	vst v63  }
0x4a: {  	s22 =	simm.s32 $0x2C00  }
0x4b: {  	[tilespmem:s22], [sflag:$0x1] =	stream.indirect_vreg.gather [hbm4b:s5+s2], $0x80, v3, vm1, $0xb8;
	[tilespmem:$0x14100] =	vst v63  }
0x4c: {  	v3 =	vld [tilespmem:$0x14020];
	_ =	sdelay $0x4  }
0x4d: {  	v50 =	vshrl.u32 v3, $0x3  }
0x4e: {  	v4 =	vmul.u32 $0x18, v50  }
0x4f: {  	v3 =	vand.u32 $0x7, v3  }
0x50: {  	v3 =	vor.u32 v3, v4  }
0x51: {  	v4 =	vperm.xlane v3, v0;
	_ =	sdelay $0x1  }
0x52: {  	v4 =	vadd.s32 v1, v4;
	_ =	sdelay $0x1  }
0x53: {  	v3 =	vperm.xlane v3, v2;
	_ =	sdelay $0x1  }
0x54: {  	s22 =	simm.s32 $0x3000;
	v3 =	vadd.s32 v1, v3  }
0x55: {  	[tilespmem:s22], [sflag:$0x1] =	stream.indirect_vreg.gather [hbm4b:s3+s2], $0x80, v4, vm0, $0xb8;
	[tilespmem:$0x14100] =	vst v63  }
0x56: {  	s22 =	simm.s32 $0x3800  }
0x57: {  	[tilespmem:s22], [sflag:$0x1] =	stream.indirect_vreg.gather [hbm4b:s5+s2], $0x80, v4, vm1, $0xb8;
	[tilespmem:$0x14100] =	vst v63  }
0x58: {  	s22 =	simm.s32 $0x3C00  }
0x59: {  	[tilespmem:s22], [sflag:$0x1] =	stream.indirect_vreg.gather [hbm4b:s3+s2], $0x80, v3, vm0, $0xb8;
	[tilespmem:$0x14100] =	vst v63  }
0x5a: {  	s22 =	simm.s32 $0x4400  }
0x5b: {  	[tilespmem:s22], [sflag:$0x1] =	stream.indirect_vreg.gather [hbm4b:s5+s2], $0x80, v3, vm1, $0xb8;
	[tilespmem:$0x14100] =	vst v63  }
0x5c: {  	v3 =	vld [tilespmem:$0x14030];
	_ =	sdelay $0x4  }
0x5d: {  	v51 =	vshrl.u32 v3, $0x3  }
0x5e: {  	v4 =	vmul.u32 $0x18, v51  }
0x5f: {  	v3 =	vand.u32 $0x7, v3  }
0x60: {  	v3 =	vor.u32 v3, v4  }
0x61: {  	v4 =	vperm.xlane v3, v0;
	_ =	sdelay $0x1  }
0x62: {  	v4 =	vadd.s32 v1, v4;
	_ =	sdelay $0x1  }
0x63: {  	v3 =	vperm.xlane v3, v2;
	_ =	sdelay $0x1  }
0x64: {  	s22 =	simm.s32 $0x4800;
	v3 =	vadd.s32 v1, v3  }
0x65: {  	[tilespmem:s22], [sflag:$0x1] =	stream.indirect_vreg.gather [hbm4b:s3+s2], $0x80, v4, vm0, $0xb8;
	[tilespmem:$0x14100] =	vst v63  }
0x66: {  	s22 =	simm.s32 $0x5000  }
0x67: {  	[tilespmem:s22], [sflag:$0x1] =	stream.indirect_vreg.gather [hbm4b:s5+s2], $0x80, v4, vm1, $0xb8;
	[tilespmem:$0x14100] =	vst v63  }
0x68: {  	s22 =	simm.s32 $0x5400  }
0x69: {  	[tilespmem:s22], [sflag:$0x1] =	stream.indirect_vreg.gather [hbm4b:s3+s2], $0x80, v3, vm0, $0xb8;
	[tilespmem:$0x14100] =	vst v63  }
0x6a: {  	s22 =	simm.s32 $0x5C00  }
0x6b: {  	[tilespmem:s22], [sflag:$0x1] =	stream.indirect_vreg.gather [hbm4b:s5+s2], $0x80, v3, vm1, $0xb8;
	[tilespmem:$0x14100] =	vst v63  }
0x6c: {  	v3 =	vld [tilespmem:$0x14040];
	_ =	sdelay $0x4  }
0x6d: {  	v52 =	vshrl.u32 v3, $0x3  }
0x6e: {  	v4 =	vmul.u32 $0x18, v52  }
0x6f: {  	v3 =	vand.u32 $0x7, v3  }
0x70: {  	v3 =	vor.u32 v3, v4  }
0x71: {  	v4 =	vperm.xlane v3, v0;
	_ =	sdelay $0x1  }
0x72: {  	v4 =	vadd.s32 v1, v4;
	_ =	sdelay $0x1  }
0x73: {  	v3 =	vperm.xlane v3, v2;
	_ =	sdelay $0x1  }
0x74: {  	s22 =	simm.s32 $0x6000;
	v3 =	vadd.s32 v1, v3  }
0x75: {  	[tilespmem:s22], [sflag:$0x1] =	stream.indirect_vreg.gather [hbm4b:s3+s2], $0x80, v4, vm0, $0xb8;
	[tilespmem:$0x14100] =	vst v63  }
0x76: {  	s22 =	simm.s32 $0x6800  }
0x77: {  	[tilespmem:s22], [sflag:$0x1] =	stream.indirect_vreg.gather [hbm4b:s5+s2], $0x80, v4, vm1, $0xb8;
	[tilespmem:$0x14100] =	vst v63  }
0x78: {  	s22 =	simm.s32 $0x6C00  }
0x79: {  	[tilespmem:s22], [sflag:$0x1] =	stream.indirect_vreg.gather [hbm4b:s3+s2], $0x80, v3, vm0, $0xb8;
	[tilespmem:$0x14100] =	vst v63  }
0x7a: {  	s22 =	simm.s32 $0x7400  }
0x7b: {  	[tilespmem:s22], [sflag:$0x1] =	stream.indirect_vreg.gather [hbm4b:s5+s2], $0x80, v3, vm1, $0xb8;
	[tilespmem:$0x14100] =	vst v63  }
0x7c: {  	v3 =	vld [tilespmem:$0x14050];
	_ =	sdelay $0x4  }
0x7d: {  	v53 =	vshrl.u32 v3, $0x3  }
0x7e: {  	v4 =	vmul.u32 $0x18, v53  }
0x7f: {  	v3 =	vand.u32 $0x7, v3  }
0x80: {  	v3 =	vor.u32 v3, v4  }
0x81: {  	v4 =	vperm.xlane v3, v0;
	_ =	sdelay $0x1  }
0x82: {  	v4 =	vadd.s32 v1, v4;
	_ =	sdelay $0x1  }
0x83: {  	v3 =	vperm.xlane v3, v2;
	_ =	sdelay $0x1  }
0x84: {  	s22 =	simm.s32 $0x7800;
	v3 =	vadd.s32 v1, v3  }
0x85: {  	[tilespmem:s22], [sflag:$0x1] =	stream.indirect_vreg.gather [hbm4b:s3+s2], $0x80, v4, vm0, $0xb8;
	[tilespmem:$0x14100] =	vst v63  }
0x86: {  	s22 =	simm.s32 $0x8000  }
0x87: {  	[tilespmem:s22], [sflag:$0x1] =	stream.indirect_vreg.gather [hbm4b:s5+s2], $0x80, v4, vm1, $0xb8;
	[tilespmem:$0x14100] =	vst v63  }
0x88: {  	s22 =	simm.s32 $0x8400  }
0x89: {  	[tilespmem:s22], [sflag:$0x1] =	stream.indirect_vreg.gather [hbm4b:s3+s2], $0x80, v3, vm0, $0xb8;
	[tilespmem:$0x14100] =	vst v63  }
0x8a: {  	s22 =	simm.s32 $0x8C00  }
0x8b: {  	[tilespmem:s22], [sflag:$0x1] =	stream.indirect_vreg.gather [hbm4b:s5+s2], $0x80, v3, vm1, $0xb8;
	[tilespmem:$0x14100] =	vst v63  }
0x8c: {  	v3 =	vld [tilespmem:$0x14060];
	_ =	sdelay $0x4  }
0x8d: {  	v54 =	vshrl.u32 v3, $0x3  }
0x8e: {  	v4 =	vmul.u32 $0x18, v54  }
0x8f: {  	v3 =	vand.u32 $0x7, v3  }
0x90: {  	v3 =	vor.u32 v3, v4  }
0x91: {  	v4 =	vperm.xlane v3, v0;
	_ =	sdelay $0x1  }
0x92: {  	v4 =	vadd.s32 v1, v4;
	_ =	sdelay $0x1  }
0x93: {  	v3 =	vperm.xlane v3, v2;
	_ =	sdelay $0x1  }
0x94: {  	s22 =	simm.s32 $0x9000;
	v3 =	vadd.s32 v1, v3  }
0x95: {  	[tilespmem:s22], [sflag:$0x1] =	stream.indirect_vreg.gather [hbm4b:s3+s2], $0x80, v4, vm0, $0xb8;
	[tilespmem:$0x14100] =	vst v63  }
0x96: {  	s22 =	simm.s32 $0x9800  }
0x97: {  	[tilespmem:s22], [sflag:$0x1] =	stream.indirect_vreg.gather [hbm4b:s5+s2], $0x80, v4, vm1, $0xb8;
	[tilespmem:$0x14100] =	vst v63  }
0x98: {  	s22 =	simm.s32 $0x9C00  }
0x99: {  	[tilespmem:s22], [sflag:$0x1] =	stream.indirect_vreg.gather [hbm4b:s3+s2], $0x80, v3, vm0, $0xb8;
	[tilespmem:$0x14100] =	vst v63  }
0x9a: {  	s22 =	simm.s32 $0xA400  }
0x9b: {  	[tilespmem:s22], [sflag:$0x1] =	stream.indirect_vreg.gather [hbm4b:s5+s2], $0x80, v3, vm1, $0xb8;
	[tilespmem:$0x14100] =	vst v63  }
0x9c: {  	v3 =	vld [tilespmem:$0x14070];
	_ =	sdelay $0x4  }
0x9d: {  	v55 =	vshrl.u32 v3, $0x3  }
0x9e: {  	v4 =	vmul.u32 $0x18, v55  }
0x9f: {  	v3 =	vand.u32 $0x7, v3  }
0xa0: {  	v3 =	vor.u32 v3, v4  }
0xa1: {  	v4 =	vperm.xlane v3, v0;
	_ =	sdelay $0x1  }
0xa2: {  	v4 =	vadd.s32 v1, v4;
	_ =	sdelay $0x1  }
0xa3: {  	v3 =	vperm.xlane v3, v2;
	_ =	sdelay $0x1  }
0xa4: {  	s22 =	simm.s32 $0xA800;
	v3 =	vadd.s32 v1, v3  }
0xa5: {  	[tilespmem:s22], [sflag:$0x1] =	stream.indirect_vreg.gather [hbm4b:s3+s2], $0x80, v4, vm0, $0xb8;
	[tilespmem:$0x14100] =	vst v63  }
0xa6: {  	s22 =	simm.s32 $0xB000  }
0xa7: {  	[tilespmem:s22], [sflag:$0x1] =	stream.indirect_vreg.gather [hbm4b:s5+s2], $0x80, v4, vm1, $0xb8;
	[tilespmem:$0x14100] =	vst v63  }
0xa8: {  	s22 =	simm.s32 $0xB400  }
0xa9: {  	[tilespmem:s22], [sflag:$0x1] =	stream.indirect_vreg.gather [hbm4b:s3+s2], $0x80, v3, vm0, $0xb8;
	[tilespmem:$0x14100] =	vst v63  }
0xaa: {  	s22 =	simm.s32 $0xBC00  }
0xab: {  	[tilespmem:s22], [sflag:$0x1] =	stream.indirect_vreg.gather [hbm4b:s5+s2], $0x80, v3, vm1, $0xb8;
	[tilespmem:$0x14100] =	vst v63  }
0xac: {  	_ =	swait.ge [sflag:s21], $0xC000  }
0xad: {  	[sflag:s21] =	ssyncset.done $0x0  }
0xae: {  	[sflag:s21] =	ssyncadd.s32 $0xFFFF4000  }
0xaf: {  	[hbm4b:s18+s2] =	stream.linear.scatter [tilespmem:s2], [sflag:$0x3], $0xC000, $0x38;
	[tilespmem:$0x14100] =	vst v63  }
0xb0: {  	_ =	swait.ge [sflag:s13], $0xC000  }
0xb1: {  	[sflag:s13] =	ssyncset.done $0x0  }
0xb2: {  	s20 =	sadd.s32 s19, s8;
	s22 =	simm.s32 $0x14080;
	[sflag:s13] =	ssyncadd.s32 $0xFFFF4000  }
0xb3: {  	[tilespmem:s22], [sflag:$0x3] =	stream.linear.gather [hbm4b:s20+s2], $0x80, $0x38;
	[tilespmem:$0x14100] =	vst v63  }
0xb4: {  	_ =	swait.ge [sflag:s13], $0x80  }
0xb5: {  	[sflag:s13] =	ssyncset.done $0x0  }
0xb6: {  	[sflag:s13] =	ssyncadd.s32 $0xFFFFFF80  }
0xb7: {  	v3 =	vld [tilespmem:$0x14080];
	_ =	sdelay $0x4  }
0xb8: {  	v56 =	vshll.u32 v3, $0x1  }
0xb9: {  	v3 =	vand.u32 $0x7, v3;
	v4 =	vand.u32 $0xFFFFFFF0, v56  }
0xba: {  	v3 =	vor.u32 v3, v4  }
0xbb: {  	v4 =	vperm.xlane v3, v0;
	_ =	sdelay $0x1  }
0xbc: {  	v3 =	vperm.xlane v3, v2;
	v4 =	vadd.s32 v1, v4;
	_ =	sdelay $0x1  }
0xbd: {  	v3 =	vadd.s32 v1, v3;
	_ =	sdelay $0x2  }
0xbe: {  	[tilespmem:s23], [sflag:$0x1] =	stream.indirect_vreg.gather [hbm4b:s4+s2], $0x80, v4, vm0, $0xb8;
	[tilespmem:$0x14100] =	vst v63  }
0xbf: {  	_ = 	snop  }
0xc0: {  	[tilespmem:s24], [sflag:$0x1] =	stream.indirect_vreg.gather [hbm4b:s4+s2], $0x80, v3, vm0, $0xb8;
	[tilespmem:$0x14100] =	vst v63  }
0xc1: {  	v3 =	vld [tilespmem:$0x14090];
	_ =	sdelay $0x4  }
0xc2: {  	v57 =	vshll.u32 v3, $0x1  }
0xc3: {  	v3 =	vand.u32 $0x7, v3;
	v4 =	vand.u32 $0xFFFFFFF0, v57  }
0xc4: {  	v3 =	vor.u32 v3, v4  }
0xc5: {  	v4 =	vperm.xlane v3, v0;
	_ =	sdelay $0x1  }
0xc6: {  	v3 =	vperm.xlane v3, v2;
	v4 =	vadd.s32 v1, v4;
	_ =	sdelay $0x1  }
0xc7: {  	v3 =	vadd.s32 v1, v3;
	_ =	sdelay $0x2  }
0xc8: {  	[tilespmem:s25], [sflag:$0x1] =	stream.indirect_vreg.gather [hbm4b:s4+s2], $0x80, v4, vm0, $0xb8;
	[tilespmem:$0x14100] =	vst v63  }
0xc9: {  	_ = 	snop  }
0xca: {  	[tilespmem:s26], [sflag:$0x1] =	stream.indirect_vreg.gather [hbm4b:s4+s2], $0x80, v3, vm0, $0xb8;
	[tilespmem:$0x14100] =	vst v63  }
0xcb: {  	v3 =	vld [tilespmem:$0x140A0];
	_ =	sdelay $0x4  }
0xcc: {  	v58 =	vshll.u32 v3, $0x1  }
0xcd: {  	v3 =	vand.u32 $0x7, v3;
	v4 =	vand.u32 $0xFFFFFFF0, v58  }
0xce: {  	v3 =	vor.u32 v3, v4  }
0xcf: {  	v4 =	vperm.xlane v3, v0;
	_ =	sdelay $0x1  }
0xd0: {  	v3 =	vperm.xlane v3, v2;
	v4 =	vadd.s32 v1, v4;
	_ =	sdelay $0x1  }
0xd1: {  	v3 =	vadd.s32 v1, v3;
	_ =	sdelay $0x2  }
0xd2: {  	[tilespmem:s28], [sflag:$0x1] =	stream.indirect_vreg.gather [hbm4b:s4+s2], $0x80, v4, vm0, $0xb8;
	[tilespmem:$0x14100] =	vst v63  }
0xd3: {  	_ = 	snop  }
0xd4: {  	[tilespmem:s29], [sflag:$0x1] =	stream.indirect_vreg.gather [hbm4b:s4+s2], $0x80, v3, vm0, $0xb8;
	[tilespmem:$0x14100] =	vst v63  }
0xd5: {  	v3 =	vld [tilespmem:$0x140B0];
	_ =	sdelay $0x4  }
0xd6: {  	v59 =	vshll.u32 v3, $0x1  }
0xd7: {  	v3 =	vand.u32 $0x7, v3;
	v4 =	vand.u32 $0xFFFFFFF0, v59  }
0xd8: {  	v3 =	vor.u32 v3, v4  }
0xd9: {  	v4 =	vperm.xlane v3, v0;
	_ =	sdelay $0x1  }
0xda: {  	v3 =	vperm.xlane v3, v2;
	v4 =	vadd.s32 v1, v4;
	_ =	sdelay $0x1  }
0xdb: {  	v3 =	vadd.s32 v1, v3;
	_ =	sdelay $0x2  }
0xdc: {  	[tilespmem:s30], [sflag:$0x1] =	stream.indirect_vreg.gather [hbm4b:s4+s2], $0x80, v4, vm0, $0xb8;
	[tilespmem:$0x14100] =	vst v63  }
0xdd: {  	_ = 	snop  }
0xde: {  	[tilespmem:s31], [sflag:$0x1] =	stream.indirect_vreg.gather [hbm4b:s4+s2], $0x80, v3, vm0, $0xb8;
	[tilespmem:$0x14100] =	vst v63  }
0xdf: {  	v3 =	vld [tilespmem:$0x140C0];
	_ =	sdelay $0x4  }
0xe0: {  	v60 =	vshll.u32 v3, $0x1  }
0xe1: {  	v3 =	vand.u32 $0x7, v3;
	v4 =	vand.u32 $0xFFFFFFF0, v60  }
0xe2: {  	v3 =	vor.u32 v3, v4  }
0xe3: {  	v4 =	vperm.xlane v3, v0;
	_ =	sdelay $0x1  }
0xe4: {  	v3 =	vperm.xlane v3, v2;
	v4 =	vadd.s32 v1, v4;
	_ =	sdelay $0x1  }
0xe5: {  	v3 =	vadd.s32 v1, v3;
	_ =	sdelay $0x2  }
0xe6: {  	[tilespmem:s0], [sflag:$0x1] =	stream.indirect_vreg.gather [hbm4b:s4+s2], $0x80, v4, vm0, $0xb8;
	[tilespmem:$0x14100] =	vst v63  }
0xe7: {  	_ = 	snop  }
0xe8: {  	[tilespmem:s1], [sflag:$0x1] =	stream.indirect_vreg.gather [hbm4b:s4+s2], $0x80, v3, vm0, $0xb8;
	[tilespmem:$0x14100] =	vst v63  }
0xe9: {  	v3 =	vld [tilespmem:$0x140D0];
	_ =	sdelay $0x4  }
0xea: {  	v61 =	vshll.u32 v3, $0x1  }
0xeb: {  	v3 =	vand.u32 $0x7, v3;
	v4 =	vand.u32 $0xFFFFFFF0, v61  }
0xec: {  	v3 =	vor.u32 v3, v4  }
0xed: {  	v4 =	vperm.xlane v3, v0;
	_ =	sdelay $0x1  }
0xee: {  	v3 =	vperm.xlane v3, v2;
	v4 =	vadd.s32 v1, v4;
	_ =	sdelay $0x1  }
0xef: {  	v3 =	vadd.s32 v1, v3;
	_ =	sdelay $0x2  }
0xf0: {  	[tilespmem:s6], [sflag:$0x1] =	stream.indirect_vreg.gather [hbm4b:s4+s2], $0x80, v4, vm0, $0xb8;
	[tilespmem:$0x14100] =	vst v63  }
0xf1: {  	_ = 	snop  }
0xf2: {  	[tilespmem:s9], [sflag:$0x1] =	stream.indirect_vreg.gather [hbm4b:s4+s2], $0x80, v3, vm0, $0xb8;
	[tilespmem:$0x14100] =	vst v63  }
0xf3: {  	v3 =	vld [tilespmem:$0x140E0];
	_ =	sdelay $0x4  }
0xf4: {  	v62 =	vshll.u32 v3, $0x1  }
0xf5: {  	v3 =	vand.u32 $0x7, v3;
	v4 =	vand.u32 $0xFFFFFFF0, v62  }
0xf6: {  	v3 =	vor.u32 v3, v4  }
0xf7: {  	v4 =	vperm.xlane v3, v0;
	_ =	sdelay $0x1  }
0xf8: {  	v3 =	vperm.xlane v3, v2;
	v4 =	vadd.s32 v1, v4;
	_ =	sdelay $0x1  }
0xf9: {  	v3 =	vadd.s32 v1, v3;
	_ =	sdelay $0x2  }
0xfa: {  	[tilespmem:s10], [sflag:$0x1] =	stream.indirect_vreg.gather [hbm4b:s4+s2], $0x80, v4, vm0, $0xb8;
	[tilespmem:$0x14100] =	vst v63  }
0xfb: {  	_ = 	snop  }
0xfc: {  	[tilespmem:s11], [sflag:$0x1] =	stream.indirect_vreg.gather [hbm4b:s4+s2], $0x80, v3, vm0, $0xb8;
	[tilespmem:$0x14100] =	vst v63  }
0xfd: {  	v3 =	vld [tilespmem:$0x140F0];
	_ =	sdelay $0x4  }
0xfe: {  	v63 =	vshll.u32 v3, $0x1  }
0xff: {  	v3 =	vand.u32 $0x7, v3;
	v4 =	vand.u32 $0xFFFFFFF0, v63  }
0x100: {  	v3 =	vor.u32 v3, v4  }
0x101: {  	v4 =	vperm.xlane v3, v0;
	_ =	sdelay $0x1  }
0x102: {  	v3 =	vperm.xlane v3, v2;
	v4 =	vadd.s32 v1, v4;
	_ =	sdelay $0x1  }
0x103: {  	v3 =	vadd.s32 v1, v3;
	_ =	sdelay $0x2  }
0x104: {  	[tilespmem:s12], [sflag:$0x1] =	stream.indirect_vreg.gather [hbm4b:s4+s2], $0x80, v4, vm0, $0xb8;
	[tilespmem:$0x14100] =	vst v63  }
0x105: {  	_ = 	snop  }
0x106: {  	[tilespmem:s14], [sflag:$0x1] =	stream.indirect_vreg.gather [hbm4b:s4+s2], $0x80, v3, vm0, $0xb8;
	[tilespmem:$0x14100] =	vst v63  }
0x107: {  	_ =	swait.ge [sflag:s21], $0x8000  }
0x108: {  	[sflag:s21] =	ssyncset.done $0x0  }
.Ltmp5:
0x109: {  	[sflag:s21] =	ssyncadd.s32 $0xFFFF8000;
	(pc) =	sbr.rel .LBB2_4-.Ltmp5, $4  }
0x10a: {  	[hbm4b:s17+s2] =	stream.linear.scatter [tilespmem:s23], [sflag:$0x2], $0x8000, $0x38;
	[tilespmem:$0x14100] =	vst v63  }
0x10b: {  	_ =	swait.ge [sflag:s15], $0x8000  }
0x10c: {  	[sflag:s15] =	ssyncset.done $0x0  }
0x10d: {  	[sflag:s15] =	ssyncadd.s32 $0xFFFF8000  }
.LBB2_6:
0x10e: {  	_ =	sfence.sel $0x180000  }
0x10f: {  	[bflag:$0x0] =	sbarrier.arrive $0xFFFF  }
0x110: {  	_ =	strace $0x90000047  }
0x111: {  	s0 =	stileid.u32;
	[bflag:$0x2] =	sbarrier.arrive $0xFFFF  }
0x112: {  	p0 =	sne.s32 s0, $0x0;
	s0 =	rddreg [dreg:$0x1]  }
0x113: {  	s0 =	sadd.s32 @!p0 $0x100000, s0  }
0x114: {  	[sflag:s0] =	ssyncadd.tile.s32 @!p0 $0x1;
	_ =	shalt  }
.Lfunc_end2:
_tile_overlayer_lowered:
.L_overlay_start_2:
0x115: {  	(tag) =	ssettag $0x2  }
0x116: {  	s0 =	rddreg [dreg:$0x0];
	s2 =	stileid.u32  }
0x117: {  	s1 =	rddreg [dreg:$0x1];
	p0 =	sne.s32 s2, $0x0  }
0x118: {  	s3 =	rddreg [dreg:$0x2];
	[bflag:$0x3] =	sbarrier.arrive $0xFFFF;
	s2 =	simm.s32 @!p0 $0x1C02  }
0x119: {  	[timem:s3], [sflag:s2] =	dma.local @!p0 [hbm:s0], s1  }
0x11a: {  	s0 =	simm.s32 @!p0 $0x2  }
0x11b: {  	_ =	swait.ge @!p0 [sflag:s0], s1  }
0x11c: {  	s1 =	ssub.s32 @!p0 $0x0, s1;
	[sflag:s0] =	ssyncset.done @!p0 $0x0  }
0x11d: {  	[sflag:s0] =	ssyncadd.s32 @!p0 s1  }
0x11e: {  	[bflag:$0x3] =	sbarrier.arrive $0xFFFF  }
0x11f: {  	_ =	shalt  }

// kernel: kernel.18.cloned.1.call-start
scs
__scs_entry_jumppad:
0x0: {  	(pc) =	sbr.rel $0x88, $3  }
0x1: {  	(tag) =	ssettag $0x0;
	lr =	simm.s32 $0x1  }
0x2: {  	[smem:$0x3F7E] =	sst lr;
	_ =	strace $0xD0000000  }
0x3: {  	_ = 	snop  }
0x4: {  	_ = 	snop  }
0x5: {  	_ = 	snop  }
0x6: {  	_ = 	snop  }
0x7: {  	_ = 	snop  }
__scs_overlays_trampoline_lowered:
0x8: {  	[smem:$0x3F8D] =	sst s0  }
0x9: {  	[smem:$0x3F8E] =	sst s1  }
0xa: {  	[smem:$0x3F8F] =	sst s2  }
0xb: {  	[smem:$0x3F90] =	sst s3  }
0xc: {  	[smem:$0x3F91] =	sst s4  }
0xd: {  	[smem:$0x3F92] =	sst s5  }
0xe: {  	[smem:$0x3F93] =	sst s6  }
0xf: {  	[smem:$0x3F94] =	sst s7  }
0x10: {  	[smem:$0x3F95] =	sst s8  }
0x11: {  	[smem:$0x3F96] =	sst s9;
	s0 =	simm.s32 @!p0 $0x0  }
0x12: {  	s1 =	sld [smem:$0x3F7C];
	s0 =	simm.s32 @p0 $0x1  }
0x13: {  	[smem:$0x3F97] =	sst s0;
	s0 =	simm.s32 @!p1 $0x0  }
0x14: {  	s2 =	sld [smem:$0x3F7B];
	s0 =	simm.s32 @p1 $0x1  }
0x15: {  	[smem:$0x3F98] =	sst s0;
	s0 =	simm.s32 @!p2 $0x0  }
0x16: {  	s3 =	sld [smem:$0x3FDB];
	s0 =	simm.s32 @p2 $0x1  }
0x17: {  	s4 =	simm.s32 $0x1BF5;
	[smem:$0x3F9A] =	sst s0  }
0x18: {  	s0 =	sld [smem:$0x3F7D];
	_ =	swait.ge [sflag:s4], $0x0  }
0x19: {  	s7 =	sld [smem:$0x3F7E]  }
0x1a: {  	s8 =	sadd.s32 $0xFFFFE003, lr  }
0x1b: {  	s9 =	sadd.s32 $0xFFFFFEF7, lr;
	s5 =	simm.s32 $0xFFFFFFFF;
	p2 =	slt.u32 s8, $0xFFFFF086  }
0x1c: {  	p1 =	slt.u32 s9, $0xF7A;
	s5 =	simm.s32 @!p2 $0x0  }
0x1d: {  	s5 =	simm.s32 @p1 $0x1;
	p0 =	seq.s32 s7, s2  }
0x1e: {  	s7 =	smul.u32 @!p0 $0xF7A, s2;
	p2 =	seq.s32 @!p0 s5, $0x0  }
0x1f: {  	s9 =	smul.u32 $0xF7A, s1;
	s8 =	simm.s32 @!p0 $0x1BF5;
	p2 =	por !p2, p0  }
0x20: {  	[sflag:s8] =	ssyncset.s32 @!p0 $0xFFFFF086;
	s6 =	sadd.s32 @!p0 s3, s7;
	s7 =	simm.s32 @!p0 $0x108  }
0x21: {  	s3 =	sadd.s32 s3, s9;
	s6 =	sadd.s32 @!p0 $0x88, s6;
	s7 =	simm.s32 @p2 $0x1082  }
0x22: {  	[simem:s7], [sflag:s8] =	dma.local @!p0 [hbm:s6], $0xF7A  }
0x23: {  	s9 =	sor.u32 $0xD0000000, s2;
	s6 =	simm.s32 $0x108;
	_ =	swait.ge @!p0 [sflag:s8], $0x0  }
0x24: {  	s3 =	sadd.s32 $0x88, s3;
	s6 =	simm.s32 @!p1 $0x1082;
	[sflag:s4] =	ssyncset.s32 $0xFFFFF086  }
0x25: {  	[simem:s6], [sflag:s4] =	dma.local [hbm:s3], $0xF7A  }
0x26: {  	[smem:$0x3F7E] =	sst s1;
	(tag) =	ssettag s2;
	_ =	strace s9  }
0x27: {  	s1 =	sld [smem:$0x3F8E]  }
0x28: {  	s2 =	sld [smem:$0x3F8F]  }
0x29: {  	s4 =	sld [smem:$0x3F91]  }
0x2a: {  	p0 =	seq.s32 s5, $0x0;
	s5 =	sld [smem:$0x3F92]  }
0x2b: {  	s6 =	sld [smem:$0x3F93]  }
0x2c: {  	s7 =	sld [smem:$0x3F94]  }
0x2d: {  	s3 =	simm.s32 $0x108;
	s8 =	sld [smem:$0x3F95]  }
0x2e: {  	s3 =	simm.s32 @!p0 $0x1082;
	s9 =	sld [smem:$0x3F96]  }
0x2f: {  	lr =	sadd.s32 s0, s3;
	s0 =	sld [smem:$0x3F8D]  }
0x30: {  	s3 =	sld [smem:$0x3F90]  }
0x31: {  	[smem:$0x3F99] =	sst s10  }
0x32: {  	s10 =	sld [smem:$0x3F97];
	_ =	sdelay $0x3  }
0x33: {  	p0 =	seq.s32 s10, $0x1;
	s10 =	sld [smem:$0x3F99];
	_ =	sdelay $0x3  }
0x34: {  	[smem:$0x3F99] =	sst s10  }
0x35: {  	s10 =	sld [smem:$0x3F98];
	_ =	sdelay $0x3  }
0x36: {  	p1 =	seq.s32 s10, $0x1;
	s10 =	sld [smem:$0x3F99];
	_ =	sdelay $0x3  }
0x37: {  	[smem:$0x3F99] =	sst s10  }
0x38: {  	s10 =	sld [smem:$0x3F9A]  }
0x39: {  	_ = 	snop;
	(pc) =	sbr.ind lr, $3  }
0x3a: {  	_ = 	snop  }
0x3b: {  	_ = 	snop  }
0x3c: {  	p2 =	seq.s32 s10, $0x1;
	s10 =	sld [smem:$0x3F99]  }
0x3d: {  	_ =	shalt  }
0x3e: {  	_ =	shalt  }
0x3f: {  	_ =	shalt  }
0x40: {  	_ =	shalt  }
0x41: {  	_ =	shalt  }
0x42: {  	_ =	shalt  }
0x43: {  	_ =	shalt  }
0x44: {  	_ =	shalt  }
0x45: {  	_ =	shalt  }
0x46: {  	_ =	shalt  }
0x47: {  	_ =	shalt  }
0x48: {  	_ =	shalt  }
0x49: {  	_ =	shalt  }
0x4a: {  	_ =	shalt  }
0x4b: {  	_ =	shalt  }
0x4c: {  	_ =	shalt  }
0x4d: {  	_ =	shalt  }
0x4e: {  	_ =	shalt  }
0x4f: {  	_ =	shalt  }
0x50: {  	_ =	shalt  }
0x51: {  	_ =	shalt  }
0x52: {  	_ =	shalt  }
0x53: {  	_ =	shalt  }
0x54: {  	_ =	shalt  }
0x55: {  	_ =	shalt  }
0x56: {  	_ =	shalt  }
0x57: {  	_ =	shalt  }
0x58: {  	_ =	shalt  }
0x59: {  	_ =	shalt  }
0x5a: {  	_ =	shalt  }
0x5b: {  	_ =	shalt  }
0x5c: {  	_ =	shalt  }
0x5d: {  	_ =	shalt  }
0x5e: {  	_ =	shalt  }
0x5f: {  	_ =	shalt  }
0x60: {  	_ =	shalt  }
0x61: {  	_ =	shalt  }
0x62: {  	_ =	shalt  }
0x63: {  	_ =	shalt  }
0x64: {  	_ =	shalt  }
0x65: {  	_ =	shalt  }
0x66: {  	_ =	shalt  }
0x67: {  	_ =	shalt  }
0x68: {  	_ =	shalt  }
0x69: {  	_ =	shalt  }
0x6a: {  	_ =	shalt  }
0x6b: {  	_ =	shalt  }
0x6c: {  	_ =	shalt  }
0x6d: {  	_ =	shalt  }
0x6e: {  	_ =	shalt  }
0x6f: {  	_ =	shalt  }
0x70: {  	_ =	shalt  }
0x71: {  	_ =	shalt  }
0x72: {  	_ =	shalt  }
0x73: {  	_ =	shalt  }
0x74: {  	_ =	shalt  }
0x75: {  	_ =	shalt  }
0x76: {  	_ =	shalt  }
0x77: {  	_ =	shalt  }
0x78: {  	_ =	shalt  }
0x79: {  	_ =	shalt  }
0x7a: {  	_ =	shalt  }
0x7b: {  	_ =	shalt  }
0x7c: {  	_ =	shalt  }
0x7d: {  	_ =	shalt  }
0x7e: {  	_ =	shalt  }
0x7f: {  	_ =	shalt  }
0x80: {  	_ =	shalt  }
0x81: {  	_ =	shalt  }
0x82: {  	_ =	shalt  }
0x83: {  	_ =	shalt  }
0x84: {  	_ =	shalt  }
0x85: {  	_ =	shalt  }
0x86: {  	_ =	shalt  }
0x87: {  	_ =	shalt  }
.Lfunc_end0:
.L_simem_size_0:
called_computation.1_lowered:
.L_overlay_start_0:
0x88: {  	s2 =	sld [smem:$0x3FD9]  }
0x89: {  	s3 =	sld [smem:$0x3FFE];
	_ =	sdelay $0x1  }
0x8a: {  	s1 =	srdreg.scid  }
0x8b: {  	s0 =	sand.u32 $0x1, s1  }
0x8c: {  	s16 =	sshll.u32 s0, $0xA;
	s2 =	sadd.s32 s3, s2  }
0x8d: {  	s2 =	sadd.s32 s2, s16  }
0x8e: {  	[smem:$0x3FA5] =	sst s2  }
0x8f: {  	_ = 	snop  }
0x90: {  	(tm) =	ssettm $0x1  }
0x91: {  	s17 =	sld [smem:$0x3FFB];
	_ =	sdelay $0x3  }
0x92: {  	_ =	strace s17  }
0x93: {  	s2 =	sld [smem:$0x3FFC];
	_ =	sdelay $0x3  }
0x94: {  	_ =	strace s2  }
0x95: {  	s2 =	sld [smem:$0x3FFD];
	_ =	sdelay $0x3  }
0x96: {  	_ =	strace s2  }
0x97: {  	_ =	strace $0x8FFFFFFF  }
0x98: {  	s18 =	sld [smem:$0x3FDB];
	_ =	sdelay $0x1  }
0x99: {  	s19 =	simm.s32 $_scs_section_size  }
0x9a: {  	s4 =	simm.s32 $_size__tile_overlayer_lowered;
	s5 =	simm.s32 $_tile_overlayer_lowered  }
0x9b: {  	s22 =	simm.s32 $0x1BFF;
	s21 =	sshll.u32 s5, $0x1;
	s2 =	sadd.s32 s19, s18  }
0x9c: {  	s6 =	simm.s32 $0x0;
	s20 =	sshll.u32 s4, $0x1;
	s4 =	sadd.s32 s21, s2  }
0x9d: {  	[timem:s6], [sflag:s22] =	dma.local [hbm:s4], s20  }
0x9e: {  	_ =	swait.ge [sflag:s22], s20  }
0x9f: {  	s3 =	ssub.s32 $0x0, s20;
	[sflag:s22] =	ssyncset.done $0x0  }
0xa0: {  	[sflag:s22] =	ssyncadd.s32 s3;
	_ =	sdelay $0x1  }
0xa1: {  	s23 =	simm.s32 $0x1B8B  }
0xa2: {  	_ =	swait.ge [sflag:s23], $0x1  }
0xa3: {  	[sflag:s23] =	ssyncset.done $0x0  }
0xa4: {  	s25 =	simm.s32 $0x1B8E;
	s24 =	sld [smem:$0x3FFE];
	[sflag:s23] =	ssyncadd.s32 $0xFFFFFFFF  }
0xa5: {  	s26 =	simm.s32 $execute0_lowered;
	[smem:$0x3FD2] =	sst s25  }
0xa6: {  	s4 =	sshll.u32 s26, $0x1;
	_ =	strace $0x80000049;
	[dreg:$0x1] =	wrdreg $0xFFFFFFFF  }
0xa7: {  	s28 =	simm.s32 $_size_execute0_lowered;
	s2 =	sadd.s32 s2, s4;
	[dreg:$0x0] =	wrdreg $0x0  }
0xa8: {  	s4 =	sshll.u32 s28, $0x1;
	[dreg:$0x2] =	wrdreg s2  }
0xa9: {  	[dreg:$0x3] =	wrdreg s4  }
0xaa: {  	[dreg:$0x4] =	wrdreg $0xC0  }
0xab: {  	_ =	task [dreg:s6], $0x5FFFF  }
0xac: {  	[dreg:$0x1] =	wrdreg $0xFFFFFFFF  }
0xad: {  	[dreg:$0x0] =	wrdreg $0x60  }
0xae: {  	[dreg:$0x2] =	wrdreg s24  }
0xaf: {  	[dreg:$0x3] =	wrdreg $0x40800  }
0xb0: {  	[dreg:$0x4] =	wrdreg $0x9  }
0xb1: {  	_ =	task.clear_ibuf [dreg:s6], $0x5FFFF;
	_ =	strace $0x90000049  }
0xb2: {  	s29 =	simm.s32 $0x9;
	_ =	strace $0x8000004B  }
0xb3: {  	_ =	swait.ge [sflag:s29], $0x1  }
0xb4: {  	[sflag:s29] =	ssyncadd.s32 $0xFFFFFFFF  }
0xb5: {  	_ =	strace $0x9000004B  }
0xb6: {  	_ =	sfence  }
0xb7: {  	s30 =	sld [smem:$0x0];
	_ =	sdelay $0x2  }
0xb8: {  	s31 =	sshll.u32 s1, $0xD;
	s1 =	sshrl.u32 s1, $0x2  }
0xb9: {  	s3 =	sand.u32 $0x4000, s31;
	s1 =	sadd.s32 s1, s30  }
0xba: {  	s0 =	sor.u32 s3, s0;
	s1 =	sshll.u32 s1, $0x11  }
0xbb: {  	s0 =	sor.u32 s1, s0  }
0xbc: {  	s0 =	sadd.s32 $0x8F2B, s0  }
0xbd: {  	[sflag:s0] =	ssyncadd.remote.s32 $0x1  }
0xbe: {  	_ =	sfence.sel $0xFFFF  }
0xbf: {  	[dreg:$0x0] =	wrdreg $0xFFFFFFFF;
	(pc) =	sbr.abs _section_cstart, $3  }
0xc0: {  	[dreg:$0x1] =	wrdreg $0xFFFFFFFF  }
0xc1: {  	_ =	task.clear_ibuf [dreg:s6], $0x2FFFF;
	_ =	strace $0x9FFFFFFF  }
0xc2: {  	(tm) =	ssettm $0x7FFFFFFF  }
0xc3: {  	_ =	shalt  }
tec
execute0_lowered:
.L_overlay_start_1:
0x0: {  	(tag) =	ssettag $0x1  }
0x1: {  	s5 =	rddreg [dreg:$0x0]  }
0x2: {  	s2 =	rddreg [dreg:$0x1];
	s3 =	srdreg.scid  }
0x3: {  	s0 =	rddreg [dreg:$0x2];
	s1 =	stileid.u32;
	s10 =	sand.u32 $0x1, s3  }
0x4: {  	s3 =	simm.s32 $0x0;
	s4 =	sshll.u32 s1, $0x5;
	s9 =	smul.u32 $0x14000, s1  }
0x5: {  	s7 =	sshll.u32 s1, $0xC;
	s12 =	smul.u32 $0x50000, s1;
	s26 =	sshll.u32 s1, $0x1  }
0x6: {  	s30 =	sshll.u32 s1, $0x6;
	s6 =	sshll.u32 s10, $0x4;
	[smem:$0x7FF] =	sst s3  }
0x7: {  	s24 =	smul.u32 $0x140000, s10;
	s7 =	sadd.s32 s7, s5;
	s11 =	ssub.s32 $0x2, s10  }
0x8: {  	s14 =	sshll.u32 s10, $0xB;
	s10 =	sor.u32 s10, s26;
	s6 =	sor.u32 s6, s4  }
0x9: {  	_ =	strace $0x8000004A;
	s4 =	sadd.s32 $0x51BC00, s5;
	s13 =	sshrl.u32 s11, $0x1  }
0xa: {  	s25 =	sshrl.u32 s12, $0x2;
	s31 =	sadd.s32 s14, s7;
	s12 =	simm.s32 $0x1  }
0xb: {  	s8 =	sand.u32 $0x180, s6;
	s9 =	sadd.s32 s9, s24;
	s11 =	ssub.s32 s11, s13  }
0xc: {  	s28 =	sadd.s32 s25, s2;
	s29 =	sand.u32 $0x70, s6;
	s8 =	sadd.s32 s8, s5  }
0xd: {  	s9 =	sshrl.u32 s9, $0x3;
	s7 =	smax.u32 s11, $0x1;
	s11 =	sshrl.u32 s28, $0x3  }
0xe: {  	s9 =	sadd.s32 s9, s5;
	s8 =	sadd.s32 s29, s8;
	s5 =	sor.u32 $0x1C01, s30  }
0xf: {  	s6 =	sadd.s32 $0x51E400, s9;
	s8 =	sadd.s32 $0xDA00, s8;
	s9 =	sadd.s32 $0x39C00, s31  }
.LBB2_1:
0x10: {  	[spmem:s11], [sflag:s5] =	dma.local [hbm:s4], $0x2800  }
0x11: {  	s13 =	sadd.s32 $0x0, s10;
	_ =	swait.ge [sflag:s12], $0x2800  }
0x12: {  	p0 =	sgt.u32 s13, $0x4E1;
	[sflag:s12] =	ssyncset.done $0x0  }
0x13: {  	s13 =	simm.s32 @!p0 $0x0;
	[sflag:s12] =	ssyncadd.s32 $0xFFFFD800  }
0x14: {  	s15 =	simm.s32 @!p0 $0x4000;
	s16 =	simm.s32 @!p0 $0x2;
	[bflag:$0x0] =	sbarrier.arrive $0xFFFF  }
0x15: {  	[tilespmem:s15], [sflag:$0x2] =	stream.linear.gather @!p0 [hbm4b:s8+s13], $0x80, $0x38;
	[tilespmem:$0x18080] =	vst v63  }
0x16: {  	_ =	swait.ge @!p0 [sflag:s16], $0x80;
	p0 =	por p0, p0  }
0x17: {  	[sflag:s16] =	ssyncset.done @!p0 $0x0  }
0x18: {  	[sflag:s16] =	ssyncadd.s32 @!p0 $0xFFFFFF80  }
0x19: {  	[tilespmem:s13], [sflag:$0x2] =	stream.linear.gather @!p0 [hbm4b:s9+s13], $0x4000, $0x38;
	[tilespmem:$0x18080] =	vst v63  }
0x1a: {  	_ =	swait.ge @!p0 [sflag:s16], $0x4000  }
0x1b: {  	[sflag:s16] =	ssyncset.done @!p0 $0x0  }
0x1c: {  	s31 =	sadd.s32 $0x20, s10;
	[sflag:s16] =	ssyncadd.s32 @!p0 $0xFFFFC000;
	s16 =	simm.s32 @!p0 $0x80  }
0x1d: {  	[spmem:s2] =	stream.indirect.scatter.add.f32 @!p0 [tilespmem:s13], [sflag:$0x1], $0x80, s15, s16, $0xb8;
	[tilespmem:$0x18080] =	vst v63  }
0x1e: {  	s14 =	simm.s32 $0x40;
	p1 =	sgt.u32 s31, $0x4E1;
	s16 =	simm.s32 @!p0 $0x1  }
0x1f: {  	s13 =	sadd.s32 $0x10000, s9;
	s15 =	sadd.s32 $0x200, s8;
	_ =	swait.ge @!p0 [sflag:s16], $0x4000  }
.LBB2_2:
0x20: {  	s17 =	simm.s32 @!p1 $0x0  }
0x21: {  	s18 =	simm.s32 @!p1 $0x4000;
	[sflag:s16] =	ssyncset.done @!p0 $0x0;
	s19 =	smov.u32 s14  }
0x22: {  	s14 =	sadd.s32 $0x20, s14;
	s20 =	simm.s32 @!p1 $0x2;
	[sflag:s16] =	ssyncadd.s32 @!p0 $0xFFFFC000  }
0x23: {  	[tilespmem:s18], [sflag:$0x2] =	stream.linear.gather @!p1 [hbm4b:s15+s17], $0x80, $0x38;
	[tilespmem:$0x18080] =	vst v63  }
0x24: {  	p2 =	sne.s32 s14, $0x500;
	p0 =	por p1, p1;
	_ =	swait.ge @!p1 [sflag:s20], $0x80  }
0x25: {  	[sflag:s20] =	ssyncset.done @!p0 $0x0  }
0x26: {  	[sflag:s20] =	ssyncadd.s32 @!p0 $0xFFFFFF80  }
0x27: {  	[tilespmem:s17], [sflag:$0x2] =	stream.linear.gather @!p0 [hbm4b:s13+s17], $0x4000, $0x38;
	[tilespmem:$0x18080] =	vst v63  }
.Ltmp0:
0x28: {  	_ =	swait.ge @!p0 [sflag:s20], $0x4000;
	(pc) =	sbr.rel @p2 .LBB2_2-.Ltmp0, $4  }
0x29: {  	s16 =	simm.s32 @!p0 $0x1;
	s13 =	sadd.s32 $0x10000, s13;
	[sflag:s20] =	ssyncset.done @!p0 $0x0  }
0x2a: {  	s19 =	sadd.s32 s19, s10;
	[sflag:s20] =	ssyncadd.s32 @!p0 $0xFFFFC000;
	s20 =	simm.s32 @!p0 $0x80  }
0x2b: {  	[spmem:s2] =	stream.indirect.scatter.add.f32 @!p0 [tilespmem:s17], [sflag:$0x1], $0x80, s18, s20, $0xb8;
	[tilespmem:$0x18080] =	vst v63  }
0x2c: {  	s15 =	sadd.s32 $0x200, s15;
	p1 =	sgt.u32 s19, $0x4E1;
	_ =	swait.ge @!p0 [sflag:s16], $0x4000  }
0x2d: {  	s14 =	simm.s32 @!p1 $0x0;
	[sflag:s16] =	ssyncset.done @!p0 $0x0  }
0x2e: {  	s17 =	simm.s32 @!p1 $0x4000;
	s18 =	simm.s32 @!p1 $0x2;
	[sflag:s16] =	ssyncadd.s32 @!p0 $0xFFFFC000  }
0x2f: {  	[tilespmem:s17], [sflag:$0x2] =	stream.linear.gather @!p1 [hbm4b:s15+s14], $0x80, $0x38;
	[tilespmem:$0x18080] =	vst v63  }
0x30: {  	p0 =	por p1, p1;
	_ =	swait.ge @!p1 [sflag:s18], $0x80  }
0x31: {  	[sflag:s18] =	ssyncset.done @!p0 $0x0  }
0x32: {  	[sflag:s18] =	ssyncadd.s32 @!p0 $0xFFFFFF80  }
0x33: {  	[tilespmem:s14], [sflag:$0x2] =	stream.linear.gather @!p0 [hbm4b:s13+s14], $0x4000, $0x38;
	[tilespmem:$0x18080] =	vst v63  }
0x34: {  	_ =	swait.ge @!p0 [sflag:s18], $0x4000  }
0x35: {  	[sflag:s18] =	ssyncset.done @!p0 $0x0  }
0x36: {  	s15 =	simm.s32 @!p0 $0x80;
	s13 =	simm.s32 @!p0 $0x1;
	[sflag:s18] =	ssyncadd.s32 @!p0 $0xFFFFC000  }
0x37: {  	[spmem:s2] =	stream.indirect.scatter.add.f32 @!p0 [tilespmem:s14], [sflag:$0x1], $0x80, s17, s15, $0xb8;
	[tilespmem:$0x18080] =	vst v63  }
0x38: {  	_ =	swait.ge @!p0 [sflag:s13], $0x4000  }
0x39: {  	s3 =	sadd.s32 $0x1, s3;
	[sflag:s13] =	ssyncset.done @!p0 $0x0  }
0x3a: {  	[sflag:s13] =	ssyncadd.s32 @!p0 $0xFFFFC000;
	p0 =	sne.s32 s3, s7  }
.Ltmp1:
0x3b: {  	[bflag:$0x0] =	sbarrier.arrive $0xFFFF;
	(pc) =	sbr.rel @p0 .LBB2_1-.Ltmp1, $4  }
0x3c: {  	[hbm:s6], [sflag:s5] =	dma.local [spmem:s11], $0x2800  }
0x3d: {  	_ =	swait.ge [sflag:s12], $0x2800  }
0x3e: {  	[sflag:s12] =	ssyncset.done $0x0  }
0x3f: {  	[sflag:s12] =	ssyncadd.s32 $0xFFFFD800  }
0x40: {  	_ =	sfence.sel $0x180000  }
0x41: {  	[bflag:$0x0] =	sbarrier.arrive $0xFFFF  }
0x42: {  	p0 =	sne.s32 s1, $0x0;
	_ =	strace $0x9000004A  }
0x43: {  	s0 =	sadd.s32 @!p0 $0x100000, s0;
	[bflag:$0x2] =	sbarrier.arrive $0xFFFF  }
0x44: {  	[sflag:s0] =	ssyncadd.tile.s32 @!p0 $0x1;
	_ =	shalt  }
.Lfunc_end2:
_tile_overlayer_lowered:
.L_overlay_start_2:
0x45: {  	(tag) =	ssettag $0x2  }
0x46: {  	s0 =	rddreg [dreg:$0x0];
	s2 =	stileid.u32  }
0x47: {  	s1 =	rddreg [dreg:$0x1];
	p0 =	sne.s32 s2, $0x0  }
0x48: {  	s3 =	rddreg [dreg:$0x2];
	[bflag:$0x3] =	sbarrier.arrive $0xFFFF;
	s2 =	simm.s32 @!p0 $0x1C01  }
0x49: {  	[timem:s3], [sflag:s2] =	dma.local @!p0 [hbm:s0], s1  }
0x4a: {  	s0 =	simm.s32 @!p0 $0x1  }
0x4b: {  	_ =	swait.ge @!p0 [sflag:s0], s1  }
0x4c: {  	s1 =	ssub.s32 @!p0 $0x0, s1;
	[sflag:s0] =	ssyncset.done @!p0 $0x0  }
0x4d: {  	[sflag:s0] =	ssyncadd.s32 @!p0 s1  }
0x4e: {  	[bflag:$0x3] =	sbarrier.arrive $0xFFFF  }
0x4f: {  	_ =	shalt  }

// kernel: kernel.21.cloned.1.call-start
scs
__scs_entry_jumppad:
0x0: {  	(pc) =	sbr.rel $0x88, $3  }
0x1: {  	(tag) =	ssettag $0x0;
	lr =	simm.s32 $0x1  }
0x2: {  	[smem:$0x3F7E] =	sst lr;
	_ =	strace $0xD0000000  }
0x3: {  	_ = 	snop  }
0x4: {  	_ = 	snop  }
0x5: {  	_ = 	snop  }
0x6: {  	_ = 	snop  }
0x7: {  	_ = 	snop  }
__scs_overlays_trampoline_lowered:
0x8: {  	[smem:$0x3F8D] =	sst s0  }
0x9: {  	[smem:$0x3F8E] =	sst s1  }
0xa: {  	[smem:$0x3F8F] =	sst s2  }
0xb: {  	[smem:$0x3F90] =	sst s3  }
0xc: {  	[smem:$0x3F91] =	sst s4  }
0xd: {  	[smem:$0x3F92] =	sst s5  }
0xe: {  	[smem:$0x3F93] =	sst s6  }
0xf: {  	[smem:$0x3F94] =	sst s7  }
0x10: {  	[smem:$0x3F95] =	sst s8  }
0x11: {  	[smem:$0x3F96] =	sst s9;
	s0 =	simm.s32 @!p0 $0x0  }
0x12: {  	s1 =	sld [smem:$0x3F7C];
	s0 =	simm.s32 @p0 $0x1  }
0x13: {  	[smem:$0x3F97] =	sst s0;
	s0 =	simm.s32 @!p1 $0x0  }
0x14: {  	s2 =	sld [smem:$0x3F7B];
	s0 =	simm.s32 @p1 $0x1  }
0x15: {  	[smem:$0x3F98] =	sst s0;
	s0 =	simm.s32 @!p2 $0x0  }
0x16: {  	s3 =	sld [smem:$0x3FDB];
	s0 =	simm.s32 @p2 $0x1  }
0x17: {  	s4 =	simm.s32 $0x1BF5;
	[smem:$0x3F9A] =	sst s0  }
0x18: {  	s0 =	sld [smem:$0x3F7D];
	_ =	swait.ge [sflag:s4], $0x0  }
0x19: {  	s7 =	sld [smem:$0x3F7E]  }
0x1a: {  	s8 =	sadd.s32 $0xFFFFE003, lr  }
0x1b: {  	s9 =	sadd.s32 $0xFFFFFEF7, lr;
	s5 =	simm.s32 $0xFFFFFFFF;
	p2 =	slt.u32 s8, $0xFFFFF086  }
0x1c: {  	p1 =	slt.u32 s9, $0xF7A;
	s5 =	simm.s32 @!p2 $0x0  }
0x1d: {  	s5 =	simm.s32 @p1 $0x1;
	p0 =	seq.s32 s7, s2  }
0x1e: {  	s7 =	smul.u32 @!p0 $0xF7A, s2;
	p2 =	seq.s32 @!p0 s5, $0x0  }
0x1f: {  	s9 =	smul.u32 $0xF7A, s1;
	s8 =	simm.s32 @!p0 $0x1BF5;
	p2 =	por !p2, p0  }
0x20: {  	[sflag:s8] =	ssyncset.s32 @!p0 $0xFFFFF086;
	s6 =	sadd.s32 @!p0 s3, s7;
	s7 =	simm.s32 @!p0 $0x108  }
0x21: {  	s3 =	sadd.s32 s3, s9;
	s6 =	sadd.s32 @!p0 $0x88, s6;
	s7 =	simm.s32 @p2 $0x1082  }
0x22: {  	[simem:s7], [sflag:s8] =	dma.local @!p0 [hbm:s6], $0xF7A  }
0x23: {  	s9 =	sor.u32 $0xD0000000, s2;
	s6 =	simm.s32 $0x108;
	_ =	swait.ge @!p0 [sflag:s8], $0x0  }
0x24: {  	s3 =	sadd.s32 $0x88, s3;
	s6 =	simm.s32 @!p1 $0x1082;
	[sflag:s4] =	ssyncset.s32 $0xFFFFF086  }
0x25: {  	[simem:s6], [sflag:s4] =	dma.local [hbm:s3], $0xF7A  }
0x26: {  	[smem:$0x3F7E] =	sst s1;
	(tag) =	ssettag s2;
	_ =	strace s9  }
0x27: {  	s1 =	sld [smem:$0x3F8E]  }
0x28: {  	s2 =	sld [smem:$0x3F8F]  }
0x29: {  	s4 =	sld [smem:$0x3F91]  }
0x2a: {  	p0 =	seq.s32 s5, $0x0;
	s5 =	sld [smem:$0x3F92]  }
0x2b: {  	s6 =	sld [smem:$0x3F93]  }
0x2c: {  	s7 =	sld [smem:$0x3F94]  }
0x2d: {  	s3 =	simm.s32 $0x108;
	s8 =	sld [smem:$0x3F95]  }
0x2e: {  	s3 =	simm.s32 @!p0 $0x1082;
	s9 =	sld [smem:$0x3F96]  }
0x2f: {  	lr =	sadd.s32 s0, s3;
	s0 =	sld [smem:$0x3F8D]  }
0x30: {  	s3 =	sld [smem:$0x3F90]  }
0x31: {  	[smem:$0x3F99] =	sst s10  }
0x32: {  	s10 =	sld [smem:$0x3F97];
	_ =	sdelay $0x3  }
0x33: {  	p0 =	seq.s32 s10, $0x1;
	s10 =	sld [smem:$0x3F99];
	_ =	sdelay $0x3  }
0x34: {  	[smem:$0x3F99] =	sst s10  }
0x35: {  	s10 =	sld [smem:$0x3F98];
	_ =	sdelay $0x3  }
0x36: {  	p1 =	seq.s32 s10, $0x1;
	s10 =	sld [smem:$0x3F99];
	_ =	sdelay $0x3  }
0x37: {  	[smem:$0x3F99] =	sst s10  }
0x38: {  	s10 =	sld [smem:$0x3F9A]  }
0x39: {  	_ = 	snop;
	(pc) =	sbr.ind lr, $3  }
0x3a: {  	_ = 	snop  }
0x3b: {  	_ = 	snop  }
0x3c: {  	p2 =	seq.s32 s10, $0x1;
	s10 =	sld [smem:$0x3F99]  }
0x3d: {  	_ =	shalt  }
0x3e: {  	_ =	shalt  }
0x3f: {  	_ =	shalt  }
0x40: {  	_ =	shalt  }
0x41: {  	_ =	shalt  }
0x42: {  	_ =	shalt  }
0x43: {  	_ =	shalt  }
0x44: {  	_ =	shalt  }
0x45: {  	_ =	shalt  }
0x46: {  	_ =	shalt  }
0x47: {  	_ =	shalt  }
0x48: {  	_ =	shalt  }
0x49: {  	_ =	shalt  }
0x4a: {  	_ =	shalt  }
0x4b: {  	_ =	shalt  }
0x4c: {  	_ =	shalt  }
0x4d: {  	_ =	shalt  }
0x4e: {  	_ =	shalt  }
0x4f: {  	_ =	shalt  }
0x50: {  	_ =	shalt  }
0x51: {  	_ =	shalt  }
0x52: {  	_ =	shalt  }
0x53: {  	_ =	shalt  }
0x54: {  	_ =	shalt  }
0x55: {  	_ =	shalt  }
0x56: {  	_ =	shalt  }
0x57: {  	_ =	shalt  }
0x58: {  	_ =	shalt  }
0x59: {  	_ =	shalt  }
0x5a: {  	_ =	shalt  }
0x5b: {  	_ =	shalt  }
0x5c: {  	_ =	shalt  }
0x5d: {  	_ =	shalt  }
0x5e: {  	_ =	shalt  }
0x5f: {  	_ =	shalt  }
0x60: {  	_ =	shalt  }
0x61: {  	_ =	shalt  }
0x62: {  	_ =	shalt  }
0x63: {  	_ =	shalt  }
0x64: {  	_ =	shalt  }
0x65: {  	_ =	shalt  }
0x66: {  	_ =	shalt  }
0x67: {  	_ =	shalt  }
0x68: {  	_ =	shalt  }
0x69: {  	_ =	shalt  }
0x6a: {  	_ =	shalt  }
0x6b: {  	_ =	shalt  }
0x6c: {  	_ =	shalt  }
0x6d: {  	_ =	shalt  }
0x6e: {  	_ =	shalt  }
0x6f: {  	_ =	shalt  }
0x70: {  	_ =	shalt  }
0x71: {  	_ =	shalt  }
0x72: {  	_ =	shalt  }
0x73: {  	_ =	shalt  }
0x74: {  	_ =	shalt  }
0x75: {  	_ =	shalt  }
0x76: {  	_ =	shalt  }
0x77: {  	_ =	shalt  }
0x78: {  	_ =	shalt  }
0x79: {  	_ =	shalt  }
0x7a: {  	_ =	shalt  }
0x7b: {  	_ =	shalt  }
0x7c: {  	_ =	shalt  }
0x7d: {  	_ =	shalt  }
0x7e: {  	_ =	shalt  }
0x7f: {  	_ =	shalt  }
0x80: {  	_ =	shalt  }
0x81: {  	_ =	shalt  }
0x82: {  	_ =	shalt  }
0x83: {  	_ =	shalt  }
0x84: {  	_ =	shalt  }
0x85: {  	_ =	shalt  }
0x86: {  	_ =	shalt  }
0x87: {  	_ =	shalt  }
.Lfunc_end0:
.L_simem_size_0:
called_computation.2_lowered:
.L_overlay_start_0:
0x88: {  	s2 =	sld [smem:$0x3FD9]  }
0x89: {  	s3 =	sld [smem:$0x3FFE];
	_ =	sdelay $0x1  }
0x8a: {  	s1 =	srdreg.scid  }
0x8b: {  	s0 =	sand.u32 $0x1, s1  }
0x8c: {  	s17 =	sshll.u32 s0, $0xA;
	s2 =	sadd.s32 s3, s2  }
0x8d: {  	s2 =	sadd.s32 s2, s17  }
0x8e: {  	[smem:$0x3FA5] =	sst s2  }
0x8f: {  	_ = 	snop  }
0x90: {  	(tm) =	ssettm $0x1  }
0x91: {  	s18 =	sld [smem:$0x3FFB];
	_ =	sdelay $0x3  }
0x92: {  	_ =	strace s18  }
0x93: {  	s2 =	sld [smem:$0x3FFC];
	_ =	sdelay $0x3  }
0x94: {  	_ =	strace s2  }
0x95: {  	s2 =	sld [smem:$0x3FFD];
	_ =	sdelay $0x3  }
0x96: {  	_ =	strace s2  }
0x97: {  	_ =	strace $0x8FFFFFFF  }
0x98: {  	s19 =	sld [smem:$0x3FDB];
	_ =	sdelay $0x1  }
0x99: {  	s20 =	simm.s32 $_scs_section_size  }
0x9a: {  	s4 =	simm.s32 $_size__tile_overlayer_lowered;
	s5 =	simm.s32 $_tile_overlayer_lowered  }
0x9b: {  	s6 =	simm.s32 $0x1BFF;
	s21 =	sshll.u32 s5, $0x1;
	s3 =	sadd.s32 s20, s19  }
0x9c: {  	s22 =	simm.s32 $0x0;
	s4 =	sshll.u32 s4, $0x1;
	s5 =	sadd.s32 s21, s3  }
0x9d: {  	[timem:s22], [sflag:s6] =	dma.local [hbm:s5], s4  }
0x9e: {  	_ =	swait.ge [sflag:s6], s4  }
0x9f: {  	s4 =	ssub.s32 $0x0, s4;
	[sflag:s6] =	ssyncset.done $0x0  }
0xa0: {  	[sflag:s6] =	ssyncadd.s32 s4;
	_ =	sdelay $0x1  }
0xa1: {  	s23 =	simm.s32 $0x1B8B  }
0xa2: {  	_ =	swait.ge [sflag:s23], $0x1  }
0xa3: {  	[sflag:s23] =	ssyncset.done $0x0  }
0xa4: {  	[sflag:s23] =	ssyncadd.s32 $0xFFFFFFFF  }
0xa5: {  	s4 =	sld [smem:$0x0]  }
0xa6: {  	s5 =	sand.u32 $0xFFFFFFFE, s1  }
0xa7: {  	p0 =	sne.s32 s1, s5  }
0xa8: {  	s5 =	sshll.u32 @p0 s5, $0xE  }
0xa9: {  	s5 =	sadd.s32 @p0 $0x11B8D, s5;
	s6 =	sshll.u32 @p0 s4, $0x11  }
0xaa: {  	s5 =	sor.u32 @p0 s6, s5  }
0xab: {  	[sflag:s5] =	ssyncadd.remote.s32 @p0 $0x1;
	_ =	sdelay $0x1  }
0xac: {  	s5 =	simm.s32 @p0 $0x1B8D  }
0xad: {  	_ =	swait.eq @p0 [sflag:s5], $0x1  }
0xae: {  	[sflag:s5] =	ssyncadd.s32 @p0 $0xFFFFFFFF  }
0xaf: {  	s6 =	sshll.u32 @!p0 s1, $0xE  }
0xb0: {  	s6 =	sor.u32 @!p0 $0x4000, s6;
	s5 =	simm.s32 @!p0 $0x1B8D  }
0xb1: {  	s4 =	sshll.u32 @!p0 s4, $0x11;
	s6 =	sadd.s32 @!p0 $0x11B8D, s6;
	_ =	swait.eq @!p0 [sflag:s5], $0x1  }
0xb2: {  	s4 =	sor.u32 @!p0 s4, s6;
	[sflag:s5] =	ssyncadd.s32 @!p0 $0xFFFFFFFF  }
0xb3: {  	s25 =	simm.s32 $0x1B8E;
	s24 =	sld [smem:$0x3FFE];
	[sflag:s4] =	ssyncadd.remote.s32 @!p0 $0x1  }
0xb4: {  	s26 =	simm.s32 $execute0_lowered;
	[smem:$0x3FD2] =	sst s25  }
0xb5: {  	s5 =	sshll.u32 s26, $0x1;
	_ =	strace $0x8000004C;
	[dreg:$0x1] =	wrdreg $0xFFFFFFFF  }
0xb6: {  	s28 =	simm.s32 $_size_execute0_lowered;
	s3 =	sadd.s32 s3, s5;
	[dreg:$0x0] =	wrdreg $0x0  }
0xb7: {  	s5 =	sshll.u32 s28, $0x1;
	[dreg:$0x2] =	wrdreg s3  }
0xb8: {  	[dreg:$0x3] =	wrdreg s5  }
0xb9: {  	[dreg:$0x4] =	wrdreg $0xC0  }
0xba: {  	_ =	task [dreg:s22], $0x5FFFF  }
0xbb: {  	[dreg:$0x1] =	wrdreg $0xFFFFFFFF  }
0xbc: {  	[dreg:$0x0] =	wrdreg $0x60  }
0xbd: {  	[dreg:$0x2] =	wrdreg s24  }
0xbe: {  	[dreg:$0x3] =	wrdreg $0x40800  }
0xbf: {  	[dreg:$0x4] =	wrdreg $0xA  }
0xc0: {  	_ =	task.clear_ibuf [dreg:s22], $0x5FFFF;
	_ =	strace $0x9000004C  }
0xc1: {  	s29 =	simm.s32 $0xA;
	_ =	strace $0x8000004E  }
0xc2: {  	_ =	swait.ge [sflag:s29], $0x1  }
0xc3: {  	[sflag:s29] =	ssyncadd.s32 $0xFFFFFFFF  }
0xc4: {  	_ =	strace $0x9000004E  }
0xc5: {  	_ =	sfence  }
0xc6: {  	s30 =	sld [smem:$0x0];
	_ =	sdelay $0x2  }
0xc7: {  	s31 =	sshll.u32 s1, $0xD;
	s1 =	sshrl.u32 s1, $0x2  }
0xc8: {  	s4 =	sand.u32 $0x4000, s31;
	s1 =	sadd.s32 s1, s30  }
0xc9: {  	s0 =	sor.u32 s4, s0;
	s1 =	sshll.u32 s1, $0x11  }
0xca: {  	s0 =	sor.u32 s1, s0  }
0xcb: {  	s0 =	sadd.s32 $0x8F2B, s0  }
0xcc: {  	[sflag:s0] =	ssyncadd.remote.s32 $0x1  }
0xcd: {  	_ =	sfence.sel $0xFFFF  }
0xce: {  	[dreg:$0x0] =	wrdreg $0xFFFFFFFF;
	(pc) =	sbr.abs _section_cstart, $3  }
0xcf: {  	[dreg:$0x1] =	wrdreg $0xFFFFFFFF  }
0xd0: {  	_ =	task.clear_ibuf [dreg:s22], $0x2FFFF;
	_ =	strace $0x9FFFFFFF  }
0xd1: {  	(tm) =	ssettm $0x7FFFFFFF  }
tec
execute0_lowered:
.L_overlay_start_1:
0x0: {  	(tag) =	ssettag $0x1  }
0x1: {  	s5 =	rddreg [dreg:$0x0]  }
0x2: {  	s2 =	rddreg [dreg:$0x1];
	s3 =	srdreg.scid  }
0x3: {  	s0 =	rddreg [dreg:$0x2];
	s1 =	stileid.u32;
	s10 =	sand.u32 $0x1, s3  }
0x4: {  	s3 =	simm.s32 $0x0;
	s4 =	sshll.u32 s1, $0x5;
	s9 =	smul.u32 $0x14000, s1  }
0x5: {  	s7 =	sshll.u32 s1, $0xC;
	s12 =	smul.u32 $0x50000, s1;
	s26 =	sshll.u32 s1, $0x1  }
0x6: {  	s30 =	sshll.u32 s1, $0x6;
	s6 =	sshll.u32 s10, $0x4;
	[smem:$0x7FF] =	sst s3  }
0x7: {  	s24 =	smul.u32 $0x140000, s10;
	s7 =	sadd.s32 s7, s5;
	s11 =	ssub.s32 $0x2, s10  }
0x8: {  	s14 =	sshll.u32 s10, $0xB;
	s10 =	sor.u32 s10, s26;
	s6 =	sor.u32 s6, s4  }
0x9: {  	_ =	strace $0x8000004D;
	s4 =	sadd.s32 $0x51BC00, s5;
	s13 =	sshrl.u32 s11, $0x1  }
0xa: {  	s25 =	sshrl.u32 s12, $0x2;
	s31 =	sadd.s32 s14, s7;
	s12 =	simm.s32 $0x1  }
0xb: {  	s8 =	sand.u32 $0x180, s6;
	s9 =	sadd.s32 s9, s24;
	s11 =	ssub.s32 s11, s13  }
0xc: {  	s28 =	sadd.s32 s25, s2;
	s29 =	sand.u32 $0x70, s6;
	s9 =	sshrl.u32 s9, $0x3  }
0xd: {  	s8 =	sadd.s32 s8, s5;
	s7 =	smax.u32 s11, $0x1;
	s9 =	sadd.s32 s9, s5  }
0xe: {  	s11 =	sshrl.u32 s28, $0x3;
	s8 =	sadd.s32 s29, s8;
	s6 =	sadd.s32 $0x56E400, s9  }
0xf: {  	s5 =	sor.u32 $0x1C01, s30;
	s8 =	sadd.s32 $0xDA00, s8;
	s9 =	sadd.s32 $0x2AAC00, s31  }
.LBB2_1:
0x10: {  	[spmem:s11], [sflag:s5] =	dma.local [hbm:s4], $0x2800  }
0x11: {  	s13 =	sadd.s32 $0x0, s10;
	_ =	swait.ge [sflag:s12], $0x2800  }
0x12: {  	p0 =	sgt.u32 s13, $0x4E1;
	[sflag:s12] =	ssyncset.done $0x0  }
0x13: {  	s13 =	simm.s32 @!p0 $0x0;
	[sflag:s12] =	ssyncadd.s32 $0xFFFFD800  }
0x14: {  	s15 =	simm.s32 @!p0 $0x4000;
	s16 =	simm.s32 @!p0 $0x2;
	[bflag:$0x0] =	sbarrier.arrive $0xFFFF  }
0x15: {  	[tilespmem:s15], [sflag:$0x2] =	stream.linear.gather @!p0 [hbm4b:s8+s13], $0x80, $0x38;
	[tilespmem:$0x18080] =	vst v63  }
0x16: {  	_ =	swait.ge @!p0 [sflag:s16], $0x80;
	p0 =	por p0, p0  }
0x17: {  	[sflag:s16] =	ssyncset.done @!p0 $0x0  }
0x18: {  	[sflag:s16] =	ssyncadd.s32 @!p0 $0xFFFFFF80  }
0x19: {  	[tilespmem:s13], [sflag:$0x2] =	stream.linear.gather @!p0 [hbm4b:s9+s13], $0x4000, $0x38;
	[tilespmem:$0x18080] =	vst v63  }
0x1a: {  	_ =	swait.ge @!p0 [sflag:s16], $0x4000  }
0x1b: {  	[sflag:s16] =	ssyncset.done @!p0 $0x0  }
0x1c: {  	s31 =	sadd.s32 $0x20, s10;
	[sflag:s16] =	ssyncadd.s32 @!p0 $0xFFFFC000;
	s16 =	simm.s32 @!p0 $0x80  }
0x1d: {  	[spmem:s2] =	stream.indirect.scatter.add.f32 @!p0 [tilespmem:s13], [sflag:$0x1], $0x80, s15, s16, $0xb8;
	[tilespmem:$0x18080] =	vst v63  }
0x1e: {  	s14 =	simm.s32 $0x40;
	p1 =	sgt.u32 s31, $0x4E1;
	s16 =	simm.s32 @!p0 $0x1  }
0x1f: {  	s13 =	sadd.s32 $0x10000, s9;
	s15 =	sadd.s32 $0x200, s8;
	_ =	swait.ge @!p0 [sflag:s16], $0x4000  }
.LBB2_2:
0x20: {  	s17 =	simm.s32 @!p1 $0x0  }
0x21: {  	s18 =	simm.s32 @!p1 $0x4000;
	[sflag:s16] =	ssyncset.done @!p0 $0x0;
	s19 =	smov.u32 s14  }
0x22: {  	s14 =	sadd.s32 $0x20, s14;
	s20 =	simm.s32 @!p1 $0x2;
	[sflag:s16] =	ssyncadd.s32 @!p0 $0xFFFFC000  }
0x23: {  	[tilespmem:s18], [sflag:$0x2] =	stream.linear.gather @!p1 [hbm4b:s15+s17], $0x80, $0x38;
	[tilespmem:$0x18080] =	vst v63  }
0x24: {  	p2 =	sne.s32 s14, $0x500;
	p0 =	por p1, p1;
	_ =	swait.ge @!p1 [sflag:s20], $0x80  }
0x25: {  	[sflag:s20] =	ssyncset.done @!p0 $0x0  }
0x26: {  	[sflag:s20] =	ssyncadd.s32 @!p0 $0xFFFFFF80  }
0x27: {  	[tilespmem:s17], [sflag:$0x2] =	stream.linear.gather @!p0 [hbm4b:s13+s17], $0x4000, $0x38;
	[tilespmem:$0x18080] =	vst v63  }
.Ltmp0:
0x28: {  	_ =	swait.ge @!p0 [sflag:s20], $0x4000;
	(pc) =	sbr.rel @p2 .LBB2_2-.Ltmp0, $4  }
0x29: {  	s16 =	simm.s32 @!p0 $0x1;
	s13 =	sadd.s32 $0x10000, s13;
	[sflag:s20] =	ssyncset.done @!p0 $0x0  }
0x2a: {  	s19 =	sadd.s32 s19, s10;
	[sflag:s20] =	ssyncadd.s32 @!p0 $0xFFFFC000;
	s20 =	simm.s32 @!p0 $0x80  }
0x2b: {  	[spmem:s2] =	stream.indirect.scatter.add.f32 @!p0 [tilespmem:s17], [sflag:$0x1], $0x80, s18, s20, $0xb8;
	[tilespmem:$0x18080] =	vst v63  }
0x2c: {  	s15 =	sadd.s32 $0x200, s15;
	p1 =	sgt.u32 s19, $0x4E1;
	_ =	swait.ge @!p0 [sflag:s16], $0x4000  }
0x2d: {  	s14 =	simm.s32 @!p1 $0x0;
	[sflag:s16] =	ssyncset.done @!p0 $0x0  }
0x2e: {  	s17 =	simm.s32 @!p1 $0x4000;
	s18 =	simm.s32 @!p1 $0x2;
	[sflag:s16] =	ssyncadd.s32 @!p0 $0xFFFFC000  }
0x2f: {  	[tilespmem:s17], [sflag:$0x2] =	stream.linear.gather @!p1 [hbm4b:s15+s14], $0x80, $0x38;
	[tilespmem:$0x18080] =	vst v63  }
0x30: {  	p0 =	por p1, p1;
	_ =	swait.ge @!p1 [sflag:s18], $0x80  }
0x31: {  	[sflag:s18] =	ssyncset.done @!p0 $0x0  }
0x32: {  	[sflag:s18] =	ssyncadd.s32 @!p0 $0xFFFFFF80  }
0x33: {  	[tilespmem:s14], [sflag:$0x2] =	stream.linear.gather @!p0 [hbm4b:s13+s14], $0x4000, $0x38;
	[tilespmem:$0x18080] =	vst v63  }
0x34: {  	_ =	swait.ge @!p0 [sflag:s18], $0x4000  }
0x35: {  	[sflag:s18] =	ssyncset.done @!p0 $0x0  }
0x36: {  	s15 =	simm.s32 @!p0 $0x80;
	s13 =	simm.s32 @!p0 $0x1;
	[sflag:s18] =	ssyncadd.s32 @!p0 $0xFFFFC000  }
0x37: {  	[spmem:s2] =	stream.indirect.scatter.add.f32 @!p0 [tilespmem:s14], [sflag:$0x1], $0x80, s17, s15, $0xb8;
	[tilespmem:$0x18080] =	vst v63  }
0x38: {  	_ =	swait.ge @!p0 [sflag:s13], $0x4000  }
0x39: {  	s3 =	sadd.s32 $0x1, s3;
	[sflag:s13] =	ssyncset.done @!p0 $0x0  }
0x3a: {  	[sflag:s13] =	ssyncadd.s32 @!p0 $0xFFFFC000;
	p0 =	sne.s32 s3, s7  }
.Ltmp1:
0x3b: {  	[bflag:$0x0] =	sbarrier.arrive $0xFFFF;
	(pc) =	sbr.rel @p0 .LBB2_1-.Ltmp1, $4  }
0x3c: {  	[hbm:s6], [sflag:s5] =	dma.local [spmem:s11], $0x2800  }
0x3d: {  	_ =	swait.ge [sflag:s12], $0x2800  }
0x3e: {  	[sflag:s12] =	ssyncset.done $0x0  }
0x3f: {  	[sflag:s12] =	ssyncadd.s32 $0xFFFFD800  }
0x40: {  	_ =	sfence.sel $0x180000  }
0x41: {  	[bflag:$0x0] =	sbarrier.arrive $0xFFFF  }
0x42: {  	p0 =	sne.s32 s1, $0x0;
	_ =	strace $0x9000004D  }
0x43: {  	s0 =	sadd.s32 @!p0 $0x100000, s0;
	[bflag:$0x2] =	sbarrier.arrive $0xFFFF  }
0x44: {  	[sflag:s0] =	ssyncadd.tile.s32 @!p0 $0x1;
	_ =	shalt  }
.Lfunc_end2:
_tile_overlayer_lowered:
.L_overlay_start_2:
0x45: {  	(tag) =	ssettag $0x2  }
0x46: {  	s0 =	rddreg [dreg:$0x0];
	s2 =	stileid.u32  }
0x47: {  	s1 =	rddreg [dreg:$0x1];
	p0 =	sne.s32 s2, $0x0  }
0x48: {  	s3 =	rddreg [dreg:$0x2];
	[bflag:$0x3] =	sbarrier.arrive $0xFFFF;
	s2 =	simm.s32 @!p0 $0x1C01  }
0x49: {  	[timem:s3], [sflag:s2] =	dma.local @!p0 [hbm:s0], s1  }
0x4a: {  	s0 =	simm.s32 @!p0 $0x1  }
0x4b: {  	_ =	swait.ge @!p0 [sflag:s0], s1  }
0x4c: {  	s1 =	ssub.s32 @!p0 $0x0, s1;
	[sflag:s0] =	ssyncset.done @!p0 $0x0  }
0x4d: {  	[sflag:s0] =	ssyncadd.s32 @!p0 s1  }
0x4e: {  	[bflag:$0x3] =	sbarrier.arrive $0xFFFF  }
0x4f: {  	_ =	shalt  }

// kernel: kernel.24.cloned.1.call-start
scs
__scs_entry_jumppad:
0x0: {  	(pc) =	sbr.rel $0x88, $3  }
0x1: {  	(tag) =	ssettag $0x0;
	lr =	simm.s32 $0x1  }
0x2: {  	[smem:$0x3F7E] =	sst lr;
	_ =	strace $0xD0000000  }
0x3: {  	_ = 	snop  }
0x4: {  	_ = 	snop  }
0x5: {  	_ = 	snop  }
0x6: {  	_ = 	snop  }
0x7: {  	_ = 	snop  }
__scs_overlays_trampoline_lowered:
0x8: {  	[smem:$0x3F8D] =	sst s0  }
0x9: {  	[smem:$0x3F8E] =	sst s1  }
0xa: {  	[smem:$0x3F8F] =	sst s2  }
0xb: {  	[smem:$0x3F90] =	sst s3  }
0xc: {  	[smem:$0x3F91] =	sst s4  }
0xd: {  	[smem:$0x3F92] =	sst s5  }
0xe: {  	[smem:$0x3F93] =	sst s6  }
0xf: {  	[smem:$0x3F94] =	sst s7  }
0x10: {  	[smem:$0x3F95] =	sst s8  }
0x11: {  	[smem:$0x3F96] =	sst s9;
	s0 =	simm.s32 @!p0 $0x0  }
0x12: {  	s1 =	sld [smem:$0x3F7C];
	s0 =	simm.s32 @p0 $0x1  }
0x13: {  	[smem:$0x3F97] =	sst s0;
	s0 =	simm.s32 @!p1 $0x0  }
0x14: {  	s2 =	sld [smem:$0x3F7B];
	s0 =	simm.s32 @p1 $0x1  }
0x15: {  	[smem:$0x3F98] =	sst s0;
	s0 =	simm.s32 @!p2 $0x0  }
0x16: {  	s3 =	sld [smem:$0x3FDB];
	s0 =	simm.s32 @p2 $0x1  }
0x17: {  	s4 =	simm.s32 $0x1BF5;
	[smem:$0x3F9A] =	sst s0  }
0x18: {  	s0 =	sld [smem:$0x3F7D];
	_ =	swait.ge [sflag:s4], $0x0  }
0x19: {  	s7 =	sld [smem:$0x3F7E]  }
0x1a: {  	s8 =	sadd.s32 $0xFFFFE003, lr  }
0x1b: {  	s9 =	sadd.s32 $0xFFFFFEF7, lr;
	s5 =	simm.s32 $0xFFFFFFFF;
	p2 =	slt.u32 s8, $0xFFFFF086  }
0x1c: {  	p1 =	slt.u32 s9, $0xF7A;
	s5 =	simm.s32 @!p2 $0x0  }
0x1d: {  	s5 =	simm.s32 @p1 $0x1;
	p0 =	seq.s32 s7, s2  }
0x1e: {  	s7 =	smul.u32 @!p0 $0xF7A, s2;
	p2 =	seq.s32 @!p0 s5, $0x0  }
0x1f: {  	s9 =	smul.u32 $0xF7A, s1;
	s8 =	simm.s32 @!p0 $0x1BF5;
	p2 =	por !p2, p0  }
0x20: {  	[sflag:s8] =	ssyncset.s32 @!p0 $0xFFFFF086;
	s6 =	sadd.s32 @!p0 s3, s7;
	s7 =	simm.s32 @!p0 $0x108  }
0x21: {  	s3 =	sadd.s32 s3, s9;
	s6 =	sadd.s32 @!p0 $0x88, s6;
	s7 =	simm.s32 @p2 $0x1082  }
0x22: {  	[simem:s7], [sflag:s8] =	dma.local @!p0 [hbm:s6], $0xF7A  }
0x23: {  	s9 =	sor.u32 $0xD0000000, s2;
	s6 =	simm.s32 $0x108;
	_ =	swait.ge @!p0 [sflag:s8], $0x0  }
0x24: {  	s3 =	sadd.s32 $0x88, s3;
	s6 =	simm.s32 @!p1 $0x1082;
	[sflag:s4] =	ssyncset.s32 $0xFFFFF086  }
0x25: {  	[simem:s6], [sflag:s4] =	dma.local [hbm:s3], $0xF7A  }
0x26: {  	[smem:$0x3F7E] =	sst s1;
	(tag) =	ssettag s2;
	_ =	strace s9  }
0x27: {  	s1 =	sld [smem:$0x3F8E]  }
0x28: {  	s2 =	sld [smem:$0x3F8F]  }
0x29: {  	s4 =	sld [smem:$0x3F91]  }
0x2a: {  	p0 =	seq.s32 s5, $0x0;
	s5 =	sld [smem:$0x3F92]  }
0x2b: {  	s6 =	sld [smem:$0x3F93]  }
0x2c: {  	s7 =	sld [smem:$0x3F94]  }
0x2d: {  	s3 =	simm.s32 $0x108;
	s8 =	sld [smem:$0x3F95]  }
0x2e: {  	s3 =	simm.s32 @!p0 $0x1082;
	s9 =	sld [smem:$0x3F96]  }
0x2f: {  	lr =	sadd.s32 s0, s3;
	s0 =	sld [smem:$0x3F8D]  }
0x30: {  	s3 =	sld [smem:$0x3F90]  }
0x31: {  	[smem:$0x3F99] =	sst s10  }
0x32: {  	s10 =	sld [smem:$0x3F97];
	_ =	sdelay $0x3  }
0x33: {  	p0 =	seq.s32 s10, $0x1;
	s10 =	sld [smem:$0x3F99];
	_ =	sdelay $0x3  }
0x34: {  	[smem:$0x3F99] =	sst s10  }
0x35: {  	s10 =	sld [smem:$0x3F98];
	_ =	sdelay $0x3  }
0x36: {  	p1 =	seq.s32 s10, $0x1;
	s10 =	sld [smem:$0x3F99];
	_ =	sdelay $0x3  }
0x37: {  	[smem:$0x3F99] =	sst s10  }
0x38: {  	s10 =	sld [smem:$0x3F9A]  }
0x39: {  	_ = 	snop;
	(pc) =	sbr.ind lr, $3  }
0x3a: {  	_ = 	snop  }
0x3b: {  	_ = 	snop  }
0x3c: {  	p2 =	seq.s32 s10, $0x1;
	s10 =	sld [smem:$0x3F99]  }
0x3d: {  	_ =	shalt  }
0x3e: {  	_ =	shalt  }
0x3f: {  	_ =	shalt  }
0x40: {  	_ =	shalt  }
0x41: {  	_ =	shalt  }
0x42: {  	_ =	shalt  }
0x43: {  	_ =	shalt  }
0x44: {  	_ =	shalt  }
0x45: {  	_ =	shalt  }
0x46: {  	_ =	shalt  }
0x47: {  	_ =	shalt  }
0x48: {  	_ =	shalt  }
0x49: {  	_ =	shalt  }
0x4a: {  	_ =	shalt  }
0x4b: {  	_ =	shalt  }
0x4c: {  	_ =	shalt  }
0x4d: {  	_ =	shalt  }
0x4e: {  	_ =	shalt  }
0x4f: {  	_ =	shalt  }
0x50: {  	_ =	shalt  }
0x51: {  	_ =	shalt  }
0x52: {  	_ =	shalt  }
0x53: {  	_ =	shalt  }
0x54: {  	_ =	shalt  }
0x55: {  	_ =	shalt  }
0x56: {  	_ =	shalt  }
0x57: {  	_ =	shalt  }
0x58: {  	_ =	shalt  }
0x59: {  	_ =	shalt  }
0x5a: {  	_ =	shalt  }
0x5b: {  	_ =	shalt  }
0x5c: {  	_ =	shalt  }
0x5d: {  	_ =	shalt  }
0x5e: {  	_ =	shalt  }
0x5f: {  	_ =	shalt  }
0x60: {  	_ =	shalt  }
0x61: {  	_ =	shalt  }
0x62: {  	_ =	shalt  }
0x63: {  	_ =	shalt  }
0x64: {  	_ =	shalt  }
0x65: {  	_ =	shalt  }
0x66: {  	_ =	shalt  }
0x67: {  	_ =	shalt  }
0x68: {  	_ =	shalt  }
0x69: {  	_ =	shalt  }
0x6a: {  	_ =	shalt  }
0x6b: {  	_ =	shalt  }
0x6c: {  	_ =	shalt  }
0x6d: {  	_ =	shalt  }
0x6e: {  	_ =	shalt  }
0x6f: {  	_ =	shalt  }
0x70: {  	_ =	shalt  }
0x71: {  	_ =	shalt  }
0x72: {  	_ =	shalt  }
0x73: {  	_ =	shalt  }
0x74: {  	_ =	shalt  }
0x75: {  	_ =	shalt  }
0x76: {  	_ =	shalt  }
0x77: {  	_ =	shalt  }
0x78: {  	_ =	shalt  }
0x79: {  	_ =	shalt  }
0x7a: {  	_ =	shalt  }
0x7b: {  	_ =	shalt  }
0x7c: {  	_ =	shalt  }
0x7d: {  	_ =	shalt  }
0x7e: {  	_ =	shalt  }
0x7f: {  	_ =	shalt  }
0x80: {  	_ =	shalt  }
0x81: {  	_ =	shalt  }
0x82: {  	_ =	shalt  }
0x83: {  	_ =	shalt  }
0x84: {  	_ =	shalt  }
0x85: {  	_ =	shalt  }
0x86: {  	_ =	shalt  }
0x87: {  	_ =	shalt  }
.Lfunc_end0:
.L_simem_size_0:
called_computation.3_lowered:
.L_overlay_start_0:
0x88: {  	s2 =	sld [smem:$0x3FD9]  }
0x89: {  	s3 =	sld [smem:$0x3FFE];
	_ =	sdelay $0x1  }
0x8a: {  	s1 =	srdreg.scid  }
0x8b: {  	s0 =	sand.u32 $0x1, s1  }
0x8c: {  	s14 =	sshll.u32 s0, $0xA;
	s2 =	sadd.s32 s3, s2  }
0x8d: {  	s2 =	sadd.s32 s2, s14  }
0x8e: {  	[smem:$0x3FA5] =	sst s2  }
0x8f: {  	_ = 	snop  }
0x90: {  	s2 =	sld [smem:$0x3FD0];
	_ =	sdelay $0x2  }
0x91: {  	s15 =	simm.s32 $0xB;
	s4 =	simm.s32 $0x10  }
0x92: {  	[smem:s4], [sflag:s15] =	dma.local [hbm:s2], $0x1  }
0x93: {  	_ =	swait.eq [sflag:s15], $0x1  }
0x94: {  	[sflag:s15] =	ssyncset.done $0x0  }
0x95: {  	[sflag:s15] =	ssyncadd.s32 $0xFFFFFFFF  }
0x96: {  	s16 =	sld [smem:$0x10];
	(tm) =	ssettm $0x1  }
0x97: {  	s17 =	sld [smem:$0x3FFB];
	_ =	sdelay $0x3  }
0x98: {  	_ =	strace s17  }
0x99: {  	s3 =	sld [smem:$0x3FFC];
	_ =	sdelay $0x3  }
0x9a: {  	_ =	strace s3  }
0x9b: {  	s3 =	sld [smem:$0x3FFD];
	_ =	sdelay $0x3  }
0x9c: {  	_ =	strace s3  }
0x9d: {  	_ =	strace $0x8FFFFFFF  }
0x9e: {  	s18 =	sld [smem:$0x3FDB];
	_ =	sdelay $0x1  }
0x9f: {  	s19 =	simm.s32 $_scs_section_size  }
0xa0: {  	s5 =	simm.s32 $_size__tile_overlayer_lowered;
	s6 =	simm.s32 $_tile_overlayer_lowered  }
0xa1: {  	s22 =	simm.s32 $0x1BFF;
	s21 =	sshll.u32 s6, $0x1;
	s3 =	sadd.s32 s19, s18  }
0xa2: {  	s7 =	simm.s32 $0x0;
	s20 =	sshll.u32 s5, $0x1;
	s5 =	sadd.s32 s21, s3  }
0xa3: {  	[timem:s7], [sflag:s22] =	dma.local [hbm:s5], s20  }
0xa4: {  	_ =	swait.ge [sflag:s22], s20  }
0xa5: {  	s4 =	ssub.s32 $0x0, s20;
	[sflag:s22] =	ssyncset.done $0x0  }
0xa6: {  	[sflag:s22] =	ssyncadd.s32 s4;
	_ =	sdelay $0x1  }
0xa7: {  	s23 =	simm.s32 $0x1B8B  }
0xa8: {  	_ =	swait.ge [sflag:s23], $0x1  }
0xa9: {  	[sflag:s23] =	ssyncset.done $0x0  }
0xaa: {  	s25 =	simm.s32 $0x1B8E;
	s24 =	sld [smem:$0x3FFE];
	[sflag:s23] =	ssyncadd.s32 $0xFFFFFFFF  }
0xab: {  	s26 =	simm.s32 $execute0_lowered;
	[smem:$0x3FD2] =	sst s25  }
0xac: {  	s5 =	sshll.u32 s26, $0x1;
	_ =	strace $0x8000004F;
	[dreg:$0x1] =	wrdreg $0xFFFFFFFF  }
0xad: {  	s28 =	simm.s32 $_size_execute0_lowered;
	s3 =	sadd.s32 s3, s5;
	[dreg:$0x0] =	wrdreg $0x0  }
0xae: {  	s5 =	sshll.u32 s28, $0x1;
	[dreg:$0x2] =	wrdreg s3  }
0xaf: {  	[dreg:$0x3] =	wrdreg s5  }
0xb0: {  	[dreg:$0x4] =	wrdreg $0xC0  }
0xb1: {  	_ =	task [dreg:s7], $0x5FFFF  }
0xb2: {  	[dreg:$0x1] =	wrdreg $0xFFFFFFFF  }
0xb3: {  	[dreg:$0x0] =	wrdreg $0x60  }
0xb4: {  	[dreg:$0x2] =	wrdreg s16  }
0xb5: {  	[dreg:$0x3] =	wrdreg s24  }
0xb6: {  	[dreg:$0x4] =	wrdreg $0x9  }
0xb7: {  	_ =	task.clear_ibuf [dreg:s7], $0x5FFFF;
	_ =	strace $0x9000004F  }
0xb8: {  	s29 =	simm.s32 $0x9;
	_ =	strace $0x80000051  }
0xb9: {  	_ =	swait.ge [sflag:s29], $0x1  }
0xba: {  	[sflag:s29] =	ssyncadd.s32 $0xFFFFFFFF  }
0xbb: {  	_ =	strace $0x90000051  }
0xbc: {  	_ =	sfence  }
0xbd: {  	s30 =	sld [smem:$0x0];
	_ =	sdelay $0x2  }
0xbe: {  	s31 =	sshll.u32 s1, $0xD;
	s1 =	sshrl.u32 s1, $0x2  }
0xbf: {  	s3 =	sand.u32 $0x4000, s31;
	s1 =	sadd.s32 s1, s30  }
0xc0: {  	s0 =	sor.u32 s3, s0;
	s1 =	sshll.u32 s1, $0x11  }
0xc1: {  	s0 =	sor.u32 s1, s0  }
0xc2: {  	s0 =	sadd.s32 $0x8F2B, s0  }
0xc3: {  	[sflag:s0] =	ssyncadd.remote.s32 $0x1  }
0xc4: {  	_ =	sfence.sel $0xFFFF  }
0xc5: {  	[dreg:$0x0] =	wrdreg $0xFFFFFFFF;
	(pc) =	sbr.abs _section_cstart, $3  }
0xc6: {  	[dreg:$0x1] =	wrdreg $0xFFFFFFFF  }
0xc7: {  	_ =	task.clear_ibuf [dreg:s7], $0x2FFFF;
	_ =	strace $0x9FFFFFFF  }
0xc8: {  	(tm) =	ssettm $0x7FFFFFFF  }
0xc9: {  	_ =	shalt  }
tec
execute0_lowered:
.L_overlay_start_1:
0x0: {  	(tag) =	ssettag $0x1  }
0x1: {  	s0 =	rddreg [dreg:$0x1];
	s1 =	srdreg.scid  }
0x2: {  	s10 =	stileid.u32;
	s3 =	simm.s32 $0x0;
	s11 =	simm.s32 $0xC000  }
0x3: {  	s12 =	simm.s32 $0x3;
	s14 =	simm.s32 $0x1;
	s16 =	simm.s32 $0x4000  }
0x4: {  	s17 =	simm.s32 $0x4800;
	s18 =	simm.s32 $0x5000;
	s19 =	simm.s32 $0x5800  }
0x5: {  	s20 =	simm.s32 $0x6000;
	s21 =	simm.s32 $0x6800;
	s28 =	simm.s32 $0x9800  }
0x6: {  	s29 =	simm.s32 $0xA000;
	s30 =	simm.s32 $0xA800;
	s31 =	simm.s32 $0xB000  }
0x7: {  	s1 =	sand.u32 $0x1, s1;
	s2 =	sshll.u32 s10, $0x5;
	[smem:$0x7FF] =	sst s3  }
0x8: {  	s7 =	sshll.u32 s10, $0xC;
	s8 =	sshll.u32 s10, $0xD;
	s22 =	sshll.u32 s10, $0x1  }
0x9: {  	s4 =	sshll.u32 s1, $0x4;
	_ =	strace $0x80000050;
	s6 =	ssub.s32 $0x2, s1  }
0xa: {  	s7 =	sadd.s32 s7, s0;
	s23 =	sshll.u32 s1, $0xB;
	s24 =	sshll.u32 s1, $0xC  }
0xb: {  	s26 =	sor.u32 s1, s22;
	s22 =	simm.s32 $0x7000;
	s1 =	simm.s32 $0x2  }
0xc: {  	s2 =	sor.u32 s4, s2;
	s4 =	sadd.s32 $0x39C00, s0;
	s9 =	sshrl.u32 s6, $0x1  }
0xd: {  	[dreg:$0x6] =	wrdreg s26;
	s26 =	simm.s32 $0x9000;
	s6 =	ssub.s32 s6, s9  }
0xe: {  	s5 =	sand.u32 $0x180, s2;
	s2 =	sand.u32 $0x70, s2;
	s6 =	smax.u32 s6, $0x1  }
0xf: {  	s5 =	sadd.s32 s5, s0;
	s0 =	sadd.s32 s8, s0;
	[dreg:$0x3] =	wrdreg s6  }
.Ltmp0:
0x10: {  	s2 =	sadd.s32 s2, s5;
	s5 =	sadd.s32 s23, s7;
	(pc) =	sbr.rel .LBB2_1-.Ltmp0, $4  }
0x11: {  	s0 =	sadd.s32 s24, s0;
	s23 =	simm.s32 $0x7800;
	s24 =	simm.s32 $0x8000  }
0x12: {  	v2 =	vlaneseq.u32;
	s6 =	sadd.s32 $0x8A00, s2;
	s7 =	sadd.s32 $0xDA00, s2;
	s25 =	sadd.s32 $0x87E00, s5  }
0x13: {  	vm0 =	vmmov $0xffff;
	v1 =	vshrl.u32 v2, $0x3;
	s0 =	sadd.s32 $0x51E400, s0;
	s5 =	simm.s32 $0x0;
	[dreg:$0x4] =	wrdreg s25  }
0x14: {  	v0 =	vand.u32 $0x7, v2;
	v2 =	vor.u32 $0x8, v2;
	v1 =	vmul.u32 $0x8, v1;
	[dreg:$0x5] =	wrdreg s0;
	s25 =	simm.s32 $0x8800;
	s0 =	simm.s32 $0xB800  }
.LBB2_5:
0x15: {  	s5 =	sadd.s32 $0x1, s5;
	s2 =	rddreg [dreg:$0x3]  }
0x16: {  	p0 =	sne.s32 s5, s2  }
.Ltmp1:
0x17: {  	_ = 	snop;
	(pc) =	sbr.rel @!p0 .LBB2_6-.Ltmp1, $1  }
0x18: {  	_ =	sdelay $0x3  }
.LBB2_1:
.Ltmp2:
0x19: {  	(pc) =	sbr.rel .LBB2_2-.Ltmp2, $4  }
0x1a: {  	_ = 	snop  }
0x1b: {  	s10 =	rddreg [dreg:$0x6]  }
0x1c: {  	s9 =	rddreg [dreg:$0x5]  }
0x1d: {  	s8 =	rddreg [dreg:$0x4];
	s2 =	simm.s32 $0x0  }
.LBB2_4:
0x1e: {  	s2 =	sadd.s32 $0x200, s2  }
0x1f: {  	p0 =	sne.s32 s2, $0x5000  }
.Ltmp3:
0x20: {  	_ = 	snop;
	(pc) =	sbr.rel @!p0 .LBB2_5-.Ltmp3, $2  }
0x21: {  	_ =	sdelay $0x2  }
0x22: {  	s8 =	sadd.s32 $0x10000, s8;
	s9 =	sadd.s32 $0x20000, s9;
	s10 =	sadd.s32 $0x20, s10  }
.LBB2_2:
0x23: {  	p0 =	sgt.u32 s10, $0x4E1  }
.Ltmp4:
0x24: {  	_ = 	snop;
	(pc) =	sbr.rel @p0 .LBB2_4-.Ltmp4, $1  }
0x25: {  	_ =	sdelay $0x3  }
0x26: {  	s13 =	sadd.s32 s2, s6  }
0x27: {  	[tilespmem:s11], [sflag:$0x3] =	stream.linear.gather [hbm4b:s13+s3], $0x80, $0x38;
	[tilespmem:$0xC100] =	vst v63  }
0x28: {  	_ =	swait.ge [sflag:s12], $0x80  }
0x29: {  	[sflag:s12] =	ssyncset.done $0x0  }
0x2a: {  	[sflag:s12] =	ssyncadd.s32 $0xFFFFFF80  }
0x2b: {  	s15 =	simm.s32 $0x80;
	s13 =	rddreg [dreg:$0x0]  }
0x2c: {  	[tilespmem:s3], [sflag:$0x1] =	stream.indirect.gather [hbm4b:s13+s15], $0x80, s11, s15, $0xb8;
	[tilespmem:$0xC100] =	vst v63  }
0x2d: {  	_ =	swait.ge [sflag:s14], $0x4000  }
0x2e: {  	[sflag:s14] =	ssyncset.done $0x0  }
0x2f: {  	[sflag:s14] =	ssyncadd.s32 $0xFFFFC000  }
0x30: {  	[hbm4b:s8+s3] =	stream.linear.scatter [tilespmem:s3], [sflag:$0x3], $0x4000, $0x38;
	[tilespmem:$0xC100] =	vst v63  }
0x31: {  	_ =	swait.ge [sflag:s12], $0x4000  }
0x32: {  	[sflag:s12] =	ssyncset.done $0x0  }
0x33: {  	s13 =	sadd.s32 s2, s7;
	s15 =	simm.s32 $0xC080;
	[sflag:s12] =	ssyncadd.s32 $0xFFFFC000  }
0x34: {  	[tilespmem:s15], [sflag:$0x3] =	stream.linear.gather [hbm4b:s13+s3], $0x80, $0x38;
	[tilespmem:$0xC100] =	vst v63  }
0x35: {  	_ =	swait.ge [sflag:s12], $0x80  }
0x36: {  	[sflag:s12] =	ssyncset.done $0x0  }
0x37: {  	[sflag:s12] =	ssyncadd.s32 $0xFFFFFF80  }
0x38: {  	v3 =	vld [tilespmem:$0xC080];
	_ =	sdelay $0x4  }
0x39: {  	v4 =	vshll.u32 v3, $0x1  }
0x3a: {  	v3 =	vand.u32 $0x7, v3;
	v4 =	vand.u32 $0xFFFFFFF0, v4  }
0x3b: {  	v3 =	vor.u32 v3, v4  }
0x3c: {  	v4 =	vperm.xlane v3, v0;
	_ =	sdelay $0x1  }
0x3d: {  	v3 =	vperm.xlane v3, v2;
	v4 =	vadd.s32 v1, v4;
	_ =	sdelay $0x1  }
0x3e: {  	v3 =	vadd.s32 v1, v3;
	_ =	sdelay $0x2  }
0x3f: {  	[tilespmem:s16], [sflag:$0x1] =	stream.indirect_vreg.gather [hbm4b:s4+s3], $0x80, v4, vm0, $0xb8;
	[tilespmem:$0xC100] =	vst v63  }
0x40: {  	_ = 	snop  }
0x41: {  	[tilespmem:s17], [sflag:$0x1] =	stream.indirect_vreg.gather [hbm4b:s4+s3], $0x80, v3, vm0, $0xb8;
	[tilespmem:$0xC100] =	vst v63  }
0x42: {  	v3 =	vld [tilespmem:$0xC090];
	_ =	sdelay $0x4  }
0x43: {  	v57 =	vshll.u32 v3, $0x1  }
0x44: {  	v3 =	vand.u32 $0x7, v3;
	v4 =	vand.u32 $0xFFFFFFF0, v57  }
0x45: {  	v3 =	vor.u32 v3, v4  }
0x46: {  	v4 =	vperm.xlane v3, v0;
	_ =	sdelay $0x1  }
0x47: {  	v3 =	vperm.xlane v3, v2;
	v4 =	vadd.s32 v1, v4;
	_ =	sdelay $0x1  }
0x48: {  	v3 =	vadd.s32 v1, v3;
	_ =	sdelay $0x2  }
0x49: {  	[tilespmem:s18], [sflag:$0x1] =	stream.indirect_vreg.gather [hbm4b:s4+s3], $0x80, v4, vm0, $0xb8;
	[tilespmem:$0xC100] =	vst v63  }
0x4a: {  	_ = 	snop  }
0x4b: {  	[tilespmem:s19], [sflag:$0x1] =	stream.indirect_vreg.gather [hbm4b:s4+s3], $0x80, v3, vm0, $0xb8;
	[tilespmem:$0xC100] =	vst v63  }
0x4c: {  	v3 =	vld [tilespmem:$0xC0A0];
	_ =	sdelay $0x4  }
0x4d: {  	v58 =	vshll.u32 v3, $0x1  }
0x4e: {  	v3 =	vand.u32 $0x7, v3;
	v4 =	vand.u32 $0xFFFFFFF0, v58  }
0x4f: {  	v3 =	vor.u32 v3, v4  }
0x50: {  	v4 =	vperm.xlane v3, v0;
	_ =	sdelay $0x1  }
0x51: {  	v3 =	vperm.xlane v3, v2;
	v4 =	vadd.s32 v1, v4;
	_ =	sdelay $0x1  }
0x52: {  	v3 =	vadd.s32 v1, v3;
	_ =	sdelay $0x2  }
0x53: {  	[tilespmem:s20], [sflag:$0x1] =	stream.indirect_vreg.gather [hbm4b:s4+s3], $0x80, v4, vm0, $0xb8;
	[tilespmem:$0xC100] =	vst v63  }
0x54: {  	_ = 	snop  }
0x55: {  	[tilespmem:s21], [sflag:$0x1] =	stream.indirect_vreg.gather [hbm4b:s4+s3], $0x80, v3, vm0, $0xb8;
	[tilespmem:$0xC100] =	vst v63  }
0x56: {  	v3 =	vld [tilespmem:$0xC0B0];
	_ =	sdelay $0x4  }
0x57: {  	v59 =	vshll.u32 v3, $0x1  }
0x58: {  	v3 =	vand.u32 $0x7, v3;
	v4 =	vand.u32 $0xFFFFFFF0, v59  }
0x59: {  	v3 =	vor.u32 v3, v4  }
0x5a: {  	v4 =	vperm.xlane v3, v0;
	_ =	sdelay $0x1  }
0x5b: {  	v3 =	vperm.xlane v3, v2;
	v4 =	vadd.s32 v1, v4;
	_ =	sdelay $0x1  }
0x5c: {  	v3 =	vadd.s32 v1, v3;
	_ =	sdelay $0x2  }
0x5d: {  	[tilespmem:s22], [sflag:$0x1] =	stream.indirect_vreg.gather [hbm4b:s4+s3], $0x80, v4, vm0, $0xb8;
	[tilespmem:$0xC100] =	vst v63  }
0x5e: {  	_ = 	snop  }
0x5f: {  	[tilespmem:s23], [sflag:$0x1] =	stream.indirect_vreg.gather [hbm4b:s4+s3], $0x80, v3, vm0, $0xb8;
	[tilespmem:$0xC100] =	vst v63  }
0x60: {  	v3 =	vld [tilespmem:$0xC0C0];
	_ =	sdelay $0x4  }
0x61: {  	v60 =	vshll.u32 v3, $0x1  }
0x62: {  	v3 =	vand.u32 $0x7, v3;
	v4 =	vand.u32 $0xFFFFFFF0, v60  }
0x63: {  	v3 =	vor.u32 v3, v4  }
0x64: {  	v4 =	vperm.xlane v3, v0;
	_ =	sdelay $0x1  }
0x65: {  	v3 =	vperm.xlane v3, v2;
	v4 =	vadd.s32 v1, v4;
	_ =	sdelay $0x1  }
0x66: {  	v3 =	vadd.s32 v1, v3;
	_ =	sdelay $0x2  }
0x67: {  	[tilespmem:s24], [sflag:$0x1] =	stream.indirect_vreg.gather [hbm4b:s4+s3], $0x80, v4, vm0, $0xb8;
	[tilespmem:$0xC100] =	vst v63  }
0x68: {  	_ = 	snop  }
0x69: {  	[tilespmem:s25], [sflag:$0x1] =	stream.indirect_vreg.gather [hbm4b:s4+s3], $0x80, v3, vm0, $0xb8;
	[tilespmem:$0xC100] =	vst v63  }
0x6a: {  	v3 =	vld [tilespmem:$0xC0D0];
	_ =	sdelay $0x4  }
0x6b: {  	v61 =	vshll.u32 v3, $0x1  }
0x6c: {  	v3 =	vand.u32 $0x7, v3;
	v4 =	vand.u32 $0xFFFFFFF0, v61  }
0x6d: {  	v3 =	vor.u32 v3, v4  }
0x6e: {  	v4 =	vperm.xlane v3, v0;
	_ =	sdelay $0x1  }
0x6f: {  	v3 =	vperm.xlane v3, v2;
	v4 =	vadd.s32 v1, v4;
	_ =	sdelay $0x1  }
0x70: {  	v3 =	vadd.s32 v1, v3;
	_ =	sdelay $0x2  }
0x71: {  	[tilespmem:s26], [sflag:$0x1] =	stream.indirect_vreg.gather [hbm4b:s4+s3], $0x80, v4, vm0, $0xb8;
	[tilespmem:$0xC100] =	vst v63  }
0x72: {  	_ = 	snop  }
0x73: {  	[tilespmem:s28], [sflag:$0x1] =	stream.indirect_vreg.gather [hbm4b:s4+s3], $0x80, v3, vm0, $0xb8;
	[tilespmem:$0xC100] =	vst v63  }
0x74: {  	v3 =	vld [tilespmem:$0xC0E0];
	_ =	sdelay $0x4  }
0x75: {  	v62 =	vshll.u32 v3, $0x1  }
0x76: {  	v3 =	vand.u32 $0x7, v3;
	v4 =	vand.u32 $0xFFFFFFF0, v62  }
0x77: {  	v3 =	vor.u32 v3, v4  }
0x78: {  	v4 =	vperm.xlane v3, v0;
	_ =	sdelay $0x1  }
0x79: {  	v3 =	vperm.xlane v3, v2;
	v4 =	vadd.s32 v1, v4;
	_ =	sdelay $0x1  }
0x7a: {  	v3 =	vadd.s32 v1, v3;
	_ =	sdelay $0x2  }
0x7b: {  	[tilespmem:s29], [sflag:$0x1] =	stream.indirect_vreg.gather [hbm4b:s4+s3], $0x80, v4, vm0, $0xb8;
	[tilespmem:$0xC100] =	vst v63  }
0x7c: {  	_ = 	snop  }
0x7d: {  	[tilespmem:s30], [sflag:$0x1] =	stream.indirect_vreg.gather [hbm4b:s4+s3], $0x80, v3, vm0, $0xb8;
	[tilespmem:$0xC100] =	vst v63  }
0x7e: {  	v3 =	vld [tilespmem:$0xC0F0];
	_ =	sdelay $0x4  }
0x7f: {  	v63 =	vshll.u32 v3, $0x1  }
0x80: {  	v3 =	vand.u32 $0x7, v3;
	v4 =	vand.u32 $0xFFFFFFF0, v63  }
0x81: {  	v3 =	vor.u32 v3, v4  }
0x82: {  	v4 =	vperm.xlane v3, v0;
	_ =	sdelay $0x1  }
0x83: {  	v3 =	vperm.xlane v3, v2;
	v4 =	vadd.s32 v1, v4;
	_ =	sdelay $0x1  }
0x84: {  	v3 =	vadd.s32 v1, v3;
	_ =	sdelay $0x2  }
0x85: {  	[tilespmem:s31], [sflag:$0x1] =	stream.indirect_vreg.gather [hbm4b:s4+s3], $0x80, v4, vm0, $0xb8;
	[tilespmem:$0xC100] =	vst v63  }
0x86: {  	_ = 	snop  }
0x87: {  	[tilespmem:s0], [sflag:$0x1] =	stream.indirect_vreg.gather [hbm4b:s4+s3], $0x80, v3, vm0, $0xb8;
	[tilespmem:$0xC100] =	vst v63  }
0x88: {  	_ =	swait.ge [sflag:s14], $0x8000  }
0x89: {  	[sflag:s14] =	ssyncset.done $0x0  }
.Ltmp5:
0x8a: {  	[sflag:s14] =	ssyncadd.s32 $0xFFFF8000;
	(pc) =	sbr.rel .LBB2_4-.Ltmp5, $4  }
0x8b: {  	[hbm4b:s9+s3] =	stream.linear.scatter [tilespmem:s16], [sflag:$0x2], $0x8000, $0x38;
	[tilespmem:$0xC100] =	vst v63  }
0x8c: {  	_ =	swait.ge [sflag:s1], $0x8000  }
0x8d: {  	[sflag:s1] =	ssyncset.done $0x0  }
0x8e: {  	[sflag:s1] =	ssyncadd.s32 $0xFFFF8000  }
.LBB2_6:
0x8f: {  	_ =	sfence.sel $0x180000  }
0x90: {  	[bflag:$0x0] =	sbarrier.arrive $0xFFFF  }
0x91: {  	_ =	strace $0x90000050  }
0x92: {  	s0 =	stileid.u32;
	[bflag:$0x2] =	sbarrier.arrive $0xFFFF  }
0x93: {  	p0 =	sne.s32 s0, $0x0;
	s0 =	rddreg [dreg:$0x2]  }
0x94: {  	s0 =	sadd.s32 @!p0 $0x100000, s0  }
0x95: {  	[sflag:s0] =	ssyncadd.tile.s32 @!p0 $0x1;
	_ =	shalt  }
.Lfunc_end2:
_tile_overlayer_lowered:
.L_overlay_start_2:
0x96: {  	(tag) =	ssettag $0x2  }
0x97: {  	s0 =	rddreg [dreg:$0x0];
	s2 =	stileid.u32  }
0x98: {  	s1 =	rddreg [dreg:$0x1];
	p0 =	sne.s32 s2, $0x0  }
0x99: {  	s3 =	rddreg [dreg:$0x2];
	[bflag:$0x3] =	sbarrier.arrive $0xFFFF;
	s2 =	simm.s32 @!p0 $0x1C02  }
0x9a: {  	[timem:s3], [sflag:s2] =	dma.local @!p0 [hbm:s0], s1  }
0x9b: {  	s0 =	simm.s32 @!p0 $0x2  }
0x9c: {  	_ =	swait.ge @!p0 [sflag:s0], s1  }
0x9d: {  	s1 =	ssub.s32 @!p0 $0x0, s1;
	[sflag:s0] =	ssyncset.done @!p0 $0x0  }
0x9e: {  	[sflag:s0] =	ssyncadd.s32 @!p0 s1  }
0x9f: {  	[bflag:$0x3] =	sbarrier.arrive $0xFFFF  }
0xa0: {  	_ =	shalt  }

// kernel: kernel.27.cloned.1.call-start
scs
__scs_entry_jumppad:
0x0: {  	(pc) =	sbr.rel $0x88, $3  }
0x1: {  	(tag) =	ssettag $0x0;
	lr =	simm.s32 $0x1  }
0x2: {  	[smem:$0x3F7E] =	sst lr;
	_ =	strace $0xD0000000  }
0x3: {  	_ = 	snop  }
0x4: {  	_ = 	snop  }
0x5: {  	_ = 	snop  }
0x6: {  	_ = 	snop  }
0x7: {  	_ = 	snop  }
__scs_overlays_trampoline_lowered:
0x8: {  	[smem:$0x3F8D] =	sst s0  }
0x9: {  	[smem:$0x3F8E] =	sst s1  }
0xa: {  	[smem:$0x3F8F] =	sst s2  }
0xb: {  	[smem:$0x3F90] =	sst s3  }
0xc: {  	[smem:$0x3F91] =	sst s4  }
0xd: {  	[smem:$0x3F92] =	sst s5  }
0xe: {  	[smem:$0x3F93] =	sst s6  }
0xf: {  	[smem:$0x3F94] =	sst s7  }
0x10: {  	[smem:$0x3F95] =	sst s8  }
0x11: {  	[smem:$0x3F96] =	sst s9;
	s0 =	simm.s32 @!p0 $0x0  }
0x12: {  	s1 =	sld [smem:$0x3F7C];
	s0 =	simm.s32 @p0 $0x1  }
0x13: {  	[smem:$0x3F97] =	sst s0;
	s0 =	simm.s32 @!p1 $0x0  }
0x14: {  	s2 =	sld [smem:$0x3F7B];
	s0 =	simm.s32 @p1 $0x1  }
0x15: {  	[smem:$0x3F98] =	sst s0;
	s0 =	simm.s32 @!p2 $0x0  }
0x16: {  	s3 =	sld [smem:$0x3FDB];
	s0 =	simm.s32 @p2 $0x1  }
0x17: {  	s4 =	simm.s32 $0x1BF5;
	[smem:$0x3F9A] =	sst s0  }
0x18: {  	s0 =	sld [smem:$0x3F7D];
	_ =	swait.ge [sflag:s4], $0x0  }
0x19: {  	s7 =	sld [smem:$0x3F7E]  }
0x1a: {  	s8 =	sadd.s32 $0xFFFFE003, lr  }
0x1b: {  	s9 =	sadd.s32 $0xFFFFFEF7, lr;
	s5 =	simm.s32 $0xFFFFFFFF;
	p2 =	slt.u32 s8, $0xFFFFF086  }
0x1c: {  	p1 =	slt.u32 s9, $0xF7A;
	s5 =	simm.s32 @!p2 $0x0  }
0x1d: {  	s5 =	simm.s32 @p1 $0x1;
	p0 =	seq.s32 s7, s2  }
0x1e: {  	s7 =	smul.u32 @!p0 $0xF7A, s2;
	p2 =	seq.s32 @!p0 s5, $0x0  }
0x1f: {  	s9 =	smul.u32 $0xF7A, s1;
	s8 =	simm.s32 @!p0 $0x1BF5;
	p2 =	por !p2, p0  }
0x20: {  	[sflag:s8] =	ssyncset.s32 @!p0 $0xFFFFF086;
	s6 =	sadd.s32 @!p0 s3, s7;
	s7 =	simm.s32 @!p0 $0x108  }
0x21: {  	s3 =	sadd.s32 s3, s9;
	s6 =	sadd.s32 @!p0 $0x88, s6;
	s7 =	simm.s32 @p2 $0x1082  }
0x22: {  	[simem:s7], [sflag:s8] =	dma.local @!p0 [hbm:s6], $0xF7A  }
0x23: {  	s9 =	sor.u32 $0xD0000000, s2;
	s6 =	simm.s32 $0x108;
	_ =	swait.ge @!p0 [sflag:s8], $0x0  }
0x24: {  	s3 =	sadd.s32 $0x88, s3;
	s6 =	simm.s32 @!p1 $0x1082;
	[sflag:s4] =	ssyncset.s32 $0xFFFFF086  }
0x25: {  	[simem:s6], [sflag:s4] =	dma.local [hbm:s3], $0xF7A  }
0x26: {  	[smem:$0x3F7E] =	sst s1;
	(tag) =	ssettag s2;
	_ =	strace s9  }
0x27: {  	s1 =	sld [smem:$0x3F8E]  }
0x28: {  	s2 =	sld [smem:$0x3F8F]  }
0x29: {  	s4 =	sld [smem:$0x3F91]  }
0x2a: {  	p0 =	seq.s32 s5, $0x0;
	s5 =	sld [smem:$0x3F92]  }
0x2b: {  	s6 =	sld [smem:$0x3F93]  }
0x2c: {  	s7 =	sld [smem:$0x3F94]  }
0x2d: {  	s3 =	simm.s32 $0x108;
	s8 =	sld [smem:$0x3F95]  }
0x2e: {  	s3 =	simm.s32 @!p0 $0x1082;
	s9 =	sld [smem:$0x3F96]  }
0x2f: {  	lr =	sadd.s32 s0, s3;
	s0 =	sld [smem:$0x3F8D]  }
0x30: {  	s3 =	sld [smem:$0x3F90]  }
0x31: {  	[smem:$0x3F99] =	sst s10  }
0x32: {  	s10 =	sld [smem:$0x3F97];
	_ =	sdelay $0x3  }
0x33: {  	p0 =	seq.s32 s10, $0x1;
	s10 =	sld [smem:$0x3F99];
	_ =	sdelay $0x3  }
0x34: {  	[smem:$0x3F99] =	sst s10  }
0x35: {  	s10 =	sld [smem:$0x3F98];
	_ =	sdelay $0x3  }
0x36: {  	p1 =	seq.s32 s10, $0x1;
	s10 =	sld [smem:$0x3F99];
	_ =	sdelay $0x3  }
0x37: {  	[smem:$0x3F99] =	sst s10  }
0x38: {  	s10 =	sld [smem:$0x3F9A]  }
0x39: {  	_ = 	snop;
	(pc) =	sbr.ind lr, $3  }
0x3a: {  	_ = 	snop  }
0x3b: {  	_ = 	snop  }
0x3c: {  	p2 =	seq.s32 s10, $0x1;
	s10 =	sld [smem:$0x3F99]  }
0x3d: {  	_ =	shalt  }
0x3e: {  	_ =	shalt  }
0x3f: {  	_ =	shalt  }
0x40: {  	_ =	shalt  }
0x41: {  	_ =	shalt  }
0x42: {  	_ =	shalt  }
0x43: {  	_ =	shalt  }
0x44: {  	_ =	shalt  }
0x45: {  	_ =	shalt  }
0x46: {  	_ =	shalt  }
0x47: {  	_ =	shalt  }
0x48: {  	_ =	shalt  }
0x49: {  	_ =	shalt  }
0x4a: {  	_ =	shalt  }
0x4b: {  	_ =	shalt  }
0x4c: {  	_ =	shalt  }
0x4d: {  	_ =	shalt  }
0x4e: {  	_ =	shalt  }
0x4f: {  	_ =	shalt  }
0x50: {  	_ =	shalt  }
0x51: {  	_ =	shalt  }
0x52: {  	_ =	shalt  }
0x53: {  	_ =	shalt  }
0x54: {  	_ =	shalt  }
0x55: {  	_ =	shalt  }
0x56: {  	_ =	shalt  }
0x57: {  	_ =	shalt  }
0x58: {  	_ =	shalt  }
0x59: {  	_ =	shalt  }
0x5a: {  	_ =	shalt  }
0x5b: {  	_ =	shalt  }
0x5c: {  	_ =	shalt  }
0x5d: {  	_ =	shalt  }
0x5e: {  	_ =	shalt  }
0x5f: {  	_ =	shalt  }
0x60: {  	_ =	shalt  }
0x61: {  	_ =	shalt  }
0x62: {  	_ =	shalt  }
0x63: {  	_ =	shalt  }
0x64: {  	_ =	shalt  }
0x65: {  	_ =	shalt  }
0x66: {  	_ =	shalt  }
0x67: {  	_ =	shalt  }
0x68: {  	_ =	shalt  }
0x69: {  	_ =	shalt  }
0x6a: {  	_ =	shalt  }
0x6b: {  	_ =	shalt  }
0x6c: {  	_ =	shalt  }
0x6d: {  	_ =	shalt  }
0x6e: {  	_ =	shalt  }
0x6f: {  	_ =	shalt  }
0x70: {  	_ =	shalt  }
0x71: {  	_ =	shalt  }
0x72: {  	_ =	shalt  }
0x73: {  	_ =	shalt  }
0x74: {  	_ =	shalt  }
0x75: {  	_ =	shalt  }
0x76: {  	_ =	shalt  }
0x77: {  	_ =	shalt  }
0x78: {  	_ =	shalt  }
0x79: {  	_ =	shalt  }
0x7a: {  	_ =	shalt  }
0x7b: {  	_ =	shalt  }
0x7c: {  	_ =	shalt  }
0x7d: {  	_ =	shalt  }
0x7e: {  	_ =	shalt  }
0x7f: {  	_ =	shalt  }
0x80: {  	_ =	shalt  }
0x81: {  	_ =	shalt  }
0x82: {  	_ =	shalt  }
0x83: {  	_ =	shalt  }
0x84: {  	_ =	shalt  }
0x85: {  	_ =	shalt  }
0x86: {  	_ =	shalt  }
0x87: {  	_ =	shalt  }
.Lfunc_end0:
.L_simem_size_0:
called_computation.4_lowered:
.L_overlay_start_0:
0x88: {  	s2 =	sld [smem:$0x3FD9]  }
0x89: {  	s3 =	sld [smem:$0x3FFE];
	_ =	sdelay $0x1  }
0x8a: {  	s1 =	srdreg.scid  }
0x8b: {  	s0 =	sand.u32 $0x1, s1  }
0x8c: {  	s17 =	sshll.u32 s0, $0xA;
	s2 =	sadd.s32 s3, s2  }
0x8d: {  	s2 =	sadd.s32 s2, s17  }
0x8e: {  	[smem:$0x3FA5] =	sst s2  }
0x8f: {  	_ = 	snop  }
0x90: {  	(tm) =	ssettm $0x1  }
0x91: {  	s18 =	sld [smem:$0x3FFB];
	_ =	sdelay $0x3  }
0x92: {  	_ =	strace s18  }
0x93: {  	s2 =	sld [smem:$0x3FFC];
	_ =	sdelay $0x3  }
0x94: {  	_ =	strace s2  }
0x95: {  	s2 =	sld [smem:$0x3FFD];
	_ =	sdelay $0x3  }
0x96: {  	_ =	strace s2  }
0x97: {  	_ =	strace $0x8FFFFFFF  }
0x98: {  	s19 =	sld [smem:$0x3FDB];
	_ =	sdelay $0x1  }
0x99: {  	s20 =	simm.s32 $_scs_section_size  }
0x9a: {  	s4 =	simm.s32 $_size__tile_overlayer_lowered;
	s5 =	simm.s32 $_tile_overlayer_lowered  }
0x9b: {  	s6 =	simm.s32 $0x1BFF;
	s21 =	sshll.u32 s5, $0x1;
	s3 =	sadd.s32 s20, s19  }
0x9c: {  	s22 =	simm.s32 $0x0;
	s4 =	sshll.u32 s4, $0x1;
	s5 =	sadd.s32 s21, s3  }
0x9d: {  	[timem:s22], [sflag:s6] =	dma.local [hbm:s5], s4  }
0x9e: {  	_ =	swait.ge [sflag:s6], s4  }
0x9f: {  	s4 =	ssub.s32 $0x0, s4;
	[sflag:s6] =	ssyncset.done $0x0  }
0xa0: {  	[sflag:s6] =	ssyncadd.s32 s4;
	_ =	sdelay $0x1  }
0xa1: {  	s23 =	simm.s32 $0x1B8B  }
0xa2: {  	_ =	swait.ge [sflag:s23], $0x1  }
0xa3: {  	[sflag:s23] =	ssyncset.done $0x0  }
0xa4: {  	[sflag:s23] =	ssyncadd.s32 $0xFFFFFFFF  }
0xa5: {  	s4 =	sld [smem:$0x0]  }
0xa6: {  	s5 =	sand.u32 $0xFFFFFFFE, s1  }
0xa7: {  	p0 =	sne.s32 s1, s5  }
0xa8: {  	s5 =	sshll.u32 @p0 s5, $0xE  }
0xa9: {  	s5 =	sadd.s32 @p0 $0x11B8D, s5;
	s6 =	sshll.u32 @p0 s4, $0x11  }
0xaa: {  	s5 =	sor.u32 @p0 s6, s5  }
0xab: {  	[sflag:s5] =	ssyncadd.remote.s32 @p0 $0x1;
	_ =	sdelay $0x1  }
0xac: {  	s5 =	simm.s32 @p0 $0x1B8D  }
0xad: {  	_ =	swait.eq @p0 [sflag:s5], $0x1  }
0xae: {  	[sflag:s5] =	ssyncadd.s32 @p0 $0xFFFFFFFF  }
0xaf: {  	s6 =	sshll.u32 @!p0 s1, $0xE  }
0xb0: {  	s6 =	sor.u32 @!p0 $0x4000, s6;
	s5 =	simm.s32 @!p0 $0x1B8D  }
0xb1: {  	s4 =	sshll.u32 @!p0 s4, $0x11;
	s6 =	sadd.s32 @!p0 $0x11B8D, s6;
	_ =	swait.eq @!p0 [sflag:s5], $0x1  }
0xb2: {  	s4 =	sor.u32 @!p0 s4, s6;
	[sflag:s5] =	ssyncadd.s32 @!p0 $0xFFFFFFFF  }
0xb3: {  	s25 =	simm.s32 $0x1B8E;
	s24 =	sld [smem:$0x3FFE];
	[sflag:s4] =	ssyncadd.remote.s32 @!p0 $0x1  }
0xb4: {  	s26 =	simm.s32 $execute0_lowered;
	[smem:$0x3FD2] =	sst s25  }
0xb5: {  	s5 =	sshll.u32 s26, $0x1;
	_ =	strace $0x80000055;
	[dreg:$0x1] =	wrdreg $0xFFFFFFFF  }
0xb6: {  	s28 =	simm.s32 $_size_execute0_lowered;
	s3 =	sadd.s32 s3, s5;
	[dreg:$0x0] =	wrdreg $0x0  }
0xb7: {  	s5 =	sshll.u32 s28, $0x1;
	[dreg:$0x2] =	wrdreg s3  }
0xb8: {  	[dreg:$0x3] =	wrdreg s5  }
0xb9: {  	[dreg:$0x4] =	wrdreg $0xC0  }
0xba: {  	_ =	task [dreg:s22], $0x5FFFF  }
0xbb: {  	[dreg:$0x1] =	wrdreg $0xFFFFFFFF  }
0xbc: {  	[dreg:$0x0] =	wrdreg $0x60  }
0xbd: {  	[dreg:$0x2] =	wrdreg s24  }
0xbe: {  	[dreg:$0x3] =	wrdreg $0x40800  }
0xbf: {  	[dreg:$0x4] =	wrdreg $0x9  }
0xc0: {  	_ =	task.clear_ibuf [dreg:s22], $0x5FFFF;
	_ =	strace $0x90000055  }
0xc1: {  	s29 =	simm.s32 $0x9;
	_ =	strace $0x80000057  }
0xc2: {  	_ =	swait.ge [sflag:s29], $0x1  }
0xc3: {  	[sflag:s29] =	ssyncadd.s32 $0xFFFFFFFF  }
0xc4: {  	_ =	strace $0x90000057  }
0xc5: {  	_ =	sfence  }
0xc6: {  	s30 =	sld [smem:$0x0];
	_ =	sdelay $0x2  }
0xc7: {  	s31 =	sshll.u32 s1, $0xD;
	s1 =	sshrl.u32 s1, $0x2  }
0xc8: {  	s4 =	sand.u32 $0x4000, s31;
	s1 =	sadd.s32 s1, s30  }
0xc9: {  	s0 =	sor.u32 s4, s0;
	s1 =	sshll.u32 s1, $0x11  }
0xca: {  	s0 =	sor.u32 s1, s0  }
0xcb: {  	s0 =	sadd.s32 $0x8F2B, s0  }
0xcc: {  	[sflag:s0] =	ssyncadd.remote.s32 $0x1  }
0xcd: {  	_ =	sfence.sel $0xFFFF  }
0xce: {  	[dreg:$0x0] =	wrdreg $0xFFFFFFFF;
	(pc) =	sbr.abs _section_cstart, $3  }
0xcf: {  	[dreg:$0x1] =	wrdreg $0xFFFFFFFF  }
0xd0: {  	_ =	task.clear_ibuf [dreg:s22], $0x2FFFF;
	_ =	strace $0x9FFFFFFF  }
0xd1: {  	(tm) =	ssettm $0x7FFFFFFF  }
tec
execute0_lowered:
.L_overlay_start_1:
0x0: {  	(tag) =	ssettag $0x1  }
0x1: {  	s5 =	rddreg [dreg:$0x0]  }
0x2: {  	s2 =	rddreg [dreg:$0x1];
	s3 =	srdreg.scid  }
0x3: {  	s0 =	rddreg [dreg:$0x2];
	s1 =	stileid.u32;
	s10 =	sand.u32 $0x1, s3  }
0x4: {  	s3 =	simm.s32 $0x0;
	s4 =	sshll.u32 s1, $0x5;
	s9 =	smul.u32 $0x14000, s1  }
0x5: {  	s7 =	sshll.u32 s1, $0xC;
	s12 =	smul.u32 $0x50000, s1;
	s26 =	sshll.u32 s1, $0x1  }
0x6: {  	s30 =	sshll.u32 s1, $0x6;
	s6 =	sshll.u32 s10, $0x4;
	[smem:$0x7FF] =	sst s3  }
0x7: {  	s24 =	smul.u32 $0x140000, s10;
	s7 =	sadd.s32 s7, s5;
	s11 =	ssub.s32 $0x2, s10  }
0x8: {  	s14 =	sshll.u32 s10, $0xB;
	s10 =	sor.u32 s10, s26;
	s6 =	sor.u32 s6, s4  }
0x9: {  	_ =	strace $0x80000056;
	s4 =	sadd.s32 $0x51BC00, s5;
	s13 =	sshrl.u32 s11, $0x1  }
0xa: {  	s25 =	sshrl.u32 s12, $0x2;
	s31 =	sadd.s32 s14, s7;
	s12 =	simm.s32 $0x1  }
0xb: {  	s8 =	sand.u32 $0x180, s6;
	s9 =	sadd.s32 s9, s24;
	s11 =	ssub.s32 s11, s13  }
0xc: {  	s28 =	sadd.s32 s25, s2;
	s29 =	sand.u32 $0x70, s6;
	s9 =	sshrl.u32 s9, $0x3  }
0xd: {  	s8 =	sadd.s32 s8, s5;
	s7 =	smax.u32 s11, $0x1;
	s9 =	sadd.s32 s9, s5  }
0xe: {  	s11 =	sshrl.u32 s28, $0x3;
	s8 =	sadd.s32 s29, s8;
	s6 =	sadd.s32 $0x56E400, s9  }
0xf: {  	s5 =	sor.u32 $0x1C01, s30;
	s8 =	sadd.s32 $0xDA00, s8;
	s9 =	sadd.s32 $0x2AAC00, s31  }
.LBB2_1:
0x10: {  	[spmem:s11], [sflag:s5] =	dma.local [hbm:s4], $0x2800  }
0x11: {  	s13 =	sadd.s32 $0x0, s10;
	_ =	swait.ge [sflag:s12], $0x2800  }
0x12: {  	p0 =	sgt.u32 s13, $0x4E1;
	[sflag:s12] =	ssyncset.done $0x0  }
0x13: {  	s13 =	simm.s32 @!p0 $0x0;
	[sflag:s12] =	ssyncadd.s32 $0xFFFFD800  }
0x14: {  	s15 =	simm.s32 @!p0 $0x4000;
	s16 =	simm.s32 @!p0 $0x2;
	[bflag:$0x0] =	sbarrier.arrive $0xFFFF  }
0x15: {  	[tilespmem:s15], [sflag:$0x2] =	stream.linear.gather @!p0 [hbm4b:s8+s13], $0x80, $0x38;
	[tilespmem:$0x18080] =	vst v63  }
0x16: {  	_ =	swait.ge @!p0 [sflag:s16], $0x80;
	p0 =	por p0, p0  }
0x17: {  	[sflag:s16] =	ssyncset.done @!p0 $0x0  }
0x18: {  	[sflag:s16] =	ssyncadd.s32 @!p0 $0xFFFFFF80  }
0x19: {  	[tilespmem:s13], [sflag:$0x2] =	stream.linear.gather @!p0 [hbm4b:s9+s13], $0x4000, $0x38;
	[tilespmem:$0x18080] =	vst v63  }
0x1a: {  	_ =	swait.ge @!p0 [sflag:s16], $0x4000  }
0x1b: {  	[sflag:s16] =	ssyncset.done @!p0 $0x0  }
0x1c: {  	s31 =	sadd.s32 $0x20, s10;
	[sflag:s16] =	ssyncadd.s32 @!p0 $0xFFFFC000;
	s16 =	simm.s32 @!p0 $0x80  }
0x1d: {  	[spmem:s2] =	stream.indirect.scatter.add.f32 @!p0 [tilespmem:s13], [sflag:$0x1], $0x80, s15, s16, $0xb8;
	[tilespmem:$0x18080] =	vst v63  }
0x1e: {  	s14 =	simm.s32 $0x40;
	p1 =	sgt.u32 s31, $0x4E1;
	s16 =	simm.s32 @!p0 $0x1  }
0x1f: {  	s13 =	sadd.s32 $0x10000, s9;
	s15 =	sadd.s32 $0x200, s8;
	_ =	swait.ge @!p0 [sflag:s16], $0x4000  }
.LBB2_2:
0x20: {  	s17 =	simm.s32 @!p1 $0x0  }
0x21: {  	s18 =	simm.s32 @!p1 $0x4000;
	[sflag:s16] =	ssyncset.done @!p0 $0x0;
	s19 =	smov.u32 s14  }
0x22: {  	s14 =	sadd.s32 $0x20, s14;
	s20 =	simm.s32 @!p1 $0x2;
	[sflag:s16] =	ssyncadd.s32 @!p0 $0xFFFFC000  }
0x23: {  	[tilespmem:s18], [sflag:$0x2] =	stream.linear.gather @!p1 [hbm4b:s15+s17], $0x80, $0x38;
	[tilespmem:$0x18080] =	vst v63  }
0x24: {  	p2 =	sne.s32 s14, $0x500;
	p0 =	por p1, p1;
	_ =	swait.ge @!p1 [sflag:s20], $0x80  }
0x25: {  	[sflag:s20] =	ssyncset.done @!p0 $0x0  }
0x26: {  	[sflag:s20] =	ssyncadd.s32 @!p0 $0xFFFFFF80  }
0x27: {  	[tilespmem:s17], [sflag:$0x2] =	stream.linear.gather @!p0 [hbm4b:s13+s17], $0x4000, $0x38;
	[tilespmem:$0x18080] =	vst v63  }
.Ltmp0:
0x28: {  	_ =	swait.ge @!p0 [sflag:s20], $0x4000;
	(pc) =	sbr.rel @p2 .LBB2_2-.Ltmp0, $4  }
0x29: {  	s16 =	simm.s32 @!p0 $0x1;
	s13 =	sadd.s32 $0x10000, s13;
	[sflag:s20] =	ssyncset.done @!p0 $0x0  }
0x2a: {  	s19 =	sadd.s32 s19, s10;
	[sflag:s20] =	ssyncadd.s32 @!p0 $0xFFFFC000;
	s20 =	simm.s32 @!p0 $0x80  }
0x2b: {  	[spmem:s2] =	stream.indirect.scatter.add.f32 @!p0 [tilespmem:s17], [sflag:$0x1], $0x80, s18, s20, $0xb8;
	[tilespmem:$0x18080] =	vst v63  }
0x2c: {  	s15 =	sadd.s32 $0x200, s15;
	p1 =	sgt.u32 s19, $0x4E1;
	_ =	swait.ge @!p0 [sflag:s16], $0x4000  }
0x2d: {  	s14 =	simm.s32 @!p1 $0x0;
	[sflag:s16] =	ssyncset.done @!p0 $0x0  }
0x2e: {  	s17 =	simm.s32 @!p1 $0x4000;
	s18 =	simm.s32 @!p1 $0x2;
	[sflag:s16] =	ssyncadd.s32 @!p0 $0xFFFFC000  }
0x2f: {  	[tilespmem:s17], [sflag:$0x2] =	stream.linear.gather @!p1 [hbm4b:s15+s14], $0x80, $0x38;
	[tilespmem:$0x18080] =	vst v63  }
0x30: {  	p0 =	por p1, p1;
	_ =	swait.ge @!p1 [sflag:s18], $0x80  }
0x31: {  	[sflag:s18] =	ssyncset.done @!p0 $0x0  }
0x32: {  	[sflag:s18] =	ssyncadd.s32 @!p0 $0xFFFFFF80  }
0x33: {  	[tilespmem:s14], [sflag:$0x2] =	stream.linear.gather @!p0 [hbm4b:s13+s14], $0x4000, $0x38;
	[tilespmem:$0x18080] =	vst v63  }
0x34: {  	_ =	swait.ge @!p0 [sflag:s18], $0x4000  }
0x35: {  	[sflag:s18] =	ssyncset.done @!p0 $0x0  }
0x36: {  	s15 =	simm.s32 @!p0 $0x80;
	s13 =	simm.s32 @!p0 $0x1;
	[sflag:s18] =	ssyncadd.s32 @!p0 $0xFFFFC000  }
0x37: {  	[spmem:s2] =	stream.indirect.scatter.add.f32 @!p0 [tilespmem:s14], [sflag:$0x1], $0x80, s17, s15, $0xb8;
	[tilespmem:$0x18080] =	vst v63  }
0x38: {  	_ =	swait.ge @!p0 [sflag:s13], $0x4000  }
0x39: {  	s3 =	sadd.s32 $0x1, s3;
	[sflag:s13] =	ssyncset.done @!p0 $0x0  }
0x3a: {  	[sflag:s13] =	ssyncadd.s32 @!p0 $0xFFFFC000;
	p0 =	sne.s32 s3, s7  }
.Ltmp1:
0x3b: {  	[bflag:$0x0] =	sbarrier.arrive $0xFFFF;
	(pc) =	sbr.rel @p0 .LBB2_1-.Ltmp1, $4  }
0x3c: {  	[hbm:s6], [sflag:s5] =	dma.local [spmem:s11], $0x2800  }
0x3d: {  	_ =	swait.ge [sflag:s12], $0x2800  }
0x3e: {  	[sflag:s12] =	ssyncset.done $0x0  }
0x3f: {  	[sflag:s12] =	ssyncadd.s32 $0xFFFFD800  }
0x40: {  	_ =	sfence.sel $0x180000  }
0x41: {  	[bflag:$0x0] =	sbarrier.arrive $0xFFFF  }
0x42: {  	p0 =	sne.s32 s1, $0x0;
	_ =	strace $0x90000056  }
0x43: {  	s0 =	sadd.s32 @!p0 $0x100000, s0;
	[bflag:$0x2] =	sbarrier.arrive $0xFFFF  }
0x44: {  	[sflag:s0] =	ssyncadd.tile.s32 @!p0 $0x1;
	_ =	shalt  }
.Lfunc_end2:
_tile_overlayer_lowered:
.L_overlay_start_2:
0x45: {  	(tag) =	ssettag $0x2  }
0x46: {  	s0 =	rddreg [dreg:$0x0];
	s2 =	stileid.u32  }
0x47: {  	s1 =	rddreg [dreg:$0x1];
	p0 =	sne.s32 s2, $0x0  }
0x48: {  	s3 =	rddreg [dreg:$0x2];
	[bflag:$0x3] =	sbarrier.arrive $0xFFFF;
	s2 =	simm.s32 @!p0 $0x1C01  }
0x49: {  	[timem:s3], [sflag:s2] =	dma.local @!p0 [hbm:s0], s1  }
0x4a: {  	s0 =	simm.s32 @!p0 $0x1  }
0x4b: {  	_ =	swait.ge @!p0 [sflag:s0], s1  }
0x4c: {  	s1 =	ssub.s32 @!p0 $0x0, s1;
	[sflag:s0] =	ssyncset.done @!p0 $0x0  }
0x4d: {  	[sflag:s0] =	ssyncadd.s32 @!p0 s1  }
0x4e: {  	[bflag:$0x3] =	sbarrier.arrive $0xFFFF  }
0x4f: {  	_ =	shalt  }

// kernel: kernel.30.cloned.1.call-start
scs
__scs_entry_jumppad:
0x0: {  	(pc) =	sbr.rel $0x88, $3  }
0x1: {  	(tag) =	ssettag $0x0;
	lr =	simm.s32 $0x1  }
0x2: {  	[smem:$0x3F7E] =	sst lr;
	_ =	strace $0xD0000000  }
0x3: {  	_ = 	snop  }
0x4: {  	_ = 	snop  }
0x5: {  	_ = 	snop  }
0x6: {  	_ = 	snop  }
0x7: {  	_ = 	snop  }
__scs_overlays_trampoline_lowered:
0x8: {  	[smem:$0x3F8D] =	sst s0  }
0x9: {  	[smem:$0x3F8E] =	sst s1  }
0xa: {  	[smem:$0x3F8F] =	sst s2  }
0xb: {  	[smem:$0x3F90] =	sst s3  }
0xc: {  	[smem:$0x3F91] =	sst s4  }
0xd: {  	[smem:$0x3F92] =	sst s5  }
0xe: {  	[smem:$0x3F93] =	sst s6  }
0xf: {  	[smem:$0x3F94] =	sst s7  }
0x10: {  	[smem:$0x3F95] =	sst s8  }
0x11: {  	[smem:$0x3F96] =	sst s9;
	s0 =	simm.s32 @!p0 $0x0  }
0x12: {  	s1 =	sld [smem:$0x3F7C];
	s0 =	simm.s32 @p0 $0x1  }
0x13: {  	[smem:$0x3F97] =	sst s0;
	s0 =	simm.s32 @!p1 $0x0  }
0x14: {  	s2 =	sld [smem:$0x3F7B];
	s0 =	simm.s32 @p1 $0x1  }
0x15: {  	[smem:$0x3F98] =	sst s0;
	s0 =	simm.s32 @!p2 $0x0  }
0x16: {  	s3 =	sld [smem:$0x3FDB];
	s0 =	simm.s32 @p2 $0x1  }
0x17: {  	s4 =	simm.s32 $0x1BF5;
	[smem:$0x3F9A] =	sst s0  }
0x18: {  	s0 =	sld [smem:$0x3F7D];
	_ =	swait.ge [sflag:s4], $0x0  }
0x19: {  	s7 =	sld [smem:$0x3F7E]  }
0x1a: {  	s8 =	sadd.s32 $0xFFFFE003, lr  }
0x1b: {  	s9 =	sadd.s32 $0xFFFFFEF7, lr;
	s5 =	simm.s32 $0xFFFFFFFF;
	p2 =	slt.u32 s8, $0xFFFFF086  }
0x1c: {  	p1 =	slt.u32 s9, $0xF7A;
	s5 =	simm.s32 @!p2 $0x0  }
0x1d: {  	s5 =	simm.s32 @p1 $0x1;
	p0 =	seq.s32 s7, s2  }
0x1e: {  	s7 =	smul.u32 @!p0 $0xF7A, s2;
	p2 =	seq.s32 @!p0 s5, $0x0  }
0x1f: {  	s9 =	smul.u32 $0xF7A, s1;
	s8 =	simm.s32 @!p0 $0x1BF5;
	p2 =	por !p2, p0  }
0x20: {  	[sflag:s8] =	ssyncset.s32 @!p0 $0xFFFFF086;
	s6 =	sadd.s32 @!p0 s3, s7;
	s7 =	simm.s32 @!p0 $0x108  }
0x21: {  	s3 =	sadd.s32 s3, s9;
	s6 =	sadd.s32 @!p0 $0x88, s6;
	s7 =	simm.s32 @p2 $0x1082  }
0x22: {  	[simem:s7], [sflag:s8] =	dma.local @!p0 [hbm:s6], $0xF7A  }
0x23: {  	s9 =	sor.u32 $0xD0000000, s2;
	s6 =	simm.s32 $0x108;
	_ =	swait.ge @!p0 [sflag:s8], $0x0  }
0x24: {  	s3 =	sadd.s32 $0x88, s3;
	s6 =	simm.s32 @!p1 $0x1082;
	[sflag:s4] =	ssyncset.s32 $0xFFFFF086  }
0x25: {  	[simem:s6], [sflag:s4] =	dma.local [hbm:s3], $0xF7A  }
0x26: {  	[smem:$0x3F7E] =	sst s1;
	(tag) =	ssettag s2;
	_ =	strace s9  }
0x27: {  	s1 =	sld [smem:$0x3F8E]  }
0x28: {  	s2 =	sld [smem:$0x3F8F]  }
0x29: {  	s4 =	sld [smem:$0x3F91]  }
0x2a: {  	p0 =	seq.s32 s5, $0x0;
	s5 =	sld [smem:$0x3F92]  }
0x2b: {  	s6 =	sld [smem:$0x3F93]  }
0x2c: {  	s7 =	sld [smem:$0x3F94]  }
0x2d: {  	s3 =	simm.s32 $0x108;
	s8 =	sld [smem:$0x3F95]  }
0x2e: {  	s3 =	simm.s32 @!p0 $0x1082;
	s9 =	sld [smem:$0x3F96]  }
0x2f: {  	lr =	sadd.s32 s0, s3;
	s0 =	sld [smem:$0x3F8D]  }
0x30: {  	s3 =	sld [smem:$0x3F90]  }
0x31: {  	[smem:$0x3F99] =	sst s10  }
0x32: {  	s10 =	sld [smem:$0x3F97];
	_ =	sdelay $0x3  }
0x33: {  	p0 =	seq.s32 s10, $0x1;
	s10 =	sld [smem:$0x3F99];
	_ =	sdelay $0x3  }
0x34: {  	[smem:$0x3F99] =	sst s10  }
0x35: {  	s10 =	sld [smem:$0x3F98];
	_ =	sdelay $0x3  }
0x36: {  	p1 =	seq.s32 s10, $0x1;
	s10 =	sld [smem:$0x3F99];
	_ =	sdelay $0x3  }
0x37: {  	[smem:$0x3F99] =	sst s10  }
0x38: {  	s10 =	sld [smem:$0x3F9A]  }
0x39: {  	_ = 	snop;
	(pc) =	sbr.ind lr, $3  }
0x3a: {  	_ = 	snop  }
0x3b: {  	_ = 	snop  }
0x3c: {  	p2 =	seq.s32 s10, $0x1;
	s10 =	sld [smem:$0x3F99]  }
0x3d: {  	_ =	shalt  }
0x3e: {  	_ =	shalt  }
0x3f: {  	_ =	shalt  }
0x40: {  	_ =	shalt  }
0x41: {  	_ =	shalt  }
0x42: {  	_ =	shalt  }
0x43: {  	_ =	shalt  }
0x44: {  	_ =	shalt  }
0x45: {  	_ =	shalt  }
0x46: {  	_ =	shalt  }
0x47: {  	_ =	shalt  }
0x48: {  	_ =	shalt  }
0x49: {  	_ =	shalt  }
0x4a: {  	_ =	shalt  }
0x4b: {  	_ =	shalt  }
0x4c: {  	_ =	shalt  }
0x4d: {  	_ =	shalt  }
0x4e: {  	_ =	shalt  }
0x4f: {  	_ =	shalt  }
0x50: {  	_ =	shalt  }
0x51: {  	_ =	shalt  }
0x52: {  	_ =	shalt  }
0x53: {  	_ =	shalt  }
0x54: {  	_ =	shalt  }
0x55: {  	_ =	shalt  }
0x56: {  	_ =	shalt  }
0x57: {  	_ =	shalt  }
0x58: {  	_ =	shalt  }
0x59: {  	_ =	shalt  }
0x5a: {  	_ =	shalt  }
0x5b: {  	_ =	shalt  }
0x5c: {  	_ =	shalt  }
0x5d: {  	_ =	shalt  }
0x5e: {  	_ =	shalt  }
0x5f: {  	_ =	shalt  }
0x60: {  	_ =	shalt  }
0x61: {  	_ =	shalt  }
0x62: {  	_ =	shalt  }
0x63: {  	_ =	shalt  }
0x64: {  	_ =	shalt  }
0x65: {  	_ =	shalt  }
0x66: {  	_ =	shalt  }
0x67: {  	_ =	shalt  }
0x68: {  	_ =	shalt  }
0x69: {  	_ =	shalt  }
0x6a: {  	_ =	shalt  }
0x6b: {  	_ =	shalt  }
0x6c: {  	_ =	shalt  }
0x6d: {  	_ =	shalt  }
0x6e: {  	_ =	shalt  }
0x6f: {  	_ =	shalt  }
0x70: {  	_ =	shalt  }
0x71: {  	_ =	shalt  }
0x72: {  	_ =	shalt  }
0x73: {  	_ =	shalt  }
0x74: {  	_ =	shalt  }
0x75: {  	_ =	shalt  }
0x76: {  	_ =	shalt  }
0x77: {  	_ =	shalt  }
0x78: {  	_ =	shalt  }
0x79: {  	_ =	shalt  }
0x7a: {  	_ =	shalt  }
0x7b: {  	_ =	shalt  }
0x7c: {  	_ =	shalt  }
0x7d: {  	_ =	shalt  }
0x7e: {  	_ =	shalt  }
0x7f: {  	_ =	shalt  }
0x80: {  	_ =	shalt  }
0x81: {  	_ =	shalt  }
0x82: {  	_ =	shalt  }
0x83: {  	_ =	shalt  }
0x84: {  	_ =	shalt  }
0x85: {  	_ =	shalt  }
0x86: {  	_ =	shalt  }
0x87: {  	_ =	shalt  }
.Lfunc_end0:
.L_simem_size_0:
called_computation.5_lowered:
.L_overlay_start_0:
0x88: {  	s2 =	sld [smem:$0x3FD9]  }
0x89: {  	s3 =	sld [smem:$0x3FFE];
	_ =	sdelay $0x1  }
0x8a: {  	s1 =	srdreg.scid  }
0x8b: {  	s0 =	sand.u32 $0x1, s1  }
0x8c: {  	s16 =	sshll.u32 s0, $0xA;
	s2 =	sadd.s32 s3, s2  }
0x8d: {  	s2 =	sadd.s32 s2, s16  }
0x8e: {  	[smem:$0x3FA5] =	sst s2  }
0x8f: {  	_ = 	snop  }
0x90: {  	(tm) =	ssettm $0x1  }
0x91: {  	s17 =	sld [smem:$0x3FFB];
	_ =	sdelay $0x3  }
0x92: {  	_ =	strace s17  }
0x93: {  	s2 =	sld [smem:$0x3FFC];
	_ =	sdelay $0x3  }
0x94: {  	_ =	strace s2  }
0x95: {  	s2 =	sld [smem:$0x3FFD];
	_ =	sdelay $0x3  }
0x96: {  	_ =	strace s2  }
0x97: {  	_ =	strace $0x8FFFFFFF  }
0x98: {  	s18 =	sld [smem:$0x3FDB];
	_ =	sdelay $0x1  }
0x99: {  	s19 =	simm.s32 $_scs_section_size  }
0x9a: {  	s4 =	simm.s32 $_size__tile_overlayer_lowered;
	s5 =	simm.s32 $_tile_overlayer_lowered  }
0x9b: {  	s22 =	simm.s32 $0x1BFF;
	s21 =	sshll.u32 s5, $0x1;
	s2 =	sadd.s32 s19, s18  }
0x9c: {  	s6 =	simm.s32 $0x0;
	s20 =	sshll.u32 s4, $0x1;
	s4 =	sadd.s32 s21, s2  }
0x9d: {  	[timem:s6], [sflag:s22] =	dma.local [hbm:s4], s20  }
0x9e: {  	_ =	swait.ge [sflag:s22], s20  }
0x9f: {  	s3 =	ssub.s32 $0x0, s20;
	[sflag:s22] =	ssyncset.done $0x0  }
0xa0: {  	[sflag:s22] =	ssyncadd.s32 s3;
	_ =	sdelay $0x1  }
0xa1: {  	s23 =	simm.s32 $0x1B8B  }
0xa2: {  	_ =	swait.ge [sflag:s23], $0x1  }
0xa3: {  	[sflag:s23] =	ssyncset.done $0x0  }
0xa4: {  	s25 =	simm.s32 $0x1B8E;
	s24 =	sld [smem:$0x3FFE];
	[sflag:s23] =	ssyncadd.s32 $0xFFFFFFFF  }
0xa5: {  	s26 =	simm.s32 $execute0_lowered;
	[smem:$0x3FD2] =	sst s25  }
0xa6: {  	s4 =	sshll.u32 s26, $0x1;
	_ =	strace $0x80000052;
	[dreg:$0x1] =	wrdreg $0xFFFFFFFF  }
0xa7: {  	s28 =	simm.s32 $_size_execute0_lowered;
	s2 =	sadd.s32 s2, s4;
	[dreg:$0x0] =	wrdreg $0x0  }
0xa8: {  	s4 =	sshll.u32 s28, $0x1;
	[dreg:$0x2] =	wrdreg s2  }
0xa9: {  	[dreg:$0x3] =	wrdreg s4  }
0xaa: {  	[dreg:$0x4] =	wrdreg $0xC0  }
0xab: {  	_ =	task [dreg:s6], $0x5FFFF  }
0xac: {  	[dreg:$0x1] =	wrdreg $0xFFFFFFFF  }
0xad: {  	[dreg:$0x0] =	wrdreg $0x60  }
0xae: {  	[dreg:$0x2] =	wrdreg s24  }
0xaf: {  	[dreg:$0x3] =	wrdreg $0x40800  }
0xb0: {  	[dreg:$0x4] =	wrdreg $0xA  }
0xb1: {  	_ =	task.clear_ibuf [dreg:s6], $0x5FFFF;
	_ =	strace $0x90000052  }
0xb2: {  	s29 =	simm.s32 $0xA;
	_ =	strace $0x80000054  }
0xb3: {  	_ =	swait.ge [sflag:s29], $0x1  }
0xb4: {  	[sflag:s29] =	ssyncadd.s32 $0xFFFFFFFF  }
0xb5: {  	_ =	strace $0x90000054  }
0xb6: {  	_ =	sfence  }
0xb7: {  	s30 =	sld [smem:$0x0];
	_ =	sdelay $0x2  }
0xb8: {  	s31 =	sshll.u32 s1, $0xD;
	s1 =	sshrl.u32 s1, $0x2  }
0xb9: {  	s3 =	sand.u32 $0x4000, s31;
	s1 =	sadd.s32 s1, s30  }
0xba: {  	s0 =	sor.u32 s3, s0;
	s1 =	sshll.u32 s1, $0x11  }
0xbb: {  	s0 =	sor.u32 s1, s0  }
0xbc: {  	s0 =	sadd.s32 $0x8F2B, s0  }
0xbd: {  	[sflag:s0] =	ssyncadd.remote.s32 $0x1  }
0xbe: {  	_ =	sfence.sel $0xFFFF  }
0xbf: {  	[dreg:$0x0] =	wrdreg $0xFFFFFFFF;
	(pc) =	sbr.abs _section_cstart, $3  }
0xc0: {  	[dreg:$0x1] =	wrdreg $0xFFFFFFFF  }
0xc1: {  	_ =	task.clear_ibuf [dreg:s6], $0x2FFFF;
	_ =	strace $0x9FFFFFFF  }
0xc2: {  	(tm) =	ssettm $0x7FFFFFFF  }
0xc3: {  	_ =	shalt  }
tec
execute0_lowered:
.L_overlay_start_1:
0x0: {  	(tag) =	ssettag $0x1  }
0x1: {  	s5 =	rddreg [dreg:$0x0]  }
0x2: {  	s2 =	rddreg [dreg:$0x1];
	s3 =	srdreg.scid  }
0x3: {  	s0 =	rddreg [dreg:$0x2];
	s1 =	stileid.u32;
	s10 =	sand.u32 $0x1, s3  }
0x4: {  	s3 =	simm.s32 $0x0;
	s4 =	sshll.u32 s1, $0x5;
	s9 =	smul.u32 $0x14000, s1  }
0x5: {  	s7 =	sshll.u32 s1, $0xC;
	s12 =	smul.u32 $0x50000, s1;
	s26 =	sshll.u32 s1, $0x1  }
0x6: {  	s30 =	sshll.u32 s1, $0x6;
	s6 =	sshll.u32 s10, $0x4;
	[smem:$0x7FF] =	sst s3  }
0x7: {  	s24 =	smul.u32 $0x140000, s10;
	s7 =	sadd.s32 s7, s5;
	s11 =	ssub.s32 $0x2, s10  }
0x8: {  	s14 =	sshll.u32 s10, $0xB;
	s10 =	sor.u32 s10, s26;
	s6 =	sor.u32 s6, s4  }
0x9: {  	_ =	strace $0x80000053;
	s4 =	sadd.s32 $0x51BC00, s5;
	s13 =	sshrl.u32 s11, $0x1  }
0xa: {  	s25 =	sshrl.u32 s12, $0x2;
	s31 =	sadd.s32 s14, s7;
	s12 =	simm.s32 $0x1  }
0xb: {  	s8 =	sand.u32 $0x180, s6;
	s9 =	sadd.s32 s9, s24;
	s11 =	ssub.s32 s11, s13  }
0xc: {  	s28 =	sadd.s32 s25, s2;
	s29 =	sand.u32 $0x70, s6;
	s8 =	sadd.s32 s8, s5  }
0xd: {  	s9 =	sshrl.u32 s9, $0x3;
	s7 =	smax.u32 s11, $0x1;
	s11 =	sshrl.u32 s28, $0x3  }
0xe: {  	s9 =	sadd.s32 s9, s5;
	s8 =	sadd.s32 s29, s8;
	s5 =	sor.u32 $0x1C01, s30  }
0xf: {  	s6 =	sadd.s32 $0x51E400, s9;
	s8 =	sadd.s32 $0xDA00, s8;
	s9 =	sadd.s32 $0x39C00, s31  }
.LBB2_1:
0x10: {  	[spmem:s11], [sflag:s5] =	dma.local [hbm:s4], $0x2800  }
0x11: {  	s13 =	sadd.s32 $0x0, s10;
	_ =	swait.ge [sflag:s12], $0x2800  }
0x12: {  	p0 =	sgt.u32 s13, $0x4E1;
	[sflag:s12] =	ssyncset.done $0x0  }
0x13: {  	s13 =	simm.s32 @!p0 $0x0;
	[sflag:s12] =	ssyncadd.s32 $0xFFFFD800  }
0x14: {  	s15 =	simm.s32 @!p0 $0x4000;
	s16 =	simm.s32 @!p0 $0x2;
	[bflag:$0x0] =	sbarrier.arrive $0xFFFF  }
0x15: {  	[tilespmem:s15], [sflag:$0x2] =	stream.linear.gather @!p0 [hbm4b:s8+s13], $0x80, $0x38;
	[tilespmem:$0x18080] =	vst v63  }
0x16: {  	_ =	swait.ge @!p0 [sflag:s16], $0x80;
	p0 =	por p0, p0  }
0x17: {  	[sflag:s16] =	ssyncset.done @!p0 $0x0  }
0x18: {  	[sflag:s16] =	ssyncadd.s32 @!p0 $0xFFFFFF80  }
0x19: {  	[tilespmem:s13], [sflag:$0x2] =	stream.linear.gather @!p0 [hbm4b:s9+s13], $0x4000, $0x38;
	[tilespmem:$0x18080] =	vst v63  }
0x1a: {  	_ =	swait.ge @!p0 [sflag:s16], $0x4000  }
0x1b: {  	[sflag:s16] =	ssyncset.done @!p0 $0x0  }
0x1c: {  	s31 =	sadd.s32 $0x20, s10;
	[sflag:s16] =	ssyncadd.s32 @!p0 $0xFFFFC000;
	s16 =	simm.s32 @!p0 $0x80  }
0x1d: {  	[spmem:s2] =	stream.indirect.scatter.add.f32 @!p0 [tilespmem:s13], [sflag:$0x1], $0x80, s15, s16, $0xb8;
	[tilespmem:$0x18080] =	vst v63  }
0x1e: {  	s14 =	simm.s32 $0x40;
	p1 =	sgt.u32 s31, $0x4E1;
	s16 =	simm.s32 @!p0 $0x1  }
0x1f: {  	s13 =	sadd.s32 $0x10000, s9;
	s15 =	sadd.s32 $0x200, s8;
	_ =	swait.ge @!p0 [sflag:s16], $0x4000  }
.LBB2_2:
0x20: {  	s17 =	simm.s32 @!p1 $0x0  }
0x21: {  	s18 =	simm.s32 @!p1 $0x4000;
	[sflag:s16] =	ssyncset.done @!p0 $0x0;
	s19 =	smov.u32 s14  }
0x22: {  	s14 =	sadd.s32 $0x20, s14;
	s20 =	simm.s32 @!p1 $0x2;
	[sflag:s16] =	ssyncadd.s32 @!p0 $0xFFFFC000  }
0x23: {  	[tilespmem:s18], [sflag:$0x2] =	stream.linear.gather @!p1 [hbm4b:s15+s17], $0x80, $0x38;
	[tilespmem:$0x18080] =	vst v63  }
0x24: {  	p2 =	sne.s32 s14, $0x500;
	p0 =	por p1, p1;
	_ =	swait.ge @!p1 [sflag:s20], $0x80  }
0x25: {  	[sflag:s20] =	ssyncset.done @!p0 $0x0  }
0x26: {  	[sflag:s20] =	ssyncadd.s32 @!p0 $0xFFFFFF80  }
0x27: {  	[tilespmem:s17], [sflag:$0x2] =	stream.linear.gather @!p0 [hbm4b:s13+s17], $0x4000, $0x38;
	[tilespmem:$0x18080] =	vst v63  }
.Ltmp0:
0x28: {  	_ =	swait.ge @!p0 [sflag:s20], $0x4000;
	(pc) =	sbr.rel @p2 .LBB2_2-.Ltmp0, $4  }
0x29: {  	s16 =	simm.s32 @!p0 $0x1;
	s13 =	sadd.s32 $0x10000, s13;
	[sflag:s20] =	ssyncset.done @!p0 $0x0  }
0x2a: {  	s19 =	sadd.s32 s19, s10;
	[sflag:s20] =	ssyncadd.s32 @!p0 $0xFFFFC000;
	s20 =	simm.s32 @!p0 $0x80  }
0x2b: {  	[spmem:s2] =	stream.indirect.scatter.add.f32 @!p0 [tilespmem:s17], [sflag:$0x1], $0x80, s18, s20, $0xb8;
	[tilespmem:$0x18080] =	vst v63  }
0x2c: {  	s15 =	sadd.s32 $0x200, s15;
	p1 =	sgt.u32 s19, $0x4E1;
	_ =	swait.ge @!p0 [sflag:s16], $0x4000  }
0x2d: {  	s14 =	simm.s32 @!p1 $0x0;
	[sflag:s16] =	ssyncset.done @!p0 $0x0  }
0x2e: {  	s17 =	simm.s32 @!p1 $0x4000;
	s18 =	simm.s32 @!p1 $0x2;
	[sflag:s16] =	ssyncadd.s32 @!p0 $0xFFFFC000  }
0x2f: {  	[tilespmem:s17], [sflag:$0x2] =	stream.linear.gather @!p1 [hbm4b:s15+s14], $0x80, $0x38;
	[tilespmem:$0x18080] =	vst v63  }
0x30: {  	p0 =	por p1, p1;
	_ =	swait.ge @!p1 [sflag:s18], $0x80  }
0x31: {  	[sflag:s18] =	ssyncset.done @!p0 $0x0  }
0x32: {  	[sflag:s18] =	ssyncadd.s32 @!p0 $0xFFFFFF80  }
0x33: {  	[tilespmem:s14], [sflag:$0x2] =	stream.linear.gather @!p0 [hbm4b:s13+s14], $0x4000, $0x38;
	[tilespmem:$0x18080] =	vst v63  }
0x34: {  	_ =	swait.ge @!p0 [sflag:s18], $0x4000  }
0x35: {  	[sflag:s18] =	ssyncset.done @!p0 $0x0  }
0x36: {  	s15 =	simm.s32 @!p0 $0x80;
	s13 =	simm.s32 @!p0 $0x1;
	[sflag:s18] =	ssyncadd.s32 @!p0 $0xFFFFC000  }
0x37: {  	[spmem:s2] =	stream.indirect.scatter.add.f32 @!p0 [tilespmem:s14], [sflag:$0x1], $0x80, s17, s15, $0xb8;
	[tilespmem:$0x18080] =	vst v63  }
0x38: {  	_ =	swait.ge @!p0 [sflag:s13], $0x4000  }
0x39: {  	s3 =	sadd.s32 $0x1, s3;
	[sflag:s13] =	ssyncset.done @!p0 $0x0  }
0x3a: {  	[sflag:s13] =	ssyncadd.s32 @!p0 $0xFFFFC000;
	p0 =	sne.s32 s3, s7  }
.Ltmp1:
0x3b: {  	[bflag:$0x0] =	sbarrier.arrive $0xFFFF;
	(pc) =	sbr.rel @p0 .LBB2_1-.Ltmp1, $4  }
0x3c: {  	[hbm:s6], [sflag:s5] =	dma.local [spmem:s11], $0x2800  }
0x3d: {  	_ =	swait.ge [sflag:s12], $0x2800  }
0x3e: {  	[sflag:s12] =	ssyncset.done $0x0  }
0x3f: {  	[sflag:s12] =	ssyncadd.s32 $0xFFFFD800  }
0x40: {  	_ =	sfence.sel $0x180000  }
0x41: {  	[bflag:$0x0] =	sbarrier.arrive $0xFFFF  }
0x42: {  	p0 =	sne.s32 s1, $0x0;
	_ =	strace $0x90000053  }
0x43: {  	s0 =	sadd.s32 @!p0 $0x100000, s0;
	[bflag:$0x2] =	sbarrier.arrive $0xFFFF  }
0x44: {  	[sflag:s0] =	ssyncadd.tile.s32 @!p0 $0x1;
	_ =	shalt  }
.Lfunc_end2:
_tile_overlayer_lowered:
.L_overlay_start_2:
0x45: {  	(tag) =	ssettag $0x2  }
0x46: {  	s0 =	rddreg [dreg:$0x0];
	s2 =	stileid.u32  }
0x47: {  	s1 =	rddreg [dreg:$0x1];
	p0 =	sne.s32 s2, $0x0  }
0x48: {  	s3 =	rddreg [dreg:$0x2];
	[bflag:$0x3] =	sbarrier.arrive $0xFFFF;
	s2 =	simm.s32 @!p0 $0x1C01  }
0x49: {  	[timem:s3], [sflag:s2] =	dma.local @!p0 [hbm:s0], s1  }
0x4a: {  	s0 =	simm.s32 @!p0 $0x1  }
0x4b: {  	_ =	swait.ge @!p0 [sflag:s0], s1  }
0x4c: {  	s1 =	ssub.s32 @!p0 $0x0, s1;
	[sflag:s0] =	ssyncset.done @!p0 $0x0  }
0x4d: {  	[sflag:s0] =	ssyncadd.s32 @!p0 s1  }
0x4e: {  	[bflag:$0x3] =	sbarrier.arrive $0xFFFF  }
0x4f: {  	_ =	shalt  }

</sc_bundles>
